<compile_context>
chip_gen: v7x
topology: tpu7x:2x2x1
jax: 0.10.2.dev20260603
libtpu: 0.0.44.dev20260713+nightly
codegen_flags: <defaults>
</compile_context>

<pallas_src>
import functools

import numpy as np
import jax
import jax.numpy as jnp
from jax import lax
from jax.experimental import pallas as pl
from jax.experimental.pallas import tpu as pltpu
from jax.experimental.pallas import tpu_sc as plsc

D_MODEL = 128
MAX_LEN = 200
BATCH = 4096
N = BATCH * MAX_LEN
NUM_CORES = 2
NUM_SUBCORES = 16
NW = NUM_CORES * NUM_SUBCORES
RPW = N // NW
CH = MAX_LEN
NCH = RPW // CH
NBUF = 3
MAIN = (NCH // NBUF) * NBUF


def _pe_table():
    even = np.arange(0, D_MODEL, 2, dtype=np.float32)
    inv = np.reciprocal(
        np.power(np.float32(10000.0), even / np.float32(D_MODEL))
    ).astype(np.float32)
    pos = np.arange(MAX_LEN, dtype=np.float32).reshape(MAX_LEN, 1)
    ang = (pos * inv.reshape(1, D_MODEL // 2)).astype(np.float32)
    pe = np.empty((MAX_LEN, D_MODEL), dtype=np.float32)
    pe[:, 0::2] = np.sin(ang)
    pe[:, 1::2] = np.cos(ang)
    return jnp.asarray(pe)


_mesh = plsc.VectorSubcoreMesh(core_axis_name="c", subcore_axis_name="s")


@functools.partial(
    pl.kernel,
    mesh=_mesh,
    out_type=jax.ShapeDtypeStruct((N, D_MODEL), jnp.float32),
    scratch_types=[
        pltpu.VMEM((RPW,), jnp.int32),
        pltpu.VMEM((NBUF, CH, D_MODEL), jnp.float32),
        pltpu.VMEM((MAX_LEN, D_MODEL), jnp.float32),
        pltpu.SemaphoreType.DMA,
        pltpu.SemaphoreType.DMA,
        pltpu.SemaphoreType.DMA,
        pltpu.SemaphoreType.DMA,
        pltpu.SemaphoreType.DMA,
        pltpu.SemaphoreType.DMA,
        pltpu.SemaphoreType.DMA,
    ],
)
def _emb_kernel(tokens_hbm, table_hbm, pe_hbm, out_hbm, idx_v, rows_v, pe_v,
                psem, g0, g1, g2, s0, s1, s2):
    wid = lax.axis_index("s") * NUM_CORES + lax.axis_index("c")
    wbase = wid * RPW

    pe_copy = pltpu.make_async_copy(pe_hbm, pe_v, psem)
    pe_copy.start()
    pltpu.sync_copy(tokens_hbm.at[pl.ds(wbase, RPW)], idx_v)

    gsems = (g0, g1, g2)
    ssems = (s0, s1, s2)

    def gather(c, b):
        return pltpu.make_async_copy(
            table_hbm.at[idx_v.at[pl.ds(c * CH, CH)]], rows_v.at[b], gsems[b])

    def store_start(c, b):
        pltpu.async_copy(
            rows_v.at[b], out_hbm.at[pl.ds(wbase + c * CH, CH)], ssems[b])

    def store_wait(c, b):
        pltpu.make_async_copy(
            rows_v.at[b], out_hbm.at[pl.ds(wbase + c * CH, CH)],
            ssems[b]).wait()

    def step(c, b, last):
        bn = (b + 1) % NBUF

        @pl.when(c >= 2)
        def _():
            store_wait(c - 2, bn)

        if last:
            @pl.when(c + 1 < NCH)
            def _():
                gather(c + 1, bn).start()
        else:
            gather(c + 1, bn).start()

        gather(c, b).wait()

        def add_pe(r4, rcarry):
            for u in range(4):
                r = r4 * 4 + u
                for g in range(D_MODEL // 16):
                    s = pl.ds(g * 16, 16)
                    plsc.addupdate(rows_v.at[b, r, s], pe_v[r, s])
            return rcarry

        lax.fori_loop(0, CH // 4, add_pe, 0)
        store_start(c, b)

    gather(0, 0).start()
    pe_copy.wait()

    def body(c3, carry):
        for b in range(NBUF):
            step(c3 * NBUF + b, b, last=False)
        return carry

    lax.fori_loop(0, MAIN // NBUF, body, 0)
    for c in range(MAIN, NCH):
        step(c, c % NBUF, last=(c == NCH - 1))
    store_wait(NCH - 2, (NCH - 2) % NBUF)
    store_wait(NCH - 1, (NCH - 1) % NBUF)


def kernel(tokens, emb_table):
    pe = _pe_table()
    out = _emb_kernel(tokens.reshape(N), emb_table, pe)
    return out.reshape(BATCH, MAX_LEN, D_MODEL)

# --- scband reference (transcript-rebuilt; emitter-appended) ---
"""Pipeline reference for scband-sentence-embedding-70866960384271 (READ-ONLY COPY).

The authoritative reference and input builder live on the scoring server;
editing this copy changes nothing except your own understanding.
"""

import jax, jax.numpy as jnp
import numpy as np

VOCAB = 100000
D_MODEL = 128
MAX_LEN = 200
BATCH = 4096


def positional_encoding(d_model, max_len):
    even_i = jnp.arange(0, d_model, 2).astype(jnp.float32)
    denominator = jnp.power(10000.0, even_i / d_model).reshape(1, d_model // 2)
    denominator = jnp.reciprocal(denominator)
    position = jnp.arange(max_len, dtype=jnp.float32).reshape(max_len, 1)
    angle_values = jnp.matmul(position, denominator)
    even_PE = jnp.sin(angle_values)
    odd_PE = jnp.cos(angle_values)
    stacked = jnp.stack([even_PE, odd_PE], axis=-1)
    PE = jnp.reshape(stacked, (max_len, d_model))
    return PE


def setup_inputs(seed: int = 0) -> dict:
    key = jax.random.key(seed)
    k1, k2 = jax.random.split(key)
    tokens = jax.random.randint(k1, (BATCH, MAX_LEN), 0, VOCAB, dtype=jnp.int32)
    emb_table = jax.random.normal(k2, (VOCAB, D_MODEL), dtype=jnp.float32) * 0.02
    return {"tokens": tokens, "emb_table": emb_table}


def reference(tokens, emb_table):
    # Embedding lookup (the batch_tokenize string pipeline is replaced by
    # pre-tokenized integer indices; dropout is identity in eval mode).
    x = jnp.take(emb_table, tokens, axis=0)  # [B, L, D]
    pe = positional_encoding(D_MODEL, MAX_LEN)  # [L, D]
    x = x + pe
    return x

if __name__ == "__main__":
    import jax
    _d = setup_inputs()
    print(jax.jit(kernel)(*tuple(_d.values())))

</pallas_src>

<mosaic_0001>
#map = affine_map<(d0, d1) -> (0)>
#map1 = affine_map<(d0, d1) -> (0, 0)>
module attributes {stable_mosaic.version = 14 : i64} {
  func.func @_emb_kernel(%arg0: i32, %arg1: i32, %arg2: memref<819200xi32, #tpu.memory_space<hbm>>, %arg3: memref<100000x128xf32, #tpu.memory_space<hbm>>, %arg4: memref<200x128xf32, #tpu.memory_space<hbm>>, %arg5: memref<819200x128xf32, #tpu.memory_space<hbm>>, %arg6: memref<25600xi32, #tpu.memory_space<vmem>>, %arg7: memref<3x200x128xf32, #tpu.memory_space<vmem>>, %arg8: memref<200x128xf32, #tpu.memory_space<vmem>>, %arg9: memref<!tpu.dma_semaphore, #tpu.memory_space<semaphore_mem>>, %arg10: memref<!tpu.dma_semaphore, #tpu.memory_space<semaphore_mem>>, %arg11: memref<!tpu.dma_semaphore, #tpu.memory_space<semaphore_mem>>, %arg12: memref<!tpu.dma_semaphore, #tpu.memory_space<semaphore_mem>>, %arg13: memref<!tpu.dma_semaphore, #tpu.memory_space<semaphore_mem>>, %arg14: memref<!tpu.dma_semaphore, #tpu.memory_space<semaphore_mem>>, %arg15: memref<!tpu.dma_semaphore, #tpu.memory_space<semaphore_mem>>) attributes {dimension_semantics = [#tpu.dimension_semantics<core_parallel>, #tpu.dimension_semantics<subcore_parallel>], iteration_bounds = array<i64: 2, 16>, scalar_prefetch = 0 : i64, scratch_operands = 10 : i64, tpu.core_type = #tpu.core_type<sc_vector_subcore>, window_params = [{transform_indices = #map}, {transform_indices = #map1}, {transform_indices = #map1}, {transform_indices = #map1}]} {
    %mul3A = arith.constant 2 : i32
    %mul3A_0 = arith.muli %arg1, %mul3A : i32
    %add3A = arith.addi %mul3A_0, %arg0 : i32
    %mul3A_1 = arith.constant 25600 : i32
    %mul3A_2 = arith.muli %add3A, %mul3A_1 : i32
    tpu.enqueue_dma source(%arg4 : memref<200x128xf32, #tpu.memory_space<hbm>>) target(%arg8 : memref<200x128xf32, #tpu.memory_space<vmem>>) target_semaphore(%arg9 : memref<!tpu.dma_semaphore, #tpu.memory_space<semaphore_mem>>)
    "tpu.region"() ({
      %run_scoped3A = tpu.sem_alloc : memref<!tpu.dma_semaphore, #tpu.memory_space<semaphore_mem>>
      %dma_start3A_148 = tpu.memref_slice %arg2[%mul3A_2] : memref<819200xi32, #tpu.memory_space<hbm>> -> memref<25600xi32, #tpu.memory_space<hbm>>
      %dma_start3A_149 = tpu.memref_slice %arg2[%mul3A_2] : memref<819200xi32, #tpu.memory_space<hbm>> -> memref<25600xi32, #tpu.memory_space<hbm>>
      tpu.enqueue_dma source(%dma_start3A_149 : memref<25600xi32, #tpu.memory_space<hbm>>) target(%arg6 : memref<25600xi32, #tpu.memory_space<vmem>>) target_semaphore(%run_scoped3A : memref<!tpu.dma_semaphore, #tpu.memory_space<semaphore_mem>>)
      %dma_wait3A_150 = tpu.memref_slice %arg2[%mul3A_2] : memref<819200xi32, #tpu.memory_space<hbm>> -> memref<25600xi32, #tpu.memory_space<hbm>>
      %dma_wait3A_151 = tpu.memref_slice %arg2[%mul3A_2] : memref<819200xi32, #tpu.memory_space<hbm>> -> memref<25600xi32, #tpu.memory_space<hbm>>
      tpu.wait_dma2 semaphore(%run_scoped3A : memref<!tpu.dma_semaphore, #tpu.memory_space<semaphore_mem>>) src(%dma_wait3A_151 : memref<25600xi32, #tpu.memory_space<hbm>>) dst(%arg6 : memref<25600xi32, #tpu.memory_space<vmem>>)
      tpu.yield
    }) : () -> ()
    %dma_start3A = arith.constant 0 : i32
    %dma_start3A_3 = arith.constant 0 : i32
    %dma_start3A_4 = arith.constant 0 : i32
    %dma_start3A_5 = tpu.memref_slice %arg7[%dma_start3A, %dma_start3A_3, %dma_start3A_4] : memref<3x200x128xf32, #tpu.memory_space<vmem>> -> memref<1x200x128xf32, #tpu.memory_space<vmem>>
    %dma_start3A_6 = tpu.memref_squeeze %dma_start3A_5 : memref<1x200x128xf32, #tpu.memory_space<vmem>> -> memref<200x128xf32, #tpu.memory_space<vmem>>
    %dma_start3A_7 = arith.constant 0 : i32
    %dma_start3A_8 = tpu.memref_slice %arg6[%dma_start3A_7] : memref<25600xi32, #tpu.memory_space<vmem>> -> memref<200xi32, #tpu.memory_space<vmem>>
    %dma_start3A_9 = arith.constant 0 : i32
    %dma_start3A_10 = arith.constant 0 : i32
    %dma_start3A_11 = tpu.memref_slice %arg3[%dma_start3A_9, %dma_start3A_10] : memref<100000x128xf32, #tpu.memory_space<hbm>> -> memref<100000x128xf32, #tpu.memory_space<hbm>>
    tpu.enqueue_indirect_dma source(%dma_start3A_11 : memref<100000x128xf32, #tpu.memory_space<hbm>>) target(%dma_start3A_6 : memref<200x128xf32, #tpu.memory_space<vmem>>) offsets(%dma_start3A_8 : memref<200xi32, #tpu.memory_space<vmem>>) semaphore(%arg10 : memref<!tpu.dma_semaphore, #tpu.memory_space<semaphore_mem>>)
    tpu.wait_dma2 semaphore(%arg9 : memref<!tpu.dma_semaphore, #tpu.memory_space<semaphore_mem>>) src(%arg4 : memref<200x128xf32, #tpu.memory_space<hbm>>) dst(%arg8 : memref<200x128xf32, #tpu.memory_space<vmem>>)
    %scan3A = arith.constant 0 : i32
    %scan3A_12 = arith.constant 0 : i32
    %scan3A_13 = arith.constant 42 : i32
    %scan3A_14 = arith.addi %scan3A_12, %scan3A_13 : i32
    %scan3A_15 = arith.constant 1 : i32
    scf.for %scan3A_148 = %scan3A_12 to %scan3A_14 step %scan3A_15  : i32 {
      %mul3A_149 = arith.constant 3 : i32
      %mul3A_150 = arith.muli %scan3A_148, %mul3A_149 : i32
      %add3A_151 = arith.constant 0 : i32
      %add3A_152 = arith.addi %mul3A_150, %add3A_151 : i32
      %ge3A = arith.constant 2 : i32
      %ge3A_153 = arith.cmpi sge, %add3A_152, %ge3A : i32
      %convert_element_type3A = arith.extui %ge3A_153 : i1 to i32
      %cond3A = arith.constant 0 : i32
      %cond3A_154 = arith.cmpi ne, %convert_element_type3A, %cond3A : i32
      scf.if %cond3A_154 {
        %sub3A = arith.constant 2 : i32
        %sub3A_311 = arith.subi %add3A_152, %sub3A : i32
        %mul3A_312 = arith.constant 200 : i32
        %mul3A_313 = arith.muli %sub3A_311, %mul3A_312 : i32
        %add3A_314 = arith.addi %mul3A_2, %mul3A_313 : i32
        %dma_wait3A_315 = arith.constant 1 : i32
        %dma_wait3A_316 = arith.constant 0 : i32
        %dma_wait3A_317 = arith.constant 0 : i32
        %dma_wait3A_318 = tpu.memref_slice %arg7[%dma_wait3A_315, %dma_wait3A_316, %dma_wait3A_317] : memref<3x200x128xf32, #tpu.memory_space<vmem>> -> memref<1x200x128xf32, #tpu.memory_space<vmem>>
        %dma_wait3A_319 = tpu.memref_squeeze %dma_wait3A_318 : memref<1x200x128xf32, #tpu.memory_space<vmem>> -> memref<200x128xf32, #tpu.memory_space<vmem>>
        %dma_wait3A_320 = arith.constant 0 : i32
        %dma_wait3A_321 = tpu.memref_slice %arg5[%add3A_314, %dma_wait3A_320] : memref<819200x128xf32, #tpu.memory_space<hbm>> -> memref<200x128xf32, #tpu.memory_space<hbm>>
        %dma_wait3A_322 = arith.constant 0 : i32
        %dma_wait3A_323 = tpu.memref_slice %arg5[%add3A_314, %dma_wait3A_322] : memref<819200x128xf32, #tpu.memory_space<hbm>> -> memref<200x128xf32, #tpu.memory_space<hbm>>
        %dma_wait3A_324 = arith.constant 0 : i32
        %dma_wait3A_325 = arith.constant 0 : i32
        %dma_wait3A_326 = tpu.memref_slice %arg7[%dma_wait3A_315, %dma_wait3A_324, %dma_wait3A_325] : memref<3x200x128xf32, #tpu.memory_space<vmem>> -> memref<1x200x128xf32, #tpu.memory_space<vmem>>
        %dma_wait3A_327 = tpu.memref_squeeze %dma_wait3A_326 : memref<1x200x128xf32, #tpu.memory_space<vmem>> -> memref<200x128xf32, #tpu.memory_space<vmem>>
        tpu.wait_dma2 semaphore(%arg14 : memref<!tpu.dma_semaphore, #tpu.memory_space<semaphore_mem>>) src(%dma_wait3A_327 : memref<200x128xf32, #tpu.memory_space<vmem>>) dst(%dma_wait3A_323 : memref<200x128xf32, #tpu.memory_space<hbm>>)
      } else {
      }
      %add3A_155 = arith.constant 1 : i32
      %add3A_156 = arith.addi %add3A_152, %add3A_155 : i32
      %mul3A_157 = arith.constant 200 : i32
      %mul3A_158 = arith.muli %add3A_156, %mul3A_157 : i32
      %dma_start3A_159 = arith.constant 1 : i32
      %dma_start3A_160 = arith.constant 0 : i32
      %dma_start3A_161 = arith.constant 0 : i32
      %dma_start3A_162 = tpu.memref_slice %arg7[%dma_start3A_159, %dma_start3A_160, %dma_start3A_161] : memref<3x200x128xf32, #tpu.memory_space<vmem>> -> memref<1x200x128xf32, #tpu.memory_space<vmem>>
      %dma_start3A_163 = tpu.memref_squeeze %dma_start3A_162 : memref<1x200x128xf32, #tpu.memory_space<vmem>> -> memref<200x128xf32, #tpu.memory_space<vmem>>
      %dma_start3A_164 = tpu.memref_slice %arg6[%mul3A_158] : memref<25600xi32, #tpu.memory_space<vmem>> -> memref<200xi32, #tpu.memory_space<vmem>>
      %dma_start3A_165 = arith.constant 0 : i32
      %dma_start3A_166 = arith.constant 0 : i32
      %dma_start3A_167 = tpu.memref_slice %arg3[%dma_start3A_165, %dma_start3A_166] : memref<100000x128xf32, #tpu.memory_space<hbm>> -> memref<100000x128xf32, #tpu.memory_space<hbm>>
      tpu.enqueue_indirect_dma source(%dma_start3A_167 : memref<100000x128xf32, #tpu.memory_space<hbm>>) target(%dma_start3A_163 : memref<200x128xf32, #tpu.memory_space<vmem>>) offsets(%dma_start3A_164 : memref<200xi32, #tpu.memory_space<vmem>>) semaphore(%arg11 : memref<!tpu.dma_semaphore, #tpu.memory_space<semaphore_mem>>)
      %mul3A_168 = arith.constant 200 : i32
      %mul3A_169 = arith.muli %add3A_152, %mul3A_168 : i32
      %dma_wait3A_170 = arith.constant 0 : i32
      %dma_wait3A_171 = arith.constant 0 : i32
      %dma_wait3A_172 = arith.constant 0 : i32
      %dma_wait3A_173 = tpu.memref_slice %arg7[%dma_wait3A_170, %dma_wait3A_171, %dma_wait3A_172] : memref<3x200x128xf32, #tpu.memory_space<vmem>> -> memref<1x200x128xf32, #tpu.memory_space<vmem>>
      %dma_wait3A_174 = tpu.memref_squeeze %dma_wait3A_173 : memref<1x200x128xf32, #tpu.memory_space<vmem>> -> memref<200x128xf32, #tpu.memory_space<vmem>>
      %dma_wait3A_175 = tpu.memref_slice %arg6[%mul3A_169] : memref<25600xi32, #tpu.memory_space<vmem>> -> memref<200xi32, #tpu.memory_space<vmem>>
      %dma_wait3A_176 = arith.constant 0 : i32
      %dma_wait3A_177 = arith.constant 0 : i32
      %dma_wait3A_178 = tpu.memref_slice %arg3[%dma_wait3A_176, %dma_wait3A_177] : memref<100000x128xf32, #tpu.memory_space<hbm>> -> memref<100000x128xf32, #tpu.memory_space<hbm>>
      tpu.wait_indirect_dma semaphore(%arg10 : memref<!tpu.dma_semaphore, #tpu.memory_space<semaphore_mem>>) src(%dma_wait3A_178 : memref<100000x128xf32, #tpu.memory_space<hbm>>) dst(%dma_wait3A_174 : memref<200x128xf32, #tpu.memory_space<vmem>>)
      %scan3A_179 = arith.constant 0 : i32
      %scan3A_180 = arith.constant 0 : i32
      %scan3A_181 = arith.constant 50 : i32
      %scan3A_182 = arith.addi %scan3A_180, %scan3A_181 : i32
      %scan3A_183 = arith.constant 1 : i32
      scf.for %scan3A_311 = %scan3A_180 to %scan3A_182 step %scan3A_183  : i32 {
        %mul3A_312 = arith.constant 4 : i32
        %mul3A_313 = arith.muli %scan3A_311, %mul3A_312 : i32
        %add3A_314 = arith.constant 0 : i32
        %add3A_315 = arith.addi %mul3A_313, %add3A_314 : i32
        %get3A = arith.index_cast %add3A_315 : i32 to index
        %get3A_316 = arith.constant 0 : index
        %get3A_317 = tpu.vector_load %arg8[%get3A, %get3A_316] {strides = array<i32>} : memref<200x128xf32, #tpu.memory_space<vmem>>, vector<1x16xf32>,
        %get3A_318 = vector.shape_cast %get3A_317 : vector<1x16xf32> to vector<16xf32>
        %swap3A = arith.constant 0 : i32
        %swap3A_319 = arith.index_cast %swap3A : i32 to index
        %swap3A_320 = arith.index_cast %add3A_315 : i32 to index
        %swap3A_321 = arith.constant 0 : index
        %swap3A_322 = tpu.vector_load %arg7[%swap3A_319, %swap3A_320, %swap3A_321] {strides = array<i32>} : memref<3x200x128xf32, #tpu.memory_space<vmem>>, vector<1x1x16xf32>,
        %swap3A_323 = vector.shape_cast %swap3A_322 : vector<1x1x16xf32> to vector<16xf32>
        %swap3A_324 = vector.shape_cast %get3A_318 : vector<16xf32> to vector<1x1x16xf32>
        tpu.vector_store %arg7[%swap3A_319, %swap3A_320, %swap3A_321], %swap3A_324 {add = true, strides = array<i32>} : memref<3x200x128xf32, #tpu.memory_space<vmem>>, vector<1x1x16xf32>,
        %get3A_325 = arith.index_cast %add3A_315 : i32 to index
        %get3A_326 = arith.constant 16 : index
        %get3A_327 = tpu.vector_load %arg8[%get3A_325, %get3A_326] {strides = array<i32>} : memref<200x128xf32, #tpu.memory_space<vmem>>, vector<1x16xf32>,
        %get3A_328 = vector.shape_cast %get3A_327 : vector<1x16xf32> to vector<16xf32>
        %swap3A_329 = arith.constant 0 : i32
        %swap3A_330 = arith.index_cast %swap3A_329 : i32 to index
        %swap3A_331 = arith.index_cast %add3A_315 : i32 to index
        %swap3A_332 = arith.constant 16 : index
        %swap3A_333 = tpu.vector_load %arg7[%swap3A_330, %swap3A_331, %swap3A_332] {strides = array<i32>} : memref<3x200x128xf32, #tpu.memory_space<vmem>>, vector<1x1x16xf32>,
        %swap3A_334 = vector.shape_cast %swap3A_333 : vector<1x1x16xf32> to vector<16xf32>
        %swap3A_335 = vector.shape_cast %get3A_328 : vector<16xf32> to vector<1x1x16xf32>
        tpu.vector_store %arg7[%swap3A_330, %swap3A_331, %swap3A_332], %swap3A_335 {add = true, strides = array<i32>} : memref<3x200x128xf32, #tpu.memory_space<vmem>>, vector<1x1x16xf32>,
        %get3A_336 = arith.index_cast %add3A_315 : i32 to index
        %get3A_337 = arith.constant 32 : index
        %get3A_338 = tpu.vector_load %arg8[%get3A_336, %get3A_337] {strides = array<i32>} : memref<200x128xf32, #tpu.memory_space<vmem>>, vector<1x16xf32>,
        %get3A_339 = vector.shape_cast %get3A_338 : vector<1x16xf32> to vector<16xf32>
        %swap3A_340 = arith.constant 0 : i32
        %swap3A_341 = arith.index_cast %swap3A_340 : i32 to index
        %swap3A_342 = arith.index_cast %add3A_315 : i32 to index
        %swap3A_343 = arith.constant 32 : index
        %swap3A_344 = tpu.vector_load %arg7[%swap3A_341, %swap3A_342, %swap3A_343] {strides = array<i32>} : memref<3x200x128xf32, #tpu.memory_space<vmem>>, vector<1x1x16xf32>,
        %swap3A_345 = vector.shape_cast %swap3A_344 : vector<1x1x16xf32> to vector<16xf32>
        %swap3A_346 = vector.shape_cast %get3A_339 : vector<16xf32> to vector<1x1x16xf32>
        tpu.vector_store %arg7[%swap3A_341, %swap3A_342, %swap3A_343], %swap3A_346 {add = true, strides = array<i32>} : memref<3x200x128xf32, #tpu.memory_space<vmem>>, vector<1x1x16xf32>,
        %get3A_347 = arith.index_cast %add3A_315 : i32 to index
        %get3A_348 = arith.constant 48 : index
        %get3A_349 = tpu.vector_load %arg8[%get3A_347, %get3A_348] {strides = array<i32>} : memref<200x128xf32, #tpu.memory_space<vmem>>, vector<1x16xf32>,
        %get3A_350 = vector.shape_cast %get3A_349 : vector<1x16xf32> to vector<16xf32>
        %swap3A_351 = arith.constant 0 : i32
        %swap3A_352 = arith.index_cast %swap3A_351 : i32 to index
        %swap3A_353 = arith.index_cast %add3A_315 : i32 to index
        %swap3A_354 = arith.constant 48 : index
        %swap3A_355 = tpu.vector_load %arg7[%swap3A_352, %swap3A_353, %swap3A_354] {strides = array<i32>} : memref<3x200x128xf32, #tpu.memory_space<vmem>>, vector<1x1x16xf32>,
        %swap3A_356 = vector.shape_cast %swap3A_355 : vector<1x1x16xf32> to vector<16xf32>
        %swap3A_357 = vector.shape_cast %get3A_350 : vector<16xf32> to vector<1x1x16xf32>
        tpu.vector_store %arg7[%swap3A_352, %swap3A_353, %swap3A_354], %swap3A_357 {add = true, strides = array<i32>} : memref<3x200x128xf32, #tpu.memory_space<vmem>>, vector<1x1x16xf32>,
        %get3A_358 = arith.index_cast %add3A_315 : i32 to index
        %get3A_359 = arith.constant 64 : index
        %get3A_360 = tpu.vector_load %arg8[%get3A_358, %get3A_359] {strides = array<i32>} : memref<200x128xf32, #tpu.memory_space<vmem>>, vector<1x16xf32>,
        %get3A_361 = vector.shape_cast %get3A_360 : vector<1x16xf32> to vector<16xf32>
        %swap3A_362 = arith.constant 0 : i32
        %swap3A_363 = arith.index_cast %swap3A_362 : i32 to index
        %swap3A_364 = arith.index_cast %add3A_315 : i32 to index
        %swap3A_365 = arith.constant 64 : index
        %swap3A_366 = tpu.vector_load %arg7[%swap3A_363, %swap3A_364, %swap3A_365] {strides = array<i32>} : memref<3x200x128xf32, #tpu.memory_space<vmem>>, vector<1x1x16xf32>,
        %swap3A_367 = vector.shape_cast %swap3A_366 : vector<1x1x16xf32> to vector<16xf32>
        %swap3A_368 = vector.shape_cast %get3A_361 : vector<16xf32> to vector<1x1x16xf32>
        tpu.vector_store %arg7[%swap3A_363, %swap3A_364, %swap3A_365], %swap3A_368 {add = true, strides = array<i32>} : memref<3x200x128xf32, #tpu.memory_space<vmem>>, vector<1x1x16xf32>,
        %get3A_369 = arith.index_cast %add3A_315 : i32 to index
        %get3A_370 = arith.constant 80 : index
        %get3A_371 = tpu.vector_load %arg8[%get3A_369, %get3A_370] {strides = array<i32>} : memref<200x128xf32, #tpu.memory_space<vmem>>, vector<1x16xf32>,
        %get3A_372 = vector.shape_cast %get3A_371 : vector<1x16xf32> to vector<16xf32>
        %swap3A_373 = arith.constant 0 : i32
        %swap3A_374 = arith.index_cast %swap3A_373 : i32 to index
        %swap3A_375 = arith.index_cast %add3A_315 : i32 to index
        %swap3A_376 = arith.constant 80 : index
        %swap3A_377 = tpu.vector_load %arg7[%swap3A_374, %swap3A_375, %swap3A_376] {strides = array<i32>} : memref<3x200x128xf32, #tpu.memory_space<vmem>>, vector<1x1x16xf32>,
        %swap3A_378 = vector.shape_cast %swap3A_377 : vector<1x1x16xf32> to vector<16xf32>
        %swap3A_379 = vector.shape_cast %get3A_372 : vector<16xf32> to vector<1x1x16xf32>
        tpu.vector_store %arg7[%swap3A_374, %swap3A_375, %swap3A_376], %swap3A_379 {add = true, strides = array<i32>} : memref<3x200x128xf32, #tpu.memory_space<vmem>>, vector<1x1x16xf32>,
        %get3A_380 = arith.index_cast %add3A_315 : i32 to index
        %get3A_381 = arith.constant 96 : index
        %get3A_382 = tpu.vector_load %arg8[%get3A_380, %get3A_381] {strides = array<i32>} : memref<200x128xf32, #tpu.memory_space<vmem>>, vector<1x16xf32>,
        %get3A_383 = vector.shape_cast %get3A_382 : vector<1x16xf32> to vector<16xf32>
        %swap3A_384 = arith.constant 0 : i32
        %swap3A_385 = arith.index_cast %swap3A_384 : i32 to index
        %swap3A_386 = arith.index_cast %add3A_315 : i32 to index
        %swap3A_387 = arith.constant 96 : index
        %swap3A_388 = tpu.vector_load %arg7[%swap3A_385, %swap3A_386, %swap3A_387] {strides = array<i32>} : memref<3x200x128xf32, #tpu.memory_space<vmem>>, vector<1x1x16xf32>,
        %swap3A_389 = vector.shape_cast %swap3A_388 : vector<1x1x16xf32> to vector<16xf32>
        %swap3A_390 = vector.shape_cast %get3A_383 : vector<16xf32> to vector<1x1x16xf32>
        tpu.vector_store %arg7[%swap3A_385, %swap3A_386, %swap3A_387], %swap3A_390 {add = true, strides = array<i32>} : memref<3x200x128xf32, #tpu.memory_space<vmem>>, vector<1x1x16xf32>,
        %get3A_391 = arith.index_cast %add3A_315 : i32 to index
        %get3A_392 = arith.constant 112 : index
        %get3A_393 = tpu.vector_load %arg8[%get3A_391, %get3A_392] {strides = array<i32>} : memref<200x128xf32, #tpu.memory_space<vmem>>, vector<1x16xf32>,
        %get3A_394 = vector.shape_cast %get3A_393 : vector<1x16xf32> to vector<16xf32>
        %swap3A_395 = arith.constant 0 : i32
        %swap3A_396 = arith.index_cast %swap3A_395 : i32 to index
        %swap3A_397 = arith.index_cast %add3A_315 : i32 to index
        %swap3A_398 = arith.constant 112 : index
        %swap3A_399 = tpu.vector_load %arg7[%swap3A_396, %swap3A_397, %swap3A_398] {strides = array<i32>} : memref<3x200x128xf32, #tpu.memory_space<vmem>>, vector<1x1x16xf32>,
        %swap3A_400 = vector.shape_cast %swap3A_399 : vector<1x1x16xf32> to vector<16xf32>
        %swap3A_401 = vector.shape_cast %get3A_394 : vector<16xf32> to vector<1x1x16xf32>
        tpu.vector_store %arg7[%swap3A_396, %swap3A_397, %swap3A_398], %swap3A_401 {add = true, strides = array<i32>} : memref<3x200x128xf32, #tpu.memory_space<vmem>>, vector<1x1x16xf32>,
        %mul3A_402 = arith.constant 4 : i32
        %mul3A_403 = arith.muli %scan3A_311, %mul3A_402 : i32
        %add3A_404 = arith.constant 1 : i32
        %add3A_405 = arith.addi %mul3A_403, %add3A_404 : i32
        %get3A_406 = arith.index_cast %add3A_405 : i32 to index
        %get3A_407 = arith.constant 0 : index
        %get3A_408 = tpu.vector_load %arg8[%get3A_406, %get3A_407] {strides = array<i32>} : memref<200x128xf32, #tpu.memory_space<vmem>>, vector<1x16xf32>,
        %get3A_409 = vector.shape_cast %get3A_408 : vector<1x16xf32> to vector<16xf32>
        %swap3A_410 = arith.constant 0 : i32
        %swap3A_411 = arith.index_cast %swap3A_410 : i32 to index
        %swap3A_412 = arith.index_cast %add3A_405 : i32 to index
        %swap3A_413 = arith.constant 0 : index
        %swap3A_414 = tpu.vector_load %arg7[%swap3A_411, %swap3A_412, %swap3A_413] {strides = array<i32>} : memref<3x200x128xf32, #tpu.memory_space<vmem>>, vector<1x1x16xf32>,
        %swap3A_415 = vector.shape_cast %swap3A_414 : vector<1x1x16xf32> to vector<16xf32>
        %swap3A_416 = vector.shape_cast %get3A_409 : vector<16xf32> to vector<1x1x16xf32>
        tpu.vector_store %arg7[%swap3A_411, %swap3A_412, %swap3A_413], %swap3A_416 {add = true, strides = array<i32>} : memref<3x200x128xf32, #tpu.memory_space<vmem>>, vector<1x1x16xf32>,
        %get3A_417 = arith.index_cast %add3A_405 : i32 to index
        %get3A_418 = arith.constant 16 : index
        %get3A_419 = tpu.vector_load %arg8[%get3A_417, %get3A_418] {strides = array<i32>} : memref<200x128xf32, #tpu.memory_space<vmem>>, vector<1x16xf32>,
        %get3A_420 = vector.shape_cast %get3A_419 : vector<1x16xf32> to vector<16xf32>
        %swap3A_421 = arith.constant 0 : i32
        %swap3A_422 = arith.index_cast %swap3A_421 : i32 to index
        %swap3A_423 = arith.index_cast %add3A_405 : i32 to index
        %swap3A_424 = arith.constant 16 : index
        %swap3A_425 = tpu.vector_load %arg7[%swap3A_422, %swap3A_423, %swap3A_424] {strides = array<i32>} : memref<3x200x128xf32, #tpu.memory_space<vmem>>, vector<1x1x16xf32>,
        %swap3A_426 = vector.shape_cast %swap3A_425 : vector<1x1x16xf32> to vector<16xf32>
        %swap3A_427 = vector.shape_cast %get3A_420 : vector<16xf32> to vector<1x1x16xf32>
        tpu.vector_store %arg7[%swap3A_422, %swap3A_423, %swap3A_424], %swap3A_427 {add = true, strides = array<i32>} : memref<3x200x128xf32, #tpu.memory_space<vmem>>, vector<1x1x16xf32>,
        %get3A_428 = arith.index_cast %add3A_405 : i32 to index
        %get3A_429 = arith.constant 32 : index
        %get3A_430 = tpu.vector_load %arg8[%get3A_428, %get3A_429] {strides = array<i32>} : memref<200x128xf32, #tpu.memory_space<vmem>>, vector<1x16xf32>,
        %get3A_431 = vector.shape_cast %get3A_430 : vector<1x16xf32> to vector<16xf32>
        %swap3A_432 = arith.constant 0 : i32
        %swap3A_433 = arith.index_cast %swap3A_432 : i32 to index
        %swap3A_434 = arith.index_cast %add3A_405 : i32 to index
        %swap3A_435 = arith.constant 32 : index
        %swap3A_436 = tpu.vector_load %arg7[%swap3A_433, %swap3A_434, %swap3A_435] {strides = array<i32>} : memref<3x200x128xf32, #tpu.memory_space<vmem>>, vector<1x1x16xf32>,
        %swap3A_437 = vector.shape_cast %swap3A_436 : vector<1x1x16xf32> to vector<16xf32>
        %swap3A_438 = vector.shape_cast %get3A_431 : vector<16xf32> to vector<1x1x16xf32>
        tpu.vector_store %arg7[%swap3A_433, %swap3A_434, %swap3A_435], %swap3A_438 {add = true, strides = array<i32>} : memref<3x200x128xf32, #tpu.memory_space<vmem>>, vector<1x1x16xf32>,
        %get3A_439 = arith.index_cast %add3A_405 : i32 to index
        %get3A_440 = arith.constant 48 : index
        %get3A_441 = tpu.vector_load %arg8[%get3A_439, %get3A_440] {strides = array<i32>} : memref<200x128xf32, #tpu.memory_space<vmem>>, vector<1x16xf32>,
        %get3A_442 = vector.shape_cast %get3A_441 : vector<1x16xf32> to vector<16xf32>
        %swap3A_443 = arith.constant 0 : i32
        %swap3A_444 = arith.index_cast %swap3A_443 : i32 to index
        %swap3A_445 = arith.index_cast %add3A_405 : i32 to index
        %swap3A_446 = arith.constant 48 : index
        %swap3A_447 = tpu.vector_load %arg7[%swap3A_444, %swap3A_445, %swap3A_446] {strides = array<i32>} : memref<3x200x128xf32, #tpu.memory_space<vmem>>, vector<1x1x16xf32>,
        %swap3A_448 = vector.shape_cast %swap3A_447 : vector<1x1x16xf32> to vector<16xf32>
        %swap3A_449 = vector.shape_cast %get3A_442 : vector<16xf32> to vector<1x1x16xf32>
        tpu.vector_store %arg7[%swap3A_444, %swap3A_445, %swap3A_446], %swap3A_449 {add = true, strides = array<i32>} : memref<3x200x128xf32, #tpu.memory_space<vmem>>, vector<1x1x16xf32>,
        %get3A_450 = arith.index_cast %add3A_405 : i32 to index
        %get3A_451 = arith.constant 64 : index
        %get3A_452 = tpu.vector_load %arg8[%get3A_450, %get3A_451] {strides = array<i32>} : memref<200x128xf32, #tpu.memory_space<vmem>>, vector<1x16xf32>,
        %get3A_453 = vector.shape_cast %get3A_452 : vector<1x16xf32> to vector<16xf32>
        %swap3A_454 = arith.constant 0 : i32
        %swap3A_455 = arith.index_cast %swap3A_454 : i32 to index
        %swap3A_456 = arith.index_cast %add3A_405 : i32 to index
        %swap3A_457 = arith.constant 64 : index
        %swap3A_458 = tpu.vector_load %arg7[%swap3A_455, %swap3A_456, %swap3A_457] {strides = array<i32>} : memref<3x200x128xf32, #tpu.memory_space<vmem>>, vector<1x1x16xf32>,
        %swap3A_459 = vector.shape_cast %swap3A_458 : vector<1x1x16xf32> to vector<16xf32>
        %swap3A_460 = vector.shape_cast %get3A_453 : vector<16xf32> to vector<1x1x16xf32>
        tpu.vector_store %arg7[%swap3A_455, %swap3A_456, %swap3A_457], %swap3A_460 {add = true, strides = array<i32>} : memref<3x200x128xf32, #tpu.memory_space<vmem>>, vector<1x1x16xf32>,
        %get3A_461 = arith.index_cast %add3A_405 : i32 to index
        %get3A_462 = arith.constant 80 : index
        %get3A_463 = tpu.vector_load %arg8[%get3A_461, %get3A_462] {strides = array<i32>} : memref<200x128xf32, #tpu.memory_space<vmem>>, vector<1x16xf32>,
        %get3A_464 = vector.shape_cast %get3A_463 : vector<1x16xf32> to vector<16xf32>
        %swap3A_465 = arith.constant 0 : i32
        %swap3A_466 = arith.index_cast %swap3A_465 : i32 to index
        %swap3A_467 = arith.index_cast %add3A_405 : i32 to index
        %swap3A_468 = arith.constant 80 : index
        %swap3A_469 = tpu.vector_load %arg7[%swap3A_466, %swap3A_467, %swap3A_468] {strides = array<i32>} : memref<3x200x128xf32, #tpu.memory_space<vmem>>, vector<1x1x16xf32>,
        %swap3A_470 = vector.shape_cast %swap3A_469 : vector<1x1x16xf32> to vector<16xf32>
        %swap3A_471 = vector.shape_cast %get3A_464 : vector<16xf32> to vector<1x1x16xf32>
        tpu.vector_store %arg7[%swap3A_466, %swap3A_467, %swap3A_468], %swap3A_471 {add = true, strides = array<i32>} : memref<3x200x128xf32, #tpu.memory_space<vmem>>, vector<1x1x16xf32>,
        %get3A_472 = arith.index_cast %add3A_405 : i32 to index
        %get3A_473 = arith.constant 96 : index
        %get3A_474 = tpu.vector_load %arg8[%get3A_472, %get3A_473] {strides = array<i32>} : memref<200x128xf32, #tpu.memory_space<vmem>>, vector<1x16xf32>,
        %get3A_475 = vector.shape_cast %get3A_474 : vector<1x16xf32> to vector<16xf32>
        %swap3A_476 = arith.constant 0 : i32
        %swap3A_477 = arith.index_cast %swap3A_476 : i32 to index
        %swap3A_478 = arith.index_cast %add3A_405 : i32 to index
        %swap3A_479 = arith.constant 96 : index
        %swap3A_480 = tpu.vector_load %arg7[%swap3A_477, %swap3A_478, %swap3A_479] {strides = array<i32>} : memref<3x200x128xf32, #tpu.memory_space<vmem>>, vector<1x1x16xf32>,
        %swap3A_481 = vector.shape_cast %swap3A_480 : vector<1x1x16xf32> to vector<16xf32>
        %swap3A_482 = vector.shape_cast %get3A_475 : vector<16xf32> to vector<1x1x16xf32>
        tpu.vector_store %arg7[%swap3A_477, %swap3A_478, %swap3A_479], %swap3A_482 {add = true, strides = array<i32>} : memref<3x200x128xf32, #tpu.memory_space<vmem>>, vector<1x1x16xf32>,
        %get3A_483 = arith.index_cast %add3A_405 : i32 to index
        %get3A_484 = arith.constant 112 : index
        %get3A_485 = tpu.vector_load %arg8[%get3A_483, %get3A_484] {strides = array<i32>} : memref<200x128xf32, #tpu.memory_space<vmem>>, vector<1x16xf32>,
        %get3A_486 = vector.shape_cast %get3A_485 : vector<1x16xf32> to vector<16xf32>
        %swap3A_487 = arith.constant 0 : i32
        %swap3A_488 = arith.index_cast %swap3A_487 : i32 to index
        %swap3A_489 = arith.index_cast %add3A_405 : i32 to index
        %swap3A_490 = arith.constant 112 : index
        %swap3A_491 = tpu.vector_load %arg7[%swap3A_488, %swap3A_489, %swap3A_490] {strides = array<i32>} : memref<3x200x128xf32, #tpu.memory_space<vmem>>, vector<1x1x16xf32>,
        %swap3A_492 = vector.shape_cast %swap3A_491 : vector<1x1x16xf32> to vector<16xf32>
        %swap3A_493 = vector.shape_cast %get3A_486 : vector<16xf32> to vector<1x1x16xf32>
        tpu.vector_store %arg7[%swap3A_488, %swap3A_489, %swap3A_490], %swap3A_493 {add = true, strides = array<i32>} : memref<3x200x128xf32, #tpu.memory_space<vmem>>, vector<1x1x16xf32>,
        %mul3A_494 = arith.constant 4 : i32
        %mul3A_495 = arith.muli %scan3A_311, %mul3A_494 : i32
        %add3A_496 = arith.constant 2 : i32
        %add3A_497 = arith.addi %mul3A_495, %add3A_496 : i32
        %get3A_498 = arith.index_cast %add3A_497 : i32 to index
        %get3A_499 = arith.constant 0 : index
        %get3A_500 = tpu.vector_load %arg8[%get3A_498, %get3A_499] {strides = array<i32>} : memref<200x128xf32, #tpu.memory_space<vmem>>, vector<1x16xf32>,
        %get3A_501 = vector.shape_cast %get3A_500 : vector<1x16xf32> to vector<16xf32>
        %swap3A_502 = arith.constant 0 : i32
        %swap3A_503 = arith.index_cast %swap3A_502 : i32 to index
        %swap3A_504 = arith.index_cast %add3A_497 : i32 to index
        %swap3A_505 = arith.constant 0 : index
        %swap3A_506 = tpu.vector_load %arg7[%swap3A_503, %swap3A_504, %swap3A_505] {strides = array<i32>} : memref<3x200x128xf32, #tpu.memory_space<vmem>>, vector<1x1x16xf32>,
        %swap3A_507 = vector.shape_cast %swap3A_506 : vector<1x1x16xf32> to vector<16xf32>
        %swap3A_508 = vector.shape_cast %get3A_501 : vector<16xf32> to vector<1x1x16xf32>
        tpu.vector_store %arg7[%swap3A_503, %swap3A_504, %swap3A_505], %swap3A_508 {add = true, strides = array<i32>} : memref<3x200x128xf32, #tpu.memory_space<vmem>>, vector<1x1x16xf32>,
        %get3A_509 = arith.index_cast %add3A_497 : i32 to index
        %get3A_510 = arith.constant 16 : index
        %get3A_511 = tpu.vector_load %arg8[%get3A_509, %get3A_510] {strides = array<i32>} : memref<200x128xf32, #tpu.memory_space<vmem>>, vector<1x16xf32>,
        %get3A_512 = vector.shape_cast %get3A_511 : vector<1x16xf32> to vector<16xf32>
        %swap3A_513 = arith.constant 0 : i32
        %swap3A_514 = arith.index_cast %swap3A_513 : i32 to index
        %swap3A_515 = arith.index_cast %add3A_497 : i32 to index
        %swap3A_516 = arith.constant 16 : index
        %swap3A_517 = tpu.vector_load %arg7[%swap3A_514, %swap3A_515, %swap3A_516] {strides = array<i32>} : memref<3x200x128xf32, #tpu.memory_space<vmem>>, vector<1x1x16xf32>,
        %swap3A_518 = vector.shape_cast %swap3A_517 : vector<1x1x16xf32> to vector<16xf32>
        %swap3A_519 = vector.shape_cast %get3A_512 : vector<16xf32> to vector<1x1x16xf32>
        tpu.vector_store %arg7[%swap3A_514, %swap3A_515, %swap3A_516], %swap3A_519 {add = true, strides = array<i32>} : memref<3x200x128xf32, #tpu.memory_space<vmem>>, vector<1x1x16xf32>,
        %get3A_520 = arith.index_cast %add3A_497 : i32 to index
        %get3A_521 = arith.constant 32 : index
        %get3A_522 = tpu.vector_load %arg8[%get3A_520, %get3A_521] {strides = array<i32>} : memref<200x128xf32, #tpu.memory_space<vmem>>, vector<1x16xf32>,
        %get3A_523 = vector.shape_cast %get3A_522 : vector<1x16xf32> to vector<16xf32>
        %swap3A_524 = arith.constant 0 : i32
        %swap3A_525 = arith.index_cast %swap3A_524 : i32 to index
        %swap3A_526 = arith.index_cast %add3A_497 : i32 to index
        %swap3A_527 = arith.constant 32 : index
        %swap3A_528 = tpu.vector_load %arg7[%swap3A_525, %swap3A_526, %swap3A_527] {strides = array<i32>} : memref<3x200x128xf32, #tpu.memory_space<vmem>>, vector<1x1x16xf32>,
        %swap3A_529 = vector.shape_cast %swap3A_528 : vector<1x1x16xf32> to vector<16xf32>
        %swap3A_530 = vector.shape_cast %get3A_523 : vector<16xf32> to vector<1x1x16xf32>
        tpu.vector_store %arg7[%swap3A_525, %swap3A_526, %swap3A_527], %swap3A_530 {add = true, strides = array<i32>} : memref<3x200x128xf32, #tpu.memory_space<vmem>>, vector<1x1x16xf32>,
        %get3A_531 = arith.index_cast %add3A_497 : i32 to index
        %get3A_532 = arith.constant 48 : index
        %get3A_533 = tpu.vector_load %arg8[%get3A_531, %get3A_532] {strides = array<i32>} : memref<200x128xf32, #tpu.memory_space<vmem>>, vector<1x16xf32>,
        %get3A_534 = vector.shape_cast %get3A_533 : vector<1x16xf32> to vector<16xf32>
        %swap3A_535 = arith.constant 0 : i32
        %swap3A_536 = arith.index_cast %swap3A_535 : i32 to index
        %swap3A_537 = arith.index_cast %add3A_497 : i32 to index
        %swap3A_538 = arith.constant 48 : index
        %swap3A_539 = tpu.vector_load %arg7[%swap3A_536, %swap3A_537, %swap3A_538] {strides = array<i32>} : memref<3x200x128xf32, #tpu.memory_space<vmem>>, vector<1x1x16xf32>,
        %swap3A_540 = vector.shape_cast %swap3A_539 : vector<1x1x16xf32> to vector<16xf32>
        %swap3A_541 = vector.shape_cast %get3A_534 : vector<16xf32> to vector<1x1x16xf32>
        tpu.vector_store %arg7[%swap3A_536, %swap3A_537, %swap3A_538], %swap3A_541 {add = true, strides = array<i32>} : memref<3x200x128xf32, #tpu.memory_space<vmem>>, vector<1x1x16xf32>,
        %get3A_542 = arith.index_cast %add3A_497 : i32 to index
        %get3A_543 = arith.constant 64 : index
        %get3A_544 = tpu.vector_load %arg8[%get3A_542, %get3A_543] {strides = array<i32>} : memref<200x128xf32, #tpu.memory_space<vmem>>, vector<1x16xf32>,
        %get3A_545 = vector.shape_cast %get3A_544 : vector<1x16xf32> to vector<16xf32>
        %swap3A_546 = arith.constant 0 : i32
        %swap3A_547 = arith.index_cast %swap3A_546 : i32 to index
        %swap3A_548 = arith.index_cast %add3A_497 : i32 to index
        %swap3A_549 = arith.constant 64 : index
        %swap3A_550 = tpu.vector_load %arg7[%swap3A_547, %swap3A_548, %swap3A_549] {strides = array<i32>} : memref<3x200x128xf32, #tpu.memory_space<vmem>>, vector<1x1x16xf32>,
        %swap3A_551 = vector.shape_cast %swap3A_550 : vector<1x1x16xf32> to vector<16xf32>
        %swap3A_552 = vector.shape_cast %get3A_545 : vector<16xf32> to vector<1x1x16xf32>
        tpu.vector_store %arg7[%swap3A_547, %swap3A_548, %swap3A_549], %swap3A_552 {add = true, strides = array<i32>} : memref<3x200x128xf32, #tpu.memory_space<vmem>>, vector<1x1x16xf32>,
        %get3A_553 = arith.index_cast %add3A_497 : i32 to index
        %get3A_554 = arith.constant 80 : index
        %get3A_555 = tpu.vector_load %arg8[%get3A_553, %get3A_554] {strides = array<i32>} : memref<200x128xf32, #tpu.memory_space<vmem>>, vector<1x16xf32>,
        %get3A_556 = vector.shape_cast %get3A_555 : vector<1x16xf32> to vector<16xf32>
        %swap3A_557 = arith.constant 0 : i32
        %swap3A_558 = arith.index_cast %swap3A_557 : i32 to index
        %swap3A_559 = arith.index_cast %add3A_497 : i32 to index
        %swap3A_560 = arith.constant 80 : index
        %swap3A_561 = tpu.vector_load %arg7[%swap3A_558, %swap3A_559, %swap3A_560] {strides = array<i32>} : memref<3x200x128xf32, #tpu.memory_space<vmem>>, vector<1x1x16xf32>,
        %swap3A_562 = vector.shape_cast %swap3A_561 : vector<1x1x16xf32> to vector<16xf32>
        %swap3A_563 = vector.shape_cast %get3A_556 : vector<16xf32> to vector<1x1x16xf32>
        tpu.vector_store %arg7[%swap3A_558, %swap3A_559, %swap3A_560], %swap3A_563 {add = true, strides = array<i32>} : memref<3x200x128xf32, #tpu.memory_space<vmem>>, vector<1x1x16xf32>,
        %get3A_564 = arith.index_cast %add3A_497 : i32 to index
        %get3A_565 = arith.constant 96 : index
        %get3A_566 = tpu.vector_load %arg8[%get3A_564, %get3A_565] {strides = array<i32>} : memref<200x128xf32, #tpu.memory_space<vmem>>, vector<1x16xf32>,
        %get3A_567 = vector.shape_cast %get3A_566 : vector<1x16xf32> to vector<16xf32>
        %swap3A_568 = arith.constant 0 : i32
        %swap3A_569 = arith.index_cast %swap3A_568 : i32 to index
        %swap3A_570 = arith.index_cast %add3A_497 : i32 to index
        %swap3A_571 = arith.constant 96 : index
        %swap3A_572 = tpu.vector_load %arg7[%swap3A_569, %swap3A_570, %swap3A_571] {strides = array<i32>} : memref<3x200x128xf32, #tpu.memory_space<vmem>>, vector<1x1x16xf32>,
        %swap3A_573 = vector.shape_cast %swap3A_572 : vector<1x1x16xf32> to vector<16xf32>
        %swap3A_574 = vector.shape_cast %get3A_567 : vector<16xf32> to vector<1x1x16xf32>
        tpu.vector_store %arg7[%swap3A_569, %swap3A_570, %swap3A_571], %swap3A_574 {add = true, strides = array<i32>} : memref<3x200x128xf32, #tpu.memory_space<vmem>>, vector<1x1x16xf32>,
        %get3A_575 = arith.index_cast %add3A_497 : i32 to index
        %get3A_576 = arith.constant 112 : index
        %get3A_577 = tpu.vector_load %arg8[%get3A_575, %get3A_576] {strides = array<i32>} : memref<200x128xf32, #tpu.memory_space<vmem>>, vector<1x16xf32>,
        %get3A_578 = vector.shape_cast %get3A_577 : vector<1x16xf32> to vector<16xf32>
        %swap3A_579 = arith.constant 0 : i32
        %swap3A_580 = arith.index_cast %swap3A_579 : i32 to index
        %swap3A_581 = arith.index_cast %add3A_497 : i32 to index
        %swap3A_582 = arith.constant 112 : index
        %swap3A_583 = tpu.vector_load %arg7[%swap3A_580, %swap3A_581, %swap3A_582] {strides = array<i32>} : memref<3x200x128xf32, #tpu.memory_space<vmem>>, vector<1x1x16xf32>,
        %swap3A_584 = vector.shape_cast %swap3A_583 : vector<1x1x16xf32> to vector<16xf32>
        %swap3A_585 = vector.shape_cast %get3A_578 : vector<16xf32> to vector<1x1x16xf32>
        tpu.vector_store %arg7[%swap3A_580, %swap3A_581, %swap3A_582], %swap3A_585 {add = true, strides = array<i32>} : memref<3x200x128xf32, #tpu.memory_space<vmem>>, vector<1x1x16xf32>,
        %mul3A_586 = arith.constant 4 : i32
        %mul3A_587 = arith.muli %scan3A_311, %mul3A_586 : i32
        %add3A_588 = arith.constant 3 : i32
        %add3A_589 = arith.addi %mul3A_587, %add3A_588 : i32
        %get3A_590 = arith.index_cast %add3A_589 : i32 to index
        %get3A_591 = arith.constant 0 : index
        %get3A_592 = tpu.vector_load %arg8[%get3A_590, %get3A_591] {strides = array<i32>} : memref<200x128xf32, #tpu.memory_space<vmem>>, vector<1x16xf32>,
        %get3A_593 = vector.shape_cast %get3A_592 : vector<1x16xf32> to vector<16xf32>
        %swap3A_594 = arith.constant 0 : i32
        %swap3A_595 = arith.index_cast %swap3A_594 : i32 to index
        %swap3A_596 = arith.index_cast %add3A_589 : i32 to index
        %swap3A_597 = arith.constant 0 : index
        %swap3A_598 = tpu.vector_load %arg7[%swap3A_595, %swap3A_596, %swap3A_597] {strides = array<i32>} : memref<3x200x128xf32, #tpu.memory_space<vmem>>, vector<1x1x16xf32>,
        %swap3A_599 = vector.shape_cast %swap3A_598 : vector<1x1x16xf32> to vector<16xf32>
        %swap3A_600 = vector.shape_cast %get3A_593 : vector<16xf32> to vector<1x1x16xf32>
        tpu.vector_store %arg7[%swap3A_595, %swap3A_596, %swap3A_597], %swap3A_600 {add = true, strides = array<i32>} : memref<3x200x128xf32, #tpu.memory_space<vmem>>, vector<1x1x16xf32>,
        %get3A_601 = arith.index_cast %add3A_589 : i32 to index
        %get3A_602 = arith.constant 16 : index
        %get3A_603 = tpu.vector_load %arg8[%get3A_601, %get3A_602] {strides = array<i32>} : memref<200x128xf32, #tpu.memory_space<vmem>>, vector<1x16xf32>,
        %get3A_604 = vector.shape_cast %get3A_603 : vector<1x16xf32> to vector<16xf32>
        %swap3A_605 = arith.constant 0 : i32
        %swap3A_606 = arith.index_cast %swap3A_605 : i32 to index
        %swap3A_607 = arith.index_cast %add3A_589 : i32 to index
        %swap3A_608 = arith.constant 16 : index
        %swap3A_609 = tpu.vector_load %arg7[%swap3A_606, %swap3A_607, %swap3A_608] {strides = array<i32>} : memref<3x200x128xf32, #tpu.memory_space<vmem>>, vector<1x1x16xf32>,
        %swap3A_610 = vector.shape_cast %swap3A_609 : vector<1x1x16xf32> to vector<16xf32>
        %swap3A_611 = vector.shape_cast %get3A_604 : vector<16xf32> to vector<1x1x16xf32>
        tpu.vector_store %arg7[%swap3A_606, %swap3A_607, %swap3A_608], %swap3A_611 {add = true, strides = array<i32>} : memref<3x200x128xf32, #tpu.memory_space<vmem>>, vector<1x1x16xf32>,
        %get3A_612 = arith.index_cast %add3A_589 : i32 to index
        %get3A_613 = arith.constant 32 : index
        %get3A_614 = tpu.vector_load %arg8[%get3A_612, %get3A_613] {strides = array<i32>} : memref<200x128xf32, #tpu.memory_space<vmem>>, vector<1x16xf32>,
        %get3A_615 = vector.shape_cast %get3A_614 : vector<1x16xf32> to vector<16xf32>
        %swap3A_616 = arith.constant 0 : i32
        %swap3A_617 = arith.index_cast %swap3A_616 : i32 to index
        %swap3A_618 = arith.index_cast %add3A_589 : i32 to index
        %swap3A_619 = arith.constant 32 : index
        %swap3A_620 = tpu.vector_load %arg7[%swap3A_617, %swap3A_618, %swap3A_619] {strides = array<i32>} : memref<3x200x128xf32, #tpu.memory_space<vmem>>, vector<1x1x16xf32>,
        %swap3A_621 = vector.shape_cast %swap3A_620 : vector<1x1x16xf32> to vector<16xf32>
        %swap3A_622 = vector.shape_cast %get3A_615 : vector<16xf32> to vector<1x1x16xf32>
        tpu.vector_store %arg7[%swap3A_617, %swap3A_618, %swap3A_619], %swap3A_622 {add = true, strides = array<i32>} : memref<3x200x128xf32, #tpu.memory_space<vmem>>, vector<1x1x16xf32>,
        %get3A_623 = arith.index_cast %add3A_589 : i32 to index
        %get3A_624 = arith.constant 48 : index
        %get3A_625 = tpu.vector_load %arg8[%get3A_623, %get3A_624] {strides = array<i32>} : memref<200x128xf32, #tpu.memory_space<vmem>>, vector<1x16xf32>,
        %get3A_626 = vector.shape_cast %get3A_625 : vector<1x16xf32> to vector<16xf32>
        %swap3A_627 = arith.constant 0 : i32
        %swap3A_628 = arith.index_cast %swap3A_627 : i32 to index
        %swap3A_629 = arith.index_cast %add3A_589 : i32 to index
        %swap3A_630 = arith.constant 48 : index
        %swap3A_631 = tpu.vector_load %arg7[%swap3A_628, %swap3A_629, %swap3A_630] {strides = array<i32>} : memref<3x200x128xf32, #tpu.memory_space<vmem>>, vector<1x1x16xf32>,
        %swap3A_632 = vector.shape_cast %swap3A_631 : vector<1x1x16xf32> to vector<16xf32>
        %swap3A_633 = vector.shape_cast %get3A_626 : vector<16xf32> to vector<1x1x16xf32>
        tpu.vector_store %arg7[%swap3A_628, %swap3A_629, %swap3A_630], %swap3A_633 {add = true, strides = array<i32>} : memref<3x200x128xf32, #tpu.memory_space<vmem>>, vector<1x1x16xf32>,
        %get3A_634 = arith.index_cast %add3A_589 : i32 to index
        %get3A_635 = arith.constant 64 : index
        %get3A_636 = tpu.vector_load %arg8[%get3A_634, %get3A_635] {strides = array<i32>} : memref<200x128xf32, #tpu.memory_space<vmem>>, vector<1x16xf32>,
        %get3A_637 = vector.shape_cast %get3A_636 : vector<1x16xf32> to vector<16xf32>
        %swap3A_638 = arith.constant 0 : i32
        %swap3A_639 = arith.index_cast %swap3A_638 : i32 to index
        %swap3A_640 = arith.index_cast %add3A_589 : i32 to index
        %swap3A_641 = arith.constant 64 : index
        %swap3A_642 = tpu.vector_load %arg7[%swap3A_639, %swap3A_640, %swap3A_641] {strides = array<i32>} : memref<3x200x128xf32, #tpu.memory_space<vmem>>, vector<1x1x16xf32>,
        %swap3A_643 = vector.shape_cast %swap3A_642 : vector<1x1x16xf32> to vector<16xf32>
        %swap3A_644 = vector.shape_cast %get3A_637 : vector<16xf32> to vector<1x1x16xf32>
        tpu.vector_store %arg7[%swap3A_639, %swap3A_640, %swap3A_641], %swap3A_644 {add = true, strides = array<i32>} : memref<3x200x128xf32, #tpu.memory_space<vmem>>, vector<1x1x16xf32>,
        %get3A_645 = arith.index_cast %add3A_589 : i32 to index
        %get3A_646 = arith.constant 80 : index
        %get3A_647 = tpu.vector_load %arg8[%get3A_645, %get3A_646] {strides = array<i32>} : memref<200x128xf32, #tpu.memory_space<vmem>>, vector<1x16xf32>,
        %get3A_648 = vector.shape_cast %get3A_647 : vector<1x16xf32> to vector<16xf32>
        %swap3A_649 = arith.constant 0 : i32
        %swap3A_650 = arith.index_cast %swap3A_649 : i32 to index
        %swap3A_651 = arith.index_cast %add3A_589 : i32 to index
        %swap3A_652 = arith.constant 80 : index
        %swap3A_653 = tpu.vector_load %arg7[%swap3A_650, %swap3A_651, %swap3A_652] {strides = array<i32>} : memref<3x200x128xf32, #tpu.memory_space<vmem>>, vector<1x1x16xf32>,
        %swap3A_654 = vector.shape_cast %swap3A_653 : vector<1x1x16xf32> to vector<16xf32>
        %swap3A_655 = vector.shape_cast %get3A_648 : vector<16xf32> to vector<1x1x16xf32>
        tpu.vector_store %arg7[%swap3A_650, %swap3A_651, %swap3A_652], %swap3A_655 {add = true, strides = array<i32>} : memref<3x200x128xf32, #tpu.memory_space<vmem>>, vector<1x1x16xf32>,
        %get3A_656 = arith.index_cast %add3A_589 : i32 to index
        %get3A_657 = arith.constant 96 : index
        %get3A_658 = tpu.vector_load %arg8[%get3A_656, %get3A_657] {strides = array<i32>} : memref<200x128xf32, #tpu.memory_space<vmem>>, vector<1x16xf32>,
        %get3A_659 = vector.shape_cast %get3A_658 : vector<1x16xf32> to vector<16xf32>
        %swap3A_660 = arith.constant 0 : i32
        %swap3A_661 = arith.index_cast %swap3A_660 : i32 to index
        %swap3A_662 = arith.index_cast %add3A_589 : i32 to index
        %swap3A_663 = arith.constant 96 : index
        %swap3A_664 = tpu.vector_load %arg7[%swap3A_661, %swap3A_662, %swap3A_663] {strides = array<i32>} : memref<3x200x128xf32, #tpu.memory_space<vmem>>, vector<1x1x16xf32>,
        %swap3A_665 = vector.shape_cast %swap3A_664 : vector<1x1x16xf32> to vector<16xf32>
        %swap3A_666 = vector.shape_cast %get3A_659 : vector<16xf32> to vector<1x1x16xf32>
        tpu.vector_store %arg7[%swap3A_661, %swap3A_662, %swap3A_663], %swap3A_666 {add = true, strides = array<i32>} : memref<3x200x128xf32, #tpu.memory_space<vmem>>, vector<1x1x16xf32>,
        %get3A_667 = arith.index_cast %add3A_589 : i32 to index
        %get3A_668 = arith.constant 112 : index
        %get3A_669 = tpu.vector_load %arg8[%get3A_667, %get3A_668] {strides = array<i32>} : memref<200x128xf32, #tpu.memory_space<vmem>>, vector<1x16xf32>,
        %get3A_670 = vector.shape_cast %get3A_669 : vector<1x16xf32> to vector<16xf32>
        %swap3A_671 = arith.constant 0 : i32
        %swap3A_672 = arith.index_cast %swap3A_671 : i32 to index
        %swap3A_673 = arith.index_cast %add3A_589 : i32 to index
        %swap3A_674 = arith.constant 112 : index
        %swap3A_675 = tpu.vector_load %arg7[%swap3A_672, %swap3A_673, %swap3A_674] {strides = array<i32>} : memref<3x200x128xf32, #tpu.memory_space<vmem>>, vector<1x1x16xf32>,
        %swap3A_676 = vector.shape_cast %swap3A_675 : vector<1x1x16xf32> to vector<16xf32>
        %swap3A_677 = vector.shape_cast %get3A_670 : vector<16xf32> to vector<1x1x16xf32>
        tpu.vector_store %arg7[%swap3A_672, %swap3A_673, %swap3A_674], %swap3A_677 {add = true, strides = array<i32>} : memref<3x200x128xf32, #tpu.memory_space<vmem>>, vector<1x1x16xf32>,
      }
      %scan3A_184 = arith.constant 50 : i32
      %mul3A_185 = arith.constant 200 : i32
      %mul3A_186 = arith.muli %add3A_152, %mul3A_185 : i32
      %add3A_187 = arith.addi %mul3A_2, %mul3A_186 : i32
      %dma_start3A_188 = arith.constant 0 : i32
      %dma_start3A_189 = arith.constant 0 : i32
      %dma_start3A_190 = arith.constant 0 : i32
      %dma_start3A_191 = tpu.memref_slice %arg7[%dma_start3A_188, %dma_start3A_189, %dma_start3A_190] : memref<3x200x128xf32, #tpu.memory_space<vmem>> -> memref<1x200x128xf32, #tpu.memory_space<vmem>>
      %dma_start3A_192 = tpu.memref_squeeze %dma_start3A_191 : memref<1x200x128xf32, #tpu.memory_space<vmem>> -> memref<200x128xf32, #tpu.memory_space<vmem>>
      %dma_start3A_193 = arith.constant 0 : i32
      %dma_start3A_194 = tpu.memref_slice %arg5[%add3A_187, %dma_start3A_193] : memref<819200x128xf32, #tpu.memory_space<hbm>> -> memref<200x128xf32, #tpu.memory_space<hbm>>
      %dma_start3A_195 = arith.constant 0 : i32
      %dma_start3A_196 = tpu.memref_slice %arg5[%add3A_187, %dma_start3A_195] : memref<819200x128xf32, #tpu.memory_space<hbm>> -> memref<200x128xf32, #tpu.memory_space<hbm>>
      %dma_start3A_197 = arith.constant 0 : i32
      %dma_start3A_198 = arith.constant 0 : i32
      %dma_start3A_199 = tpu.memref_slice %arg7[%dma_start3A_188, %dma_start3A_197, %dma_start3A_198] : memref<3x200x128xf32, #tpu.memory_space<vmem>> -> memref<1x200x128xf32, #tpu.memory_space<vmem>>
      %dma_start3A_200 = tpu.memref_squeeze %dma_start3A_199 : memref<1x200x128xf32, #tpu.memory_space<vmem>> -> memref<200x128xf32, #tpu.memory_space<vmem>>
      tpu.enqueue_dma source(%dma_start3A_200 : memref<200x128xf32, #tpu.memory_space<vmem>>) target(%dma_start3A_196 : memref<200x128xf32, #tpu.memory_space<hbm>>) target_semaphore(%arg13 : memref<!tpu.dma_semaphore, #tpu.memory_space<semaphore_mem>>)
      %mul3A_201 = arith.constant 3 : i32
      %mul3A_202 = arith.muli %scan3A_148, %mul3A_201 : i32
      %add3A_203 = arith.constant 1 : i32
      %add3A_204 = arith.addi %mul3A_202, %add3A_203 : i32
      %ge3A_205 = arith.constant 2 : i32
      %ge3A_206 = arith.cmpi sge, %add3A_204, %ge3A_205 : i32
      %convert_element_type3A_207 = arith.extui %ge3A_206 : i1 to i32
      %cond3A_208 = arith.constant 0 : i32
      %cond3A_209 = arith.cmpi ne, %convert_element_type3A_207, %cond3A_208 : i32
      scf.if %cond3A_209 {
        %sub3A = arith.constant 2 : i32
        %sub3A_311 = arith.subi %add3A_204, %sub3A : i32
        %mul3A_312 = arith.constant 200 : i32
        %mul3A_313 = arith.muli %sub3A_311, %mul3A_312 : i32
        %add3A_314 = arith.addi %mul3A_2, %mul3A_313 : i32
        %dma_wait3A_315 = arith.constant 2 : i32
        %dma_wait3A_316 = arith.constant 0 : i32
        %dma_wait3A_317 = arith.constant 0 : i32
        %dma_wait3A_318 = tpu.memref_slice %arg7[%dma_wait3A_315, %dma_wait3A_316, %dma_wait3A_317] : memref<3x200x128xf32, #tpu.memory_space<vmem>> -> memref<1x200x128xf32, #tpu.memory_space<vmem>>
        %dma_wait3A_319 = tpu.memref_squeeze %dma_wait3A_318 : memref<1x200x128xf32, #tpu.memory_space<vmem>> -> memref<200x128xf32, #tpu.memory_space<vmem>>
        %dma_wait3A_320 = arith.constant 0 : i32
        %dma_wait3A_321 = tpu.memref_slice %arg5[%add3A_314, %dma_wait3A_320] : memref<819200x128xf32, #tpu.memory_space<hbm>> -> memref<200x128xf32, #tpu.memory_space<hbm>>
        %dma_wait3A_322 = arith.constant 0 : i32
        %dma_wait3A_323 = tpu.memref_slice %arg5[%add3A_314, %dma_wait3A_322] : memref<819200x128xf32, #tpu.memory_space<hbm>> -> memref<200x128xf32, #tpu.memory_space<hbm>>
        %dma_wait3A_324 = arith.constant 0 : i32
        %dma_wait3A_325 = arith.constant 0 : i32
        %dma_wait3A_326 = tpu.memref_slice %arg7[%dma_wait3A_315, %dma_wait3A_324, %dma_wait3A_325] : memref<3x200x128xf32, #tpu.memory_space<vmem>> -> memref<1x200x128xf32, #tpu.memory_space<vmem>>
        %dma_wait3A_327 = tpu.memref_squeeze %dma_wait3A_326 : memref<1x200x128xf32, #tpu.memory_space<vmem>> -> memref<200x128xf32, #tpu.memory_space<vmem>>
        tpu.wait_dma2 semaphore(%arg15 : memref<!tpu.dma_semaphore, #tpu.memory_space<semaphore_mem>>) src(%dma_wait3A_327 : memref<200x128xf32, #tpu.memory_space<vmem>>) dst(%dma_wait3A_323 : memref<200x128xf32, #tpu.memory_space<hbm>>)
      } else {
      }
      %add3A_210 = arith.constant 1 : i32
      %add3A_211 = arith.addi %add3A_204, %add3A_210 : i32
      %mul3A_212 = arith.constant 200 : i32
      %mul3A_213 = arith.muli %add3A_211, %mul3A_212 : i32
      %dma_start3A_214 = arith.constant 2 : i32
      %dma_start3A_215 = arith.constant 0 : i32
      %dma_start3A_216 = arith.constant 0 : i32
      %dma_start3A_217 = tpu.memref_slice %arg7[%dma_start3A_214, %dma_start3A_215, %dma_start3A_216] : memref<3x200x128xf32, #tpu.memory_space<vmem>> -> memref<1x200x128xf32, #tpu.memory_space<vmem>>
      %dma_start3A_218 = tpu.memref_squeeze %dma_start3A_217 : memref<1x200x128xf32, #tpu.memory_space<vmem>> -> memref<200x128xf32, #tpu.memory_space<vmem>>
      %dma_start3A_219 = tpu.memref_slice %arg6[%mul3A_213] : memref<25600xi32, #tpu.memory_space<vmem>> -> memref<200xi32, #tpu.memory_space<vmem>>
      %dma_start3A_220 = arith.constant 0 : i32
      %dma_start3A_221 = arith.constant 0 : i32
      %dma_start3A_222 = tpu.memref_slice %arg3[%dma_start3A_220, %dma_start3A_221] : memref<100000x128xf32, #tpu.memory_space<hbm>> -> memref<100000x128xf32, #tpu.memory_space<hbm>>
      tpu.enqueue_indirect_dma source(%dma_start3A_222 : memref<100000x128xf32, #tpu.memory_space<hbm>>) target(%dma_start3A_218 : memref<200x128xf32, #tpu.memory_space<vmem>>) offsets(%dma_start3A_219 : memref<200xi32, #tpu.memory_space<vmem>>) semaphore(%arg12 : memref<!tpu.dma_semaphore, #tpu.memory_space<semaphore_mem>>)
      %mul3A_223 = arith.constant 200 : i32
      %mul3A_224 = arith.muli %add3A_204, %mul3A_223 : i32
      %dma_wait3A_225 = arith.constant 1 : i32
      %dma_wait3A_226 = arith.constant 0 : i32
      %dma_wait3A_227 = arith.constant 0 : i32
      %dma_wait3A_228 = tpu.memref_slice %arg7[%dma_wait3A_225, %dma_wait3A_226, %dma_wait3A_227] : memref<3x200x128xf32, #tpu.memory_space<vmem>> -> memref<1x200x128xf32, #tpu.memory_space<vmem>>
      %dma_wait3A_229 = tpu.memref_squeeze %dma_wait3A_228 : memref<1x200x128xf32, #tpu.memory_space<vmem>> -> memref<200x128xf32, #tpu.memory_space<vmem>>
      %dma_wait3A_230 = tpu.memref_slice %arg6[%mul3A_224] : memref<25600xi32, #tpu.memory_space<vmem>> -> memref<200xi32, #tpu.memory_space<vmem>>
      %dma_wait3A_231 = arith.constant 0 : i32
      %dma_wait3A_232 = arith.constant 0 : i32
      %dma_wait3A_233 = tpu.memref_slice %arg3[%dma_wait3A_231, %dma_wait3A_232] : memref<100000x128xf32, #tpu.memory_space<hbm>> -> memref<100000x128xf32, #tpu.memory_space<hbm>>
      tpu.wait_indirect_dma semaphore(%arg11 : memref<!tpu.dma_semaphore, #tpu.memory_space<semaphore_mem>>) src(%dma_wait3A_233 : memref<100000x128xf32, #tpu.memory_space<hbm>>) dst(%dma_wait3A_229 : memref<200x128xf32, #tpu.memory_space<vmem>>)
      %scan3A_234 = arith.constant 0 : i32
      %scan3A_235 = arith.constant 0 : i32
      %scan3A_236 = arith.constant 50 : i32
      %scan3A_237 = arith.addi %scan3A_235, %scan3A_236 : i32
      %scan3A_238 = arith.constant 1 : i32
      scf.for %scan3A_311 = %scan3A_235 to %scan3A_237 step %scan3A_238  : i32 {
        %mul3A_312 = arith.constant 4 : i32
        %mul3A_313 = arith.muli %scan3A_311, %mul3A_312 : i32
        %add3A_314 = arith.constant 0 : i32
        %add3A_315 = arith.addi %mul3A_313, %add3A_314 : i32
        %get3A = arith.index_cast %add3A_315 : i32 to index
        %get3A_316 = arith.constant 0 : index
        %get3A_317 = tpu.vector_load %arg8[%get3A, %get3A_316] {strides = array<i32>} : memref<200x128xf32, #tpu.memory_space<vmem>>, vector<1x16xf32>,
        %get3A_318 = vector.shape_cast %get3A_317 : vector<1x16xf32> to vector<16xf32>
        %swap3A = arith.constant 1 : i32
        %swap3A_319 = arith.index_cast %swap3A : i32 to index
        %swap3A_320 = arith.index_cast %add3A_315 : i32 to index
        %swap3A_321 = arith.constant 0 : index
        %swap3A_322 = tpu.vector_load %arg7[%swap3A_319, %swap3A_320, %swap3A_321] {strides = array<i32>} : memref<3x200x128xf32, #tpu.memory_space<vmem>>, vector<1x1x16xf32>,
        %swap3A_323 = vector.shape_cast %swap3A_322 : vector<1x1x16xf32> to vector<16xf32>
        %swap3A_324 = vector.shape_cast %get3A_318 : vector<16xf32> to vector<1x1x16xf32>
        tpu.vector_store %arg7[%swap3A_319, %swap3A_320, %swap3A_321], %swap3A_324 {add = true, strides = array<i32>} : memref<3x200x128xf32, #tpu.memory_space<vmem>>, vector<1x1x16xf32>,
        %get3A_325 = arith.index_cast %add3A_315 : i32 to index
        %get3A_326 = arith.constant 16 : index
        %get3A_327 = tpu.vector_load %arg8[%get3A_325, %get3A_326] {strides = array<i32>} : memref<200x128xf32, #tpu.memory_space<vmem>>, vector<1x16xf32>,
        %get3A_328 = vector.shape_cast %get3A_327 : vector<1x16xf32> to vector<16xf32>
        %swap3A_329 = arith.constant 1 : i32
        %swap3A_330 = arith.index_cast %swap3A_329 : i32 to index
        %swap3A_331 = arith.index_cast %add3A_315 : i32 to index
        %swap3A_332 = arith.constant 16 : index
        %swap3A_333 = tpu.vector_load %arg7[%swap3A_330, %swap3A_331, %swap3A_332] {strides = array<i32>} : memref<3x200x128xf32, #tpu.memory_space<vmem>>, vector<1x1x16xf32>,
        %swap3A_334 = vector.shape_cast %swap3A_333 : vector<1x1x16xf32> to vector<16xf32>
        %swap3A_335 = vector.shape_cast %get3A_328 : vector<16xf32> to vector<1x1x16xf32>
        tpu.vector_store %arg7[%swap3A_330, %swap3A_331, %swap3A_332], %swap3A_335 {add = true, strides = array<i32>} : memref<3x200x128xf32, #tpu.memory_space<vmem>>, vector<1x1x16xf32>,
        %get3A_336 = arith.index_cast %add3A_315 : i32 to index
        %get3A_337 = arith.constant 32 : index
        %get3A_338 = tpu.vector_load %arg8[%get3A_336, %get3A_337] {strides = array<i32>} : memref<200x128xf32, #tpu.memory_space<vmem>>, vector<1x16xf32>,
        %get3A_339 = vector.shape_cast %get3A_338 : vector<1x16xf32> to vector<16xf32>
        %swap3A_340 = arith.constant 1 : i32
        %swap3A_341 = arith.index_cast %swap3A_340 : i32 to index
        %swap3A_342 = arith.index_cast %add3A_315 : i32 to index
        %swap3A_343 = arith.constant 32 : index
        %swap3A_344 = tpu.vector_load %arg7[%swap3A_341, %swap3A_342, %swap3A_343] {strides = array<i32>} : memref<3x200x128xf32, #tpu.memory_space<vmem>>, vector<1x1x16xf32>,
        %swap3A_345 = vector.shape_cast %swap3A_344 : vector<1x1x16xf32> to vector<16xf32>
        %swap3A_346 = vector.shape_cast %get3A_339 : vector<16xf32> to vector<1x1x16xf32>
        tpu.vector_store %arg7[%swap3A_341, %swap3A_342, %swap3A_343], %swap3A_346 {add = true, strides = array<i32>} : memref<3x200x128xf32, #tpu.memory_space<vmem>>, vector<1x1x16xf32>,
        %get3A_347 = arith.index_cast %add3A_315 : i32 to index
        %get3A_348 = arith.constant 48 : index
        %get3A_349 = tpu.vector_load %arg8[%get3A_347, %get3A_348] {strides = array<i32>} : memref<200x128xf32, #tpu.memory_space<vmem>>, vector<1x16xf32>,
        %get3A_350 = vector.shape_cast %get3A_349 : vector<1x16xf32> to vector<16xf32>
        %swap3A_351 = arith.constant 1 : i32
        %swap3A_352 = arith.index_cast %swap3A_351 : i32 to index
        %swap3A_353 = arith.index_cast %add3A_315 : i32 to index
        %swap3A_354 = arith.constant 48 : index
        %swap3A_355 = tpu.vector_load %arg7[%swap3A_352, %swap3A_353, %swap3A_354] {strides = array<i32>} : memref<3x200x128xf32, #tpu.memory_space<vmem>>, vector<1x1x16xf32>,
        %swap3A_356 = vector.shape_cast %swap3A_355 : vector<1x1x16xf32> to vector<16xf32>
        %swap3A_357 = vector.shape_cast %get3A_350 : vector<16xf32> to vector<1x1x16xf32>
        tpu.vector_store %arg7[%swap3A_352, %swap3A_353, %swap3A_354], %swap3A_357 {add = true, strides = array<i32>} : memref<3x200x128xf32, #tpu.memory_space<vmem>>, vector<1x1x16xf32>,
        %get3A_358 = arith.index_cast %add3A_315 : i32 to index
        %get3A_359 = arith.constant 64 : index
        %get3A_360 = tpu.vector_load %arg8[%get3A_358, %get3A_359] {strides = array<i32>} : memref<200x128xf32, #tpu.memory_space<vmem>>, vector<1x16xf32>,
        %get3A_361 = vector.shape_cast %get3A_360 : vector<1x16xf32> to vector<16xf32>
        %swap3A_362 = arith.constant 1 : i32
        %swap3A_363 = arith.index_cast %swap3A_362 : i32 to index
        %swap3A_364 = arith.index_cast %add3A_315 : i32 to index
        %swap3A_365 = arith.constant 64 : index
        %swap3A_366 = tpu.vector_load %arg7[%swap3A_363, %swap3A_364, %swap3A_365] {strides = array<i32>} : memref<3x200x128xf32, #tpu.memory_space<vmem>>, vector<1x1x16xf32>,
        %swap3A_367 = vector.shape_cast %swap3A_366 : vector<1x1x16xf32> to vector<16xf32>
        %swap3A_368 = vector.shape_cast %get3A_361 : vector<16xf32> to vector<1x1x16xf32>
        tpu.vector_store %arg7[%swap3A_363, %swap3A_364, %swap3A_365], %swap3A_368 {add = true, strides = array<i32>} : memref<3x200x128xf32, #tpu.memory_space<vmem>>, vector<1x1x16xf32>,
        %get3A_369 = arith.index_cast %add3A_315 : i32 to index
        %get3A_370 = arith.constant 80 : index
        %get3A_371 = tpu.vector_load %arg8[%get3A_369, %get3A_370] {strides = array<i32>} : memref<200x128xf32, #tpu.memory_space<vmem>>, vector<1x16xf32>,
        %get3A_372 = vector.shape_cast %get3A_371 : vector<1x16xf32> to vector<16xf32>
        %swap3A_373 = arith.constant 1 : i32
        %swap3A_374 = arith.index_cast %swap3A_373 : i32 to index
        %swap3A_375 = arith.index_cast %add3A_315 : i32 to index
        %swap3A_376 = arith.constant 80 : index
        %swap3A_377 = tpu.vector_load %arg7[%swap3A_374, %swap3A_375, %swap3A_376] {strides = array<i32>} : memref<3x200x128xf32, #tpu.memory_space<vmem>>, vector<1x1x16xf32>,
        %swap3A_378 = vector.shape_cast %swap3A_377 : vector<1x1x16xf32> to vector<16xf32>
        %swap3A_379 = vector.shape_cast %get3A_372 : vector<16xf32> to vector<1x1x16xf32>
        tpu.vector_store %arg7[%swap3A_374, %swap3A_375, %swap3A_376], %swap3A_379 {add = true, strides = array<i32>} : memref<3x200x128xf32, #tpu.memory_space<vmem>>, vector<1x1x16xf32>,
        %get3A_380 = arith.index_cast %add3A_315 : i32 to index
        %get3A_381 = arith.constant 96 : index
        %get3A_382 = tpu.vector_load %arg8[%get3A_380, %get3A_381] {strides = array<i32>} : memref<200x128xf32, #tpu.memory_space<vmem>>, vector<1x16xf32>,
        %get3A_383 = vector.shape_cast %get3A_382 : vector<1x16xf32> to vector<16xf32>
        %swap3A_384 = arith.constant 1 : i32
        %swap3A_385 = arith.index_cast %swap3A_384 : i32 to index
        %swap3A_386 = arith.index_cast %add3A_315 : i32 to index
        %swap3A_387 = arith.constant 96 : index
        %swap3A_388 = tpu.vector_load %arg7[%swap3A_385, %swap3A_386, %swap3A_387] {strides = array<i32>} : memref<3x200x128xf32, #tpu.memory_space<vmem>>, vector<1x1x16xf32>,
        %swap3A_389 = vector.shape_cast %swap3A_388 : vector<1x1x16xf32> to vector<16xf32>
        %swap3A_390 = vector.shape_cast %get3A_383 : vector<16xf32> to vector<1x1x16xf32>
        tpu.vector_store %arg7[%swap3A_385, %swap3A_386, %swap3A_387], %swap3A_390 {add = true, strides = array<i32>} : memref<3x200x128xf32, #tpu.memory_space<vmem>>, vector<1x1x16xf32>,
        %get3A_391 = arith.index_cast %add3A_315 : i32 to index
        %get3A_392 = arith.constant 112 : index
        %get3A_393 = tpu.vector_load %arg8[%get3A_391, %get3A_392] {strides = array<i32>} : memref<200x128xf32, #tpu.memory_space<vmem>>, vector<1x16xf32>,
        %get3A_394 = vector.shape_cast %get3A_393 : vector<1x16xf32> to vector<16xf32>
        %swap3A_395 = arith.constant 1 : i32
        %swap3A_396 = arith.index_cast %swap3A_395 : i32 to index
        %swap3A_397 = arith.index_cast %add3A_315 : i32 to index
        %swap3A_398 = arith.constant 112 : index
        %swap3A_399 = tpu.vector_load %arg7[%swap3A_396, %swap3A_397, %swap3A_398] {strides = array<i32>} : memref<3x200x128xf32, #tpu.memory_space<vmem>>, vector<1x1x16xf32>,
        %swap3A_400 = vector.shape_cast %swap3A_399 : vector<1x1x16xf32> to vector<16xf32>
        %swap3A_401 = vector.shape_cast %get3A_394 : vector<16xf32> to vector<1x1x16xf32>
        tpu.vector_store %arg7[%swap3A_396, %swap3A_397, %swap3A_398], %swap3A_401 {add = true, strides = array<i32>} : memref<3x200x128xf32, #tpu.memory_space<vmem>>, vector<1x1x16xf32>,
        %mul3A_402 = arith.constant 4 : i32
        %mul3A_403 = arith.muli %scan3A_311, %mul3A_402 : i32
        %add3A_404 = arith.constant 1 : i32
        %add3A_405 = arith.addi %mul3A_403, %add3A_404 : i32
        %get3A_406 = arith.index_cast %add3A_405 : i32 to index
        %get3A_407 = arith.constant 0 : index
        %get3A_408 = tpu.vector_load %arg8[%get3A_406, %get3A_407] {strides = array<i32>} : memref<200x128xf32, #tpu.memory_space<vmem>>, vector<1x16xf32>,
        %get3A_409 = vector.shape_cast %get3A_408 : vector<1x16xf32> to vector<16xf32>
        %swap3A_410 = arith.constant 1 : i32
        %swap3A_411 = arith.index_cast %swap3A_410 : i32 to index
        %swap3A_412 = arith.index_cast %add3A_405 : i32 to index
        %swap3A_413 = arith.constant 0 : index
        %swap3A_414 = tpu.vector_load %arg7[%swap3A_411, %swap3A_412, %swap3A_413] {strides = array<i32>} : memref<3x200x128xf32, #tpu.memory_space<vmem>>, vector<1x1x16xf32>,
        %swap3A_415 = vector.shape_cast %swap3A_414 : vector<1x1x16xf32> to vector<16xf32>
        %swap3A_416 = vector.shape_cast %get3A_409 : vector<16xf32> to vector<1x1x16xf32>
        tpu.vector_store %arg7[%swap3A_411, %swap3A_412, %swap3A_413], %swap3A_416 {add = true, strides = array<i32>} : memref<3x200x128xf32, #tpu.memory_space<vmem>>, vector<1x1x16xf32>,
        %get3A_417 = arith.index_cast %add3A_405 : i32 to index
        %get3A_418 = arith.constant 16 : index
        %get3A_419 = tpu.vector_load %arg8[%get3A_417, %get3A_418] {strides = array<i32>} : memref<200x128xf32, #tpu.memory_space<vmem>>, vector<1x16xf32>,
        %get3A_420 = vector.shape_cast %get3A_419 : vector<1x16xf32> to vector<16xf32>
        %swap3A_421 = arith.constant 1 : i32
        %swap3A_422 = arith.index_cast %swap3A_421 : i32 to index
        %swap3A_423 = arith.index_cast %add3A_405 : i32 to index
        %swap3A_424 = arith.constant 16 : index
        %swap3A_425 = tpu.vector_load %arg7[%swap3A_422, %swap3A_423, %swap3A_424] {strides = array<i32>} : memref<3x200x128xf32, #tpu.memory_space<vmem>>, vector<1x1x16xf32>,
        %swap3A_426 = vector.shape_cast %swap3A_425 : vector<1x1x16xf32> to vector<16xf32>
        %swap3A_427 = vector.shape_cast %get3A_420 : vector<16xf32> to vector<1x1x16xf32>
        tpu.vector_store %arg7[%swap3A_422, %swap3A_423, %swap3A_424], %swap3A_427 {add = true, strides = array<i32>} : memref<3x200x128xf32, #tpu.memory_space<vmem>>, vector<1x1x16xf32>,
        %get3A_428 = arith.index_cast %add3A_405 : i32 to index
        %get3A_429 = arith.constant 32 : index
        %get3A_430 = tpu.vector_load %arg8[%get3A_428, %get3A_429] {strides = array<i32>} : memref<200x128xf32, #tpu.memory_space<vmem>>, vector<1x16xf32>,
        %get3A_431 = vector.shape_cast %get3A_430 : vector<1x16xf32> to vector<16xf32>
        %swap3A_432 = arith.constant 1 : i32
        %swap3A_433 = arith.index_cast %swap3A_432 : i32 to index
        %swap3A_434 = arith.index_cast %add3A_405 : i32 to index
        %swap3A_435 = arith.constant 32 : index
        %swap3A_436 = tpu.vector_load %arg7[%swap3A_433, %swap3A_434, %swap3A_435] {strides = array<i32>} : memref<3x200x128xf32, #tpu.memory_space<vmem>>, vector<1x1x16xf32>,
        %swap3A_437 = vector.shape_cast %swap3A_436 : vector<1x1x16xf32> to vector<16xf32>
        %swap3A_438 = vector.shape_cast %get3A_431 : vector<16xf32> to vector<1x1x16xf32>
        tpu.vector_store %arg7[%swap3A_433, %swap3A_434, %swap3A_435], %swap3A_438 {add = true, strides = array<i32>} : memref<3x200x128xf32, #tpu.memory_space<vmem>>, vector<1x1x16xf32>,
        %get3A_439 = arith.index_cast %add3A_405 : i32 to index
        %get3A_440 = arith.constant 48 : index
        %get3A_441 = tpu.vector_load %arg8[%get3A_439, %get3A_440] {strides = array<i32>} : memref<200x128xf32, #tpu.memory_space<vmem>>, vector<1x16xf32>,
        %get3A_442 = vector.shape_cast %get3A_441 : vector<1x16xf32> to vector<16xf32>
        %swap3A_443 = arith.constant 1 : i32
        %swap3A_444 = arith.index_cast %swap3A_443 : i32 to index
        %swap3A_445 = arith.index_cast %add3A_405 : i32 to index
        %swap3A_446 = arith.constant 48 : index
        %swap3A_447 = tpu.vector_load %arg7[%swap3A_444, %swap3A_445, %swap3A_446] {strides = array<i32>} : memref<3x200x128xf32, #tpu.memory_space<vmem>>, vector<1x1x16xf32>,
        %swap3A_448 = vector.shape_cast %swap3A_447 : vector<1x1x16xf32> to vector<16xf32>
        %swap3A_449 = vector.shape_cast %get3A_442 : vector<16xf32> to vector<1x1x16xf32>
        tpu.vector_store %arg7[%swap3A_444, %swap3A_445, %swap3A_446], %swap3A_449 {add = true, strides = array<i32>} : memref<3x200x128xf32, #tpu.memory_space<vmem>>, vector<1x1x16xf32>,
        %get3A_450 = arith.index_cast %add3A_405 : i32 to index
        %get3A_451 = arith.constant 64 : index
        %get3A_452 = tpu.vector_load %arg8[%get3A_450, %get3A_451] {strides = array<i32>} : memref<200x128xf32, #tpu.memory_space<vmem>>, vector<1x16xf32>,
        %get3A_453 = vector.shape_cast %get3A_452 : vector<1x16xf32> to vector<16xf32>
        %swap3A_454 = arith.constant 1 : i32
        %swap3A_455 = arith.index_cast %swap3A_454 : i32 to index
        %swap3A_456 = arith.index_cast %add3A_405 : i32 to index
        %swap3A_457 = arith.constant 64 : index
        %swap3A_458 = tpu.vector_load %arg7[%swap3A_455, %swap3A_456, %swap3A_457] {strides = array<i32>} : memref<3x200x128xf32, #tpu.memory_space<vmem>>, vector<1x1x16xf32>,
        %swap3A_459 = vector.shape_cast %swap3A_458 : vector<1x1x16xf32> to vector<16xf32>
        %swap3A_460 = vector.shape_cast %get3A_453 : vector<16xf32> to vector<1x1x16xf32>
        tpu.vector_store %arg7[%swap3A_455, %swap3A_456, %swap3A_457], %swap3A_460 {add = true, strides = array<i32>} : memref<3x200x128xf32, #tpu.memory_space<vmem>>, vector<1x1x16xf32>,
        %get3A_461 = arith.index_cast %add3A_405 : i32 to index
        %get3A_462 = arith.constant 80 : index
        %get3A_463 = tpu.vector_load %arg8[%get3A_461, %get3A_462] {strides = array<i32>} : memref<200x128xf32, #tpu.memory_space<vmem>>, vector<1x16xf32>,
        %get3A_464 = vector.shape_cast %get3A_463 : vector<1x16xf32> to vector<16xf32>
        %swap3A_465 = arith.constant 1 : i32
        %swap3A_466 = arith.index_cast %swap3A_465 : i32 to index
        %swap3A_467 = arith.index_cast %add3A_405 : i32 to index
        %swap3A_468 = arith.constant 80 : index
        %swap3A_469 = tpu.vector_load %arg7[%swap3A_466, %swap3A_467, %swap3A_468] {strides = array<i32>} : memref<3x200x128xf32, #tpu.memory_space<vmem>>, vector<1x1x16xf32>,
        %swap3A_470 = vector.shape_cast %swap3A_469 : vector<1x1x16xf32> to vector<16xf32>
        %swap3A_471 = vector.shape_cast %get3A_464 : vector<16xf32> to vector<1x1x16xf32>
        tpu.vector_store %arg7[%swap3A_466, %swap3A_467, %swap3A_468], %swap3A_471 {add = true, strides = array<i32>} : memref<3x200x128xf32, #tpu.memory_space<vmem>>, vector<1x1x16xf32>,
        %get3A_472 = arith.index_cast %add3A_405 : i32 to index
        %get3A_473 = arith.constant 96 : index
        %get3A_474 = tpu.vector_load %arg8[%get3A_472, %get3A_473] {strides = array<i32>} : memref<200x128xf32, #tpu.memory_space<vmem>>, vector<1x16xf32>,
        %get3A_475 = vector.shape_cast %get3A_474 : vector<1x16xf32> to vector<16xf32>
        %swap3A_476 = arith.constant 1 : i32
        %swap3A_477 = arith.index_cast %swap3A_476 : i32 to index
        %swap3A_478 = arith.index_cast %add3A_405 : i32 to index
        %swap3A_479 = arith.constant 96 : index
        %swap3A_480 = tpu.vector_load %arg7[%swap3A_477, %swap3A_478, %swap3A_479] {strides = array<i32>} : memref<3x200x128xf32, #tpu.memory_space<vmem>>, vector<1x1x16xf32>,
        %swap3A_481 = vector.shape_cast %swap3A_480 : vector<1x1x16xf32> to vector<16xf32>
        %swap3A_482 = vector.shape_cast %get3A_475 : vector<16xf32> to vector<1x1x16xf32>
        tpu.vector_store %arg7[%swap3A_477, %swap3A_478, %swap3A_479], %swap3A_482 {add = true, strides = array<i32>} : memref<3x200x128xf32, #tpu.memory_space<vmem>>, vector<1x1x16xf32>,
        %get3A_483 = arith.index_cast %add3A_405 : i32 to index
        %get3A_484 = arith.constant 112 : index
        %get3A_485 = tpu.vector_load %arg8[%get3A_483, %get3A_484] {strides = array<i32>} : memref<200x128xf32, #tpu.memory_space<vmem>>, vector<1x16xf32>,
        %get3A_486 = vector.shape_cast %get3A_485 : vector<1x16xf32> to vector<16xf32>
        %swap3A_487 = arith.constant 1 : i32
        %swap3A_488 = arith.index_cast %swap3A_487 : i32 to index
        %swap3A_489 = arith.index_cast %add3A_405 : i32 to index
        %swap3A_490 = arith.constant 112 : index
        %swap3A_491 = tpu.vector_load %arg7[%swap3A_488, %swap3A_489, %swap3A_490] {strides = array<i32>} : memref<3x200x128xf32, #tpu.memory_space<vmem>>, vector<1x1x16xf32>,
        %swap3A_492 = vector.shape_cast %swap3A_491 : vector<1x1x16xf32> to vector<16xf32>
        %swap3A_493 = vector.shape_cast %get3A_486 : vector<16xf32> to vector<1x1x16xf32>
        tpu.vector_store %arg7[%swap3A_488, %swap3A_489, %swap3A_490], %swap3A_493 {add = true, strides = array<i32>} : memref<3x200x128xf32, #tpu.memory_space<vmem>>, vector<1x1x16xf32>,
        %mul3A_494 = arith.constant 4 : i32
        %mul3A_495 = arith.muli %scan3A_311, %mul3A_494 : i32
        %add3A_496 = arith.constant 2 : i32
        %add3A_497 = arith.addi %mul3A_495, %add3A_496 : i32
        %get3A_498 = arith.index_cast %add3A_497 : i32 to index
        %get3A_499 = arith.constant 0 : index
        %get3A_500 = tpu.vector_load %arg8[%get3A_498, %get3A_499] {strides = array<i32>} : memref<200x128xf32, #tpu.memory_space<vmem>>, vector<1x16xf32>,
        %get3A_501 = vector.shape_cast %get3A_500 : vector<1x16xf32> to vector<16xf32>
        %swap3A_502 = arith.constant 1 : i32
        %swap3A_503 = arith.index_cast %swap3A_502 : i32 to index
        %swap3A_504 = arith.index_cast %add3A_497 : i32 to index
        %swap3A_505 = arith.constant 0 : index
        %swap3A_506 = tpu.vector_load %arg7[%swap3A_503, %swap3A_504, %swap3A_505] {strides = array<i32>} : memref<3x200x128xf32, #tpu.memory_space<vmem>>, vector<1x1x16xf32>,
        %swap3A_507 = vector.shape_cast %swap3A_506 : vector<1x1x16xf32> to vector<16xf32>
        %swap3A_508 = vector.shape_cast %get3A_501 : vector<16xf32> to vector<1x1x16xf32>
        tpu.vector_store %arg7[%swap3A_503, %swap3A_504, %swap3A_505], %swap3A_508 {add = true, strides = array<i32>} : memref<3x200x128xf32, #tpu.memory_space<vmem>>, vector<1x1x16xf32>,
        %get3A_509 = arith.index_cast %add3A_497 : i32 to index
        %get3A_510 = arith.constant 16 : index
        %get3A_511 = tpu.vector_load %arg8[%get3A_509, %get3A_510] {strides = array<i32>} : memref<200x128xf32, #tpu.memory_space<vmem>>, vector<1x16xf32>,
        %get3A_512 = vector.shape_cast %get3A_511 : vector<1x16xf32> to vector<16xf32>
        %swap3A_513 = arith.constant 1 : i32
        %swap3A_514 = arith.index_cast %swap3A_513 : i32 to index
        %swap3A_515 = arith.index_cast %add3A_497 : i32 to index
        %swap3A_516 = arith.constant 16 : index
        %swap3A_517 = tpu.vector_load %arg7[%swap3A_514, %swap3A_515, %swap3A_516] {strides = array<i32>} : memref<3x200x128xf32, #tpu.memory_space<vmem>>, vector<1x1x16xf32>,
        %swap3A_518 = vector.shape_cast %swap3A_517 : vector<1x1x16xf32> to vector<16xf32>
        %swap3A_519 = vector.shape_cast %get3A_512 : vector<16xf32> to vector<1x1x16xf32>
        tpu.vector_store %arg7[%swap3A_514, %swap3A_515, %swap3A_516], %swap3A_519 {add = true, strides = array<i32>} : memref<3x200x128xf32, #tpu.memory_space<vmem>>, vector<1x1x16xf32>,
        %get3A_520 = arith.index_cast %add3A_497 : i32 to index
        %get3A_521 = arith.constant 32 : index
        %get3A_522 = tpu.vector_load %arg8[%get3A_520, %get3A_521] {strides = array<i32>} : memref<200x128xf32, #tpu.memory_space<vmem>>, vector<1x16xf32>,
        %get3A_523 = vector.shape_cast %get3A_522 : vector<1x16xf32> to vector<16xf32>
        %swap3A_524 = arith.constant 1 : i32
        %swap3A_525 = arith.index_cast %swap3A_524 : i32 to index
        %swap3A_526 = arith.index_cast %add3A_497 : i32 to index
        %swap3A_527 = arith.constant 32 : index
        %swap3A_528 = tpu.vector_load %arg7[%swap3A_525, %swap3A_526, %swap3A_527] {strides = array<i32>} : memref<3x200x128xf32, #tpu.memory_space<vmem>>, vector<1x1x16xf32>,
        %swap3A_529 = vector.shape_cast %swap3A_528 : vector<1x1x16xf32> to vector<16xf32>
        %swap3A_530 = vector.shape_cast %get3A_523 : vector<16xf32> to vector<1x1x16xf32>
        tpu.vector_store %arg7[%swap3A_525, %swap3A_526, %swap3A_527], %swap3A_530 {add = true, strides = array<i32>} : memref<3x200x128xf32, #tpu.memory_space<vmem>>, vector<1x1x16xf32>,
        %get3A_531 = arith.index_cast %add3A_497 : i32 to index
        %get3A_532 = arith.constant 48 : index
        %get3A_533 = tpu.vector_load %arg8[%get3A_531, %get3A_532] {strides = array<i32>} : memref<200x128xf32, #tpu.memory_space<vmem>>, vector<1x16xf32>,
        %get3A_534 = vector.shape_cast %get3A_533 : vector<1x16xf32> to vector<16xf32>
        %swap3A_535 = arith.constant 1 : i32
        %swap3A_536 = arith.index_cast %swap3A_535 : i32 to index
        %swap3A_537 = arith.index_cast %add3A_497 : i32 to index
        %swap3A_538 = arith.constant 48 : index
        %swap3A_539 = tpu.vector_load %arg7[%swap3A_536, %swap3A_537, %swap3A_538] {strides = array<i32>} : memref<3x200x128xf32, #tpu.memory_space<vmem>>, vector<1x1x16xf32>,
        %swap3A_540 = vector.shape_cast %swap3A_539 : vector<1x1x16xf32> to vector<16xf32>
        %swap3A_541 = vector.shape_cast %get3A_534 : vector<16xf32> to vector<1x1x16xf32>
        tpu.vector_store %arg7[%swap3A_536, %swap3A_537, %swap3A_538], %swap3A_541 {add = true, strides = array<i32>} : memref<3x200x128xf32, #tpu.memory_space<vmem>>, vector<1x1x16xf32>,
        %get3A_542 = arith.index_cast %add3A_497 : i32 to index
        %get3A_543 = arith.constant 64 : index
        %get3A_544 = tpu.vector_load %arg8[%get3A_542, %get3A_543] {strides = array<i32>} : memref<200x128xf32, #tpu.memory_space<vmem>>, vector<1x16xf32>,
        %get3A_545 = vector.shape_cast %get3A_544 : vector<1x16xf32> to vector<16xf32>
        %swap3A_546 = arith.constant 1 : i32
        %swap3A_547 = arith.index_cast %swap3A_546 : i32 to index
        %swap3A_548 = arith.index_cast %add3A_497 : i32 to index
        %swap3A_549 = arith.constant 64 : index
        %swap3A_550 = tpu.vector_load %arg7[%swap3A_547, %swap3A_548, %swap3A_549] {strides = array<i32>} : memref<3x200x128xf32, #tpu.memory_space<vmem>>, vector<1x1x16xf32>,
        %swap3A_551 = vector.shape_cast %swap3A_550 : vector<1x1x16xf32> to vector<16xf32>
        %swap3A_552 = vector.shape_cast %get3A_545 : vector<16xf32> to vector<1x1x16xf32>
        tpu.vector_store %arg7[%swap3A_547, %swap3A_548, %swap3A_549], %swap3A_552 {add = true, strides = array<i32>} : memref<3x200x128xf32, #tpu.memory_space<vmem>>, vector<1x1x16xf32>,
        %get3A_553 = arith.index_cast %add3A_497 : i32 to index
        %get3A_554 = arith.constant 80 : index
        %get3A_555 = tpu.vector_load %arg8[%get3A_553, %get3A_554] {strides = array<i32>} : memref<200x128xf32, #tpu.memory_space<vmem>>, vector<1x16xf32>,
        %get3A_556 = vector.shape_cast %get3A_555 : vector<1x16xf32> to vector<16xf32>
        %swap3A_557 = arith.constant 1 : i32
        %swap3A_558 = arith.index_cast %swap3A_557 : i32 to index
        %swap3A_559 = arith.index_cast %add3A_497 : i32 to index
        %swap3A_560 = arith.constant 80 : index
        %swap3A_561 = tpu.vector_load %arg7[%swap3A_558, %swap3A_559, %swap3A_560] {strides = array<i32>} : memref<3x200x128xf32, #tpu.memory_space<vmem>>, vector<1x1x16xf32>,
        %swap3A_562 = vector.shape_cast %swap3A_561 : vector<1x1x16xf32> to vector<16xf32>
        %swap3A_563 = vector.shape_cast %get3A_556 : vector<16xf32> to vector<1x1x16xf32>
        tpu.vector_store %arg7[%swap3A_558, %swap3A_559, %swap3A_560], %swap3A_563 {add = true, strides = array<i32>} : memref<3x200x128xf32, #tpu.memory_space<vmem>>, vector<1x1x16xf32>,
        %get3A_564 = arith.index_cast %add3A_497 : i32 to index
        %get3A_565 = arith.constant 96 : index
        %get3A_566 = tpu.vector_load %arg8[%get3A_564, %get3A_565] {strides = array<i32>} : memref<200x128xf32, #tpu.memory_space<vmem>>, vector<1x16xf32>,
        %get3A_567 = vector.shape_cast %get3A_566 : vector<1x16xf32> to vector<16xf32>
        %swap3A_568 = arith.constant 1 : i32
        %swap3A_569 = arith.index_cast %swap3A_568 : i32 to index
        %swap3A_570 = arith.index_cast %add3A_497 : i32 to index
        %swap3A_571 = arith.constant 96 : index
        %swap3A_572 = tpu.vector_load %arg7[%swap3A_569, %swap3A_570, %swap3A_571] {strides = array<i32>} : memref<3x200x128xf32, #tpu.memory_space<vmem>>, vector<1x1x16xf32>,
        %swap3A_573 = vector.shape_cast %swap3A_572 : vector<1x1x16xf32> to vector<16xf32>
        %swap3A_574 = vector.shape_cast %get3A_567 : vector<16xf32> to vector<1x1x16xf32>
        tpu.vector_store %arg7[%swap3A_569, %swap3A_570, %swap3A_571], %swap3A_574 {add = true, strides = array<i32>} : memref<3x200x128xf32, #tpu.memory_space<vmem>>, vector<1x1x16xf32>,
        %get3A_575 = arith.index_cast %add3A_497 : i32 to index
        %get3A_576 = arith.constant 112 : index
        %get3A_577 = tpu.vector_load %arg8[%get3A_575, %get3A_576] {strides = array<i32>} : memref<200x128xf32, #tpu.memory_space<vmem>>, vector<1x16xf32>,
        %get3A_578 = vector.shape_cast %get3A_577 : vector<1x16xf32> to vector<16xf32>
        %swap3A_579 = arith.constant 1 : i32
        %swap3A_580 = arith.index_cast %swap3A_579 : i32 to index
        %swap3A_581 = arith.index_cast %add3A_497 : i32 to index
        %swap3A_582 = arith.constant 112 : index
        %swap3A_583 = tpu.vector_load %arg7[%swap3A_580, %swap3A_581, %swap3A_582] {strides = array<i32>} : memref<3x200x128xf32, #tpu.memory_space<vmem>>, vector<1x1x16xf32>,
        %swap3A_584 = vector.shape_cast %swap3A_583 : vector<1x1x16xf32> to vector<16xf32>
        %swap3A_585 = vector.shape_cast %get3A_578 : vector<16xf32> to vector<1x1x16xf32>
        tpu.vector_store %arg7[%swap3A_580, %swap3A_581, %swap3A_582], %swap3A_585 {add = true, strides = array<i32>} : memref<3x200x128xf32, #tpu.memory_space<vmem>>, vector<1x1x16xf32>,
        %mul3A_586 = arith.constant 4 : i32
        %mul3A_587 = arith.muli %scan3A_311, %mul3A_586 : i32
        %add3A_588 = arith.constant 3 : i32
        %add3A_589 = arith.addi %mul3A_587, %add3A_588 : i32
        %get3A_590 = arith.index_cast %add3A_589 : i32 to index
        %get3A_591 = arith.constant 0 : index
        %get3A_592 = tpu.vector_load %arg8[%get3A_590, %get3A_591] {strides = array<i32>} : memref<200x128xf32, #tpu.memory_space<vmem>>, vector<1x16xf32>,
        %get3A_593 = vector.shape_cast %get3A_592 : vector<1x16xf32> to vector<16xf32>
        %swap3A_594 = arith.constant 1 : i32
        %swap3A_595 = arith.index_cast %swap3A_594 : i32 to index
        %swap3A_596 = arith.index_cast %add3A_589 : i32 to index
        %swap3A_597 = arith.constant 0 : index
        %swap3A_598 = tpu.vector_load %arg7[%swap3A_595, %swap3A_596, %swap3A_597] {strides = array<i32>} : memref<3x200x128xf32, #tpu.memory_space<vmem>>, vector<1x1x16xf32>,
        %swap3A_599 = vector.shape_cast %swap3A_598 : vector<1x1x16xf32> to vector<16xf32>
        %swap3A_600 = vector.shape_cast %get3A_593 : vector<16xf32> to vector<1x1x16xf32>
        tpu.vector_store %arg7[%swap3A_595, %swap3A_596, %swap3A_597], %swap3A_600 {add = true, strides = array<i32>} : memref<3x200x128xf32, #tpu.memory_space<vmem>>, vector<1x1x16xf32>,
        %get3A_601 = arith.index_cast %add3A_589 : i32 to index
        %get3A_602 = arith.constant 16 : index
        %get3A_603 = tpu.vector_load %arg8[%get3A_601, %get3A_602] {strides = array<i32>} : memref<200x128xf32, #tpu.memory_space<vmem>>, vector<1x16xf32>,
        %get3A_604 = vector.shape_cast %get3A_603 : vector<1x16xf32> to vector<16xf32>
        %swap3A_605 = arith.constant 1 : i32
        %swap3A_606 = arith.index_cast %swap3A_605 : i32 to index
        %swap3A_607 = arith.index_cast %add3A_589 : i32 to index
        %swap3A_608 = arith.constant 16 : index
        %swap3A_609 = tpu.vector_load %arg7[%swap3A_606, %swap3A_607, %swap3A_608] {strides = array<i32>} : memref<3x200x128xf32, #tpu.memory_space<vmem>>, vector<1x1x16xf32>,
        %swap3A_610 = vector.shape_cast %swap3A_609 : vector<1x1x16xf32> to vector<16xf32>
        %swap3A_611 = vector.shape_cast %get3A_604 : vector<16xf32> to vector<1x1x16xf32>
        tpu.vector_store %arg7[%swap3A_606, %swap3A_607, %swap3A_608], %swap3A_611 {add = true, strides = array<i32>} : memref<3x200x128xf32, #tpu.memory_space<vmem>>, vector<1x1x16xf32>,
        %get3A_612 = arith.index_cast %add3A_589 : i32 to index
        %get3A_613 = arith.constant 32 : index
        %get3A_614 = tpu.vector_load %arg8[%get3A_612, %get3A_613] {strides = array<i32>} : memref<200x128xf32, #tpu.memory_space<vmem>>, vector<1x16xf32>,
        %get3A_615 = vector.shape_cast %get3A_614 : vector<1x16xf32> to vector<16xf32>
        %swap3A_616 = arith.constant 1 : i32
        %swap3A_617 = arith.index_cast %swap3A_616 : i32 to index
        %swap3A_618 = arith.index_cast %add3A_589 : i32 to index
        %swap3A_619 = arith.constant 32 : index
        %swap3A_620 = tpu.vector_load %arg7[%swap3A_617, %swap3A_618, %swap3A_619] {strides = array<i32>} : memref<3x200x128xf32, #tpu.memory_space<vmem>>, vector<1x1x16xf32>,
        %swap3A_621 = vector.shape_cast %swap3A_620 : vector<1x1x16xf32> to vector<16xf32>
        %swap3A_622 = vector.shape_cast %get3A_615 : vector<16xf32> to vector<1x1x16xf32>
        tpu.vector_store %arg7[%swap3A_617, %swap3A_618, %swap3A_619], %swap3A_622 {add = true, strides = array<i32>} : memref<3x200x128xf32, #tpu.memory_space<vmem>>, vector<1x1x16xf32>,
        %get3A_623 = arith.index_cast %add3A_589 : i32 to index
        %get3A_624 = arith.constant 48 : index
        %get3A_625 = tpu.vector_load %arg8[%get3A_623, %get3A_624] {strides = array<i32>} : memref<200x128xf32, #tpu.memory_space<vmem>>, vector<1x16xf32>,
        %get3A_626 = vector.shape_cast %get3A_625 : vector<1x16xf32> to vector<16xf32>
        %swap3A_627 = arith.constant 1 : i32
        %swap3A_628 = arith.index_cast %swap3A_627 : i32 to index
        %swap3A_629 = arith.index_cast %add3A_589 : i32 to index
        %swap3A_630 = arith.constant 48 : index
        %swap3A_631 = tpu.vector_load %arg7[%swap3A_628, %swap3A_629, %swap3A_630] {strides = array<i32>} : memref<3x200x128xf32, #tpu.memory_space<vmem>>, vector<1x1x16xf32>,
        %swap3A_632 = vector.shape_cast %swap3A_631 : vector<1x1x16xf32> to vector<16xf32>
        %swap3A_633 = vector.shape_cast %get3A_626 : vector<16xf32> to vector<1x1x16xf32>
        tpu.vector_store %arg7[%swap3A_628, %swap3A_629, %swap3A_630], %swap3A_633 {add = true, strides = array<i32>} : memref<3x200x128xf32, #tpu.memory_space<vmem>>, vector<1x1x16xf32>,
        %get3A_634 = arith.index_cast %add3A_589 : i32 to index
        %get3A_635 = arith.constant 64 : index
        %get3A_636 = tpu.vector_load %arg8[%get3A_634, %get3A_635] {strides = array<i32>} : memref<200x128xf32, #tpu.memory_space<vmem>>, vector<1x16xf32>,
        %get3A_637 = vector.shape_cast %get3A_636 : vector<1x16xf32> to vector<16xf32>
        %swap3A_638 = arith.constant 1 : i32
        %swap3A_639 = arith.index_cast %swap3A_638 : i32 to index
        %swap3A_640 = arith.index_cast %add3A_589 : i32 to index
        %swap3A_641 = arith.constant 64 : index
        %swap3A_642 = tpu.vector_load %arg7[%swap3A_639, %swap3A_640, %swap3A_641] {strides = array<i32>} : memref<3x200x128xf32, #tpu.memory_space<vmem>>, vector<1x1x16xf32>,
        %swap3A_643 = vector.shape_cast %swap3A_642 : vector<1x1x16xf32> to vector<16xf32>
        %swap3A_644 = vector.shape_cast %get3A_637 : vector<16xf32> to vector<1x1x16xf32>
        tpu.vector_store %arg7[%swap3A_639, %swap3A_640, %swap3A_641], %swap3A_644 {add = true, strides = array<i32>} : memref<3x200x128xf32, #tpu.memory_space<vmem>>, vector<1x1x16xf32>,
        %get3A_645 = arith.index_cast %add3A_589 : i32 to index
        %get3A_646 = arith.constant 80 : index
        %get3A_647 = tpu.vector_load %arg8[%get3A_645, %get3A_646] {strides = array<i32>} : memref<200x128xf32, #tpu.memory_space<vmem>>, vector<1x16xf32>,
        %get3A_648 = vector.shape_cast %get3A_647 : vector<1x16xf32> to vector<16xf32>
        %swap3A_649 = arith.constant 1 : i32
        %swap3A_650 = arith.index_cast %swap3A_649 : i32 to index
        %swap3A_651 = arith.index_cast %add3A_589 : i32 to index
        %swap3A_652 = arith.constant 80 : index
        %swap3A_653 = tpu.vector_load %arg7[%swap3A_650, %swap3A_651, %swap3A_652] {strides = array<i32>} : memref<3x200x128xf32, #tpu.memory_space<vmem>>, vector<1x1x16xf32>,
        %swap3A_654 = vector.shape_cast %swap3A_653 : vector<1x1x16xf32> to vector<16xf32>
        %swap3A_655 = vector.shape_cast %get3A_648 : vector<16xf32> to vector<1x1x16xf32>
        tpu.vector_store %arg7[%swap3A_650, %swap3A_651, %swap3A_652], %swap3A_655 {add = true, strides = array<i32>} : memref<3x200x128xf32, #tpu.memory_space<vmem>>, vector<1x1x16xf32>,
        %get3A_656 = arith.index_cast %add3A_589 : i32 to index
        %get3A_657 = arith.constant 96 : index
        %get3A_658 = tpu.vector_load %arg8[%get3A_656, %get3A_657] {strides = array<i32>} : memref<200x128xf32, #tpu.memory_space<vmem>>, vector<1x16xf32>,
        %get3A_659 = vector.shape_cast %get3A_658 : vector<1x16xf32> to vector<16xf32>
        %swap3A_660 = arith.constant 1 : i32
        %swap3A_661 = arith.index_cast %swap3A_660 : i32 to index
        %swap3A_662 = arith.index_cast %add3A_589 : i32 to index
        %swap3A_663 = arith.constant 96 : index
        %swap3A_664 = tpu.vector_load %arg7[%swap3A_661, %swap3A_662, %swap3A_663] {strides = array<i32>} : memref<3x200x128xf32, #tpu.memory_space<vmem>>, vector<1x1x16xf32>,
        %swap3A_665 = vector.shape_cast %swap3A_664 : vector<1x1x16xf32> to vector<16xf32>
        %swap3A_666 = vector.shape_cast %get3A_659 : vector<16xf32> to vector<1x1x16xf32>
        tpu.vector_store %arg7[%swap3A_661, %swap3A_662, %swap3A_663], %swap3A_666 {add = true, strides = array<i32>} : memref<3x200x128xf32, #tpu.memory_space<vmem>>, vector<1x1x16xf32>,
        %get3A_667 = arith.index_cast %add3A_589 : i32 to index
        %get3A_668 = arith.constant 112 : index
        %get3A_669 = tpu.vector_load %arg8[%get3A_667, %get3A_668] {strides = array<i32>} : memref<200x128xf32, #tpu.memory_space<vmem>>, vector<1x16xf32>,
        %get3A_670 = vector.shape_cast %get3A_669 : vector<1x16xf32> to vector<16xf32>
        %swap3A_671 = arith.constant 1 : i32
        %swap3A_672 = arith.index_cast %swap3A_671 : i32 to index
        %swap3A_673 = arith.index_cast %add3A_589 : i32 to index
        %swap3A_674 = arith.constant 112 : index
        %swap3A_675 = tpu.vector_load %arg7[%swap3A_672, %swap3A_673, %swap3A_674] {strides = array<i32>} : memref<3x200x128xf32, #tpu.memory_space<vmem>>, vector<1x1x16xf32>,
        %swap3A_676 = vector.shape_cast %swap3A_675 : vector<1x1x16xf32> to vector<16xf32>
        %swap3A_677 = vector.shape_cast %get3A_670 : vector<16xf32> to vector<1x1x16xf32>
        tpu.vector_store %arg7[%swap3A_672, %swap3A_673, %swap3A_674], %swap3A_677 {add = true, strides = array<i32>} : memref<3x200x128xf32, #tpu.memory_space<vmem>>, vector<1x1x16xf32>,
      }
      %scan3A_239 = arith.constant 50 : i32
      %mul3A_240 = arith.constant 200 : i32
      %mul3A_241 = arith.muli %add3A_204, %mul3A_240 : i32
      %add3A_242 = arith.addi %mul3A_2, %mul3A_241 : i32
      %dma_start3A_243 = arith.constant 1 : i32
      %dma_start3A_244 = arith.constant 0 : i32
      %dma_start3A_245 = arith.constant 0 : i32
      %dma_start3A_246 = tpu.memref_slice %arg7[%dma_start3A_243, %dma_start3A_244, %dma_start3A_245] : memref<3x200x128xf32, #tpu.memory_space<vmem>> -> memref<1x200x128xf32, #tpu.memory_space<vmem>>
      %dma_start3A_247 = tpu.memref_squeeze %dma_start3A_246 : memref<1x200x128xf32, #tpu.memory_space<vmem>> -> memref<200x128xf32, #tpu.memory_space<vmem>>
      %dma_start3A_248 = arith.constant 0 : i32
      %dma_start3A_249 = tpu.memref_slice %arg5[%add3A_242, %dma_start3A_248] : memref<819200x128xf32, #tpu.memory_space<hbm>> -> memref<200x128xf32, #tpu.memory_space<hbm>>
      %dma_start3A_250 = arith.constant 0 : i32
      %dma_start3A_251 = tpu.memref_slice %arg5[%add3A_242, %dma_start3A_250] : memref<819200x128xf32, #tpu.memory_space<hbm>> -> memref<200x128xf32, #tpu.memory_space<hbm>>
      %dma_start3A_252 = arith.constant 0 : i32
      %dma_start3A_253 = arith.constant 0 : i32
      %dma_start3A_254 = tpu.memref_slice %arg7[%dma_start3A_243, %dma_start3A_252, %dma_start3A_253] : memref<3x200x128xf32, #tpu.memory_space<vmem>> -> memref<1x200x128xf32, #tpu.memory_space<vmem>>
      %dma_start3A_255 = tpu.memref_squeeze %dma_start3A_254 : memref<1x200x128xf32, #tpu.memory_space<vmem>> -> memref<200x128xf32, #tpu.memory_space<vmem>>
      tpu.enqueue_dma source(%dma_start3A_255 : memref<200x128xf32, #tpu.memory_space<vmem>>) target(%dma_start3A_251 : memref<200x128xf32, #tpu.memory_space<hbm>>) target_semaphore(%arg14 : memref<!tpu.dma_semaphore, #tpu.memory_space<semaphore_mem>>)
      %mul3A_256 = arith.constant 3 : i32
      %mul3A_257 = arith.muli %scan3A_148, %mul3A_256 : i32
      %add3A_258 = arith.constant 2 : i32
      %add3A_259 = arith.addi %mul3A_257, %add3A_258 : i32
      %ge3A_260 = arith.constant 2 : i32
      %ge3A_261 = arith.cmpi sge, %add3A_259, %ge3A_260 : i32
      %convert_element_type3A_262 = arith.extui %ge3A_261 : i1 to i32
      %cond3A_263 = arith.constant 0 : i32
      %cond3A_264 = arith.cmpi ne, %convert_element_type3A_262, %cond3A_263 : i32
      scf.if %cond3A_264 {
        %sub3A = arith.constant 2 : i32
        %sub3A_311 = arith.subi %add3A_259, %sub3A : i32
        %mul3A_312 = arith.constant 200 : i32
        %mul3A_313 = arith.muli %sub3A_311, %mul3A_312 : i32
        %add3A_314 = arith.addi %mul3A_2, %mul3A_313 : i32
        %dma_wait3A_315 = arith.constant 0 : i32
        %dma_wait3A_316 = arith.constant 0 : i32
        %dma_wait3A_317 = arith.constant 0 : i32
        %dma_wait3A_318 = tpu.memref_slice %arg7[%dma_wait3A_315, %dma_wait3A_316, %dma_wait3A_317] : memref<3x200x128xf32, #tpu.memory_space<vmem>> -> memref<1x200x128xf32, #tpu.memory_space<vmem>>
        %dma_wait3A_319 = tpu.memref_squeeze %dma_wait3A_318 : memref<1x200x128xf32, #tpu.memory_space<vmem>> -> memref<200x128xf32, #tpu.memory_space<vmem>>
        %dma_wait3A_320 = arith.constant 0 : i32
        %dma_wait3A_321 = tpu.memref_slice %arg5[%add3A_314, %dma_wait3A_320] : memref<819200x128xf32, #tpu.memory_space<hbm>> -> memref<200x128xf32, #tpu.memory_space<hbm>>
        %dma_wait3A_322 = arith.constant 0 : i32
        %dma_wait3A_323 = tpu.memref_slice %arg5[%add3A_314, %dma_wait3A_322] : memref<819200x128xf32, #tpu.memory_space<hbm>> -> memref<200x128xf32, #tpu.memory_space<hbm>>
        %dma_wait3A_324 = arith.constant 0 : i32
        %dma_wait3A_325 = arith.constant 0 : i32
        %dma_wait3A_326 = tpu.memref_slice %arg7[%dma_wait3A_315, %dma_wait3A_324, %dma_wait3A_325] : memref<3x200x128xf32, #tpu.memory_space<vmem>> -> memref<1x200x128xf32, #tpu.memory_space<vmem>>
        %dma_wait3A_327 = tpu.memref_squeeze %dma_wait3A_326 : memref<1x200x128xf32, #tpu.memory_space<vmem>> -> memref<200x128xf32, #tpu.memory_space<vmem>>
        tpu.wait_dma2 semaphore(%arg13 : memref<!tpu.dma_semaphore, #tpu.memory_space<semaphore_mem>>) src(%dma_wait3A_327 : memref<200x128xf32, #tpu.memory_space<vmem>>) dst(%dma_wait3A_323 : memref<200x128xf32, #tpu.memory_space<hbm>>)
      } else {
      }
      %add3A_265 = arith.constant 1 : i32
      %add3A_266 = arith.addi %add3A_259, %add3A_265 : i32
      %mul3A_267 = arith.constant 200 : i32
      %mul3A_268 = arith.muli %add3A_266, %mul3A_267 : i32
      %dma_start3A_269 = arith.constant 0 : i32
      %dma_start3A_270 = arith.constant 0 : i32
      %dma_start3A_271 = arith.constant 0 : i32
      %dma_start3A_272 = tpu.memref_slice %arg7[%dma_start3A_269, %dma_start3A_270, %dma_start3A_271] : memref<3x200x128xf32, #tpu.memory_space<vmem>> -> memref<1x200x128xf32, #tpu.memory_space<vmem>>
      %dma_start3A_273 = tpu.memref_squeeze %dma_start3A_272 : memref<1x200x128xf32, #tpu.memory_space<vmem>> -> memref<200x128xf32, #tpu.memory_space<vmem>>
      %dma_start3A_274 = tpu.memref_slice %arg6[%mul3A_268] : memref<25600xi32, #tpu.memory_space<vmem>> -> memref<200xi32, #tpu.memory_space<vmem>>
      %dma_start3A_275 = arith.constant 0 : i32
      %dma_start3A_276 = arith.constant 0 : i32
      %dma_start3A_277 = tpu.memref_slice %arg3[%dma_start3A_275, %dma_start3A_276] : memref<100000x128xf32, #tpu.memory_space<hbm>> -> memref<100000x128xf32, #tpu.memory_space<hbm>>
      tpu.enqueue_indirect_dma source(%dma_start3A_277 : memref<100000x128xf32, #tpu.memory_space<hbm>>) target(%dma_start3A_273 : memref<200x128xf32, #tpu.memory_space<vmem>>) offsets(%dma_start3A_274 : memref<200xi32, #tpu.memory_space<vmem>>) semaphore(%arg10 : memref<!tpu.dma_semaphore, #tpu.memory_space<semaphore_mem>>)
      %mul3A_278 = arith.constant 200 : i32
      %mul3A_279 = arith.muli %add3A_259, %mul3A_278 : i32
      %dma_wait3A_280 = arith.constant 2 : i32
      %dma_wait3A_281 = arith.constant 0 : i32
      %dma_wait3A_282 = arith.constant 0 : i32
      %dma_wait3A_283 = tpu.memref_slice %arg7[%dma_wait3A_280, %dma_wait3A_281, %dma_wait3A_282] : memref<3x200x128xf32, #tpu.memory_space<vmem>> -> memref<1x200x128xf32, #tpu.memory_space<vmem>>
      %dma_wait3A_284 = tpu.memref_squeeze %dma_wait3A_283 : memref<1x200x128xf32, #tpu.memory_space<vmem>> -> memref<200x128xf32, #tpu.memory_space<vmem>>
      %dma_wait3A_285 = tpu.memref_slice %arg6[%mul3A_279] : memref<25600xi32, #tpu.memory_space<vmem>> -> memref<200xi32, #tpu.memory_space<vmem>>
      %dma_wait3A_286 = arith.constant 0 : i32
      %dma_wait3A_287 = arith.constant 0 : i32
      %dma_wait3A_288 = tpu.memref_slice %arg3[%dma_wait3A_286, %dma_wait3A_287] : memref<100000x128xf32, #tpu.memory_space<hbm>> -> memref<100000x128xf32, #tpu.memory_space<hbm>>
      tpu.wait_indirect_dma semaphore(%arg12 : memref<!tpu.dma_semaphore, #tpu.memory_space<semaphore_mem>>) src(%dma_wait3A_288 : memref<100000x128xf32, #tpu.memory_space<hbm>>) dst(%dma_wait3A_284 : memref<200x128xf32, #tpu.memory_space<vmem>>)
      %scan3A_289 = arith.constant 0 : i32
      %scan3A_290 = arith.constant 0 : i32
      %scan3A_291 = arith.constant 50 : i32
      %scan3A_292 = arith.addi %scan3A_290, %scan3A_291 : i32
      %scan3A_293 = arith.constant 1 : i32
      scf.for %scan3A_311 = %scan3A_290 to %scan3A_292 step %scan3A_293  : i32 {
        %mul3A_312 = arith.constant 4 : i32
        %mul3A_313 = arith.muli %scan3A_311, %mul3A_312 : i32
        %add3A_314 = arith.constant 0 : i32
        %add3A_315 = arith.addi %mul3A_313, %add3A_314 : i32
        %get3A = arith.index_cast %add3A_315 : i32 to index
        %get3A_316 = arith.constant 0 : index
        %get3A_317 = tpu.vector_load %arg8[%get3A, %get3A_316] {strides = array<i32>} : memref<200x128xf32, #tpu.memory_space<vmem>>, vector<1x16xf32>,
        %get3A_318 = vector.shape_cast %get3A_317 : vector<1x16xf32> to vector<16xf32>
        %swap3A = arith.constant 2 : i32
        %swap3A_319 = arith.index_cast %swap3A : i32 to index
        %swap3A_320 = arith.index_cast %add3A_315 : i32 to index
        %swap3A_321 = arith.constant 0 : index
        %swap3A_322 = tpu.vector_load %arg7[%swap3A_319, %swap3A_320, %swap3A_321] {strides = array<i32>} : memref<3x200x128xf32, #tpu.memory_space<vmem>>, vector<1x1x16xf32>,
        %swap3A_323 = vector.shape_cast %swap3A_322 : vector<1x1x16xf32> to vector<16xf32>
        %swap3A_324 = vector.shape_cast %get3A_318 : vector<16xf32> to vector<1x1x16xf32>
        tpu.vector_store %arg7[%swap3A_319, %swap3A_320, %swap3A_321], %swap3A_324 {add = true, strides = array<i32>} : memref<3x200x128xf32, #tpu.memory_space<vmem>>, vector<1x1x16xf32>,
        %get3A_325 = arith.index_cast %add3A_315 : i32 to index
        %get3A_326 = arith.constant 16 : index
        %get3A_327 = tpu.vector_load %arg8[%get3A_325, %get3A_326] {strides = array<i32>} : memref<200x128xf32, #tpu.memory_space<vmem>>, vector<1x16xf32>,
        %get3A_328 = vector.shape_cast %get3A_327 : vector<1x16xf32> to vector<16xf32>
        %swap3A_329 = arith.constant 2 : i32
        %swap3A_330 = arith.index_cast %swap3A_329 : i32 to index
        %swap3A_331 = arith.index_cast %add3A_315 : i32 to index
        %swap3A_332 = arith.constant 16 : index
        %swap3A_333 = tpu.vector_load %arg7[%swap3A_330, %swap3A_331, %swap3A_332] {strides = array<i32>} : memref<3x200x128xf32, #tpu.memory_space<vmem>>, vector<1x1x16xf32>,
        %swap3A_334 = vector.shape_cast %swap3A_333 : vector<1x1x16xf32> to vector<16xf32>
        %swap3A_335 = vector.shape_cast %get3A_328 : vector<16xf32> to vector<1x1x16xf32>
        tpu.vector_store %arg7[%swap3A_330, %swap3A_331, %swap3A_332], %swap3A_335 {add = true, strides = array<i32>} : memref<3x200x128xf32, #tpu.memory_space<vmem>>, vector<1x1x16xf32>,
        %get3A_336 = arith.index_cast %add3A_315 : i32 to index
        %get3A_337 = arith.constant 32 : index
        %get3A_338 = tpu.vector_load %arg8[%get3A_336, %get3A_337] {strides = array<i32>} : memref<200x128xf32, #tpu.memory_space<vmem>>, vector<1x16xf32>,
        %get3A_339 = vector.shape_cast %get3A_338 : vector<1x16xf32> to vector<16xf32>
        %swap3A_340 = arith.constant 2 : i32
        %swap3A_341 = arith.index_cast %swap3A_340 : i32 to index
        %swap3A_342 = arith.index_cast %add3A_315 : i32 to index
        %swap3A_343 = arith.constant 32 : index
        %swap3A_344 = tpu.vector_load %arg7[%swap3A_341, %swap3A_342, %swap3A_343] {strides = array<i32>} : memref<3x200x128xf32, #tpu.memory_space<vmem>>, vector<1x1x16xf32>,
        %swap3A_345 = vector.shape_cast %swap3A_344 : vector<1x1x16xf32> to vector<16xf32>
        %swap3A_346 = vector.shape_cast %get3A_339 : vector<16xf32> to vector<1x1x16xf32>
        tpu.vector_store %arg7[%swap3A_341, %swap3A_342, %swap3A_343], %swap3A_346 {add = true, strides = array<i32>} : memref<3x200x128xf32, #tpu.memory_space<vmem>>, vector<1x1x16xf32>,
        %get3A_347 = arith.index_cast %add3A_315 : i32 to index
        %get3A_348 = arith.constant 48 : index
        %get3A_349 = tpu.vector_load %arg8[%get3A_347, %get3A_348] {strides = array<i32>} : memref<200x128xf32, #tpu.memory_space<vmem>>, vector<1x16xf32>,
        %get3A_350 = vector.shape_cast %get3A_349 : vector<1x16xf32> to vector<16xf32>
        %swap3A_351 = arith.constant 2 : i32
        %swap3A_352 = arith.index_cast %swap3A_351 : i32 to index
        %swap3A_353 = arith.index_cast %add3A_315 : i32 to index
        %swap3A_354 = arith.constant 48 : index
        %swap3A_355 = tpu.vector_load %arg7[%swap3A_352, %swap3A_353, %swap3A_354] {strides = array<i32>} : memref<3x200x128xf32, #tpu.memory_space<vmem>>, vector<1x1x16xf32>,
        %swap3A_356 = vector.shape_cast %swap3A_355 : vector<1x1x16xf32> to vector<16xf32>
        %swap3A_357 = vector.shape_cast %get3A_350 : vector<16xf32> to vector<1x1x16xf32>
        tpu.vector_store %arg7[%swap3A_352, %swap3A_353, %swap3A_354], %swap3A_357 {add = true, strides = array<i32>} : memref<3x200x128xf32, #tpu.memory_space<vmem>>, vector<1x1x16xf32>,
        %get3A_358 = arith.index_cast %add3A_315 : i32 to index
        %get3A_359 = arith.constant 64 : index
        %get3A_360 = tpu.vector_load %arg8[%get3A_358, %get3A_359] {strides = array<i32>} : memref<200x128xf32, #tpu.memory_space<vmem>>, vector<1x16xf32>,
        %get3A_361 = vector.shape_cast %get3A_360 : vector<1x16xf32> to vector<16xf32>
        %swap3A_362 = arith.constant 2 : i32
        %swap3A_363 = arith.index_cast %swap3A_362 : i32 to index
        %swap3A_364 = arith.index_cast %add3A_315 : i32 to index
        %swap3A_365 = arith.constant 64 : index
        %swap3A_366 = tpu.vector_load %arg7[%swap3A_363, %swap3A_364, %swap3A_365] {strides = array<i32>} : memref<3x200x128xf32, #tpu.memory_space<vmem>>, vector<1x1x16xf32>,
        %swap3A_367 = vector.shape_cast %swap3A_366 : vector<1x1x16xf32> to vector<16xf32>
        %swap3A_368 = vector.shape_cast %get3A_361 : vector<16xf32> to vector<1x1x16xf32>
        tpu.vector_store %arg7[%swap3A_363, %swap3A_364, %swap3A_365], %swap3A_368 {add = true, strides = array<i32>} : memref<3x200x128xf32, #tpu.memory_space<vmem>>, vector<1x1x16xf32>,
        %get3A_369 = arith.index_cast %add3A_315 : i32 to index
        %get3A_370 = arith.constant 80 : index
        %get3A_371 = tpu.vector_load %arg8[%get3A_369, %get3A_370] {strides = array<i32>} : memref<200x128xf32, #tpu.memory_space<vmem>>, vector<1x16xf32>,
        %get3A_372 = vector.shape_cast %get3A_371 : vector<1x16xf32> to vector<16xf32>
        %swap3A_373 = arith.constant 2 : i32
        %swap3A_374 = arith.index_cast %swap3A_373 : i32 to index
        %swap3A_375 = arith.index_cast %add3A_315 : i32 to index
        %swap3A_376 = arith.constant 80 : index
        %swap3A_377 = tpu.vector_load %arg7[%swap3A_374, %swap3A_375, %swap3A_376] {strides = array<i32>} : memref<3x200x128xf32, #tpu.memory_space<vmem>>, vector<1x1x16xf32>,
        %swap3A_378 = vector.shape_cast %swap3A_377 : vector<1x1x16xf32> to vector<16xf32>
        %swap3A_379 = vector.shape_cast %get3A_372 : vector<16xf32> to vector<1x1x16xf32>
        tpu.vector_store %arg7[%swap3A_374, %swap3A_375, %swap3A_376], %swap3A_379 {add = true, strides = array<i32>} : memref<3x200x128xf32, #tpu.memory_space<vmem>>, vector<1x1x16xf32>,
        %get3A_380 = arith.index_cast %add3A_315 : i32 to index
        %get3A_381 = arith.constant 96 : index
        %get3A_382 = tpu.vector_load %arg8[%get3A_380, %get3A_381] {strides = array<i32>} : memref<200x128xf32, #tpu.memory_space<vmem>>, vector<1x16xf32>,
        %get3A_383 = vector.shape_cast %get3A_382 : vector<1x16xf32> to vector<16xf32>
        %swap3A_384 = arith.constant 2 : i32
        %swap3A_385 = arith.index_cast %swap3A_384 : i32 to index
        %swap3A_386 = arith.index_cast %add3A_315 : i32 to index
        %swap3A_387 = arith.constant 96 : index
        %swap3A_388 = tpu.vector_load %arg7[%swap3A_385, %swap3A_386, %swap3A_387] {strides = array<i32>} : memref<3x200x128xf32, #tpu.memory_space<vmem>>, vector<1x1x16xf32>,
        %swap3A_389 = vector.shape_cast %swap3A_388 : vector<1x1x16xf32> to vector<16xf32>
        %swap3A_390 = vector.shape_cast %get3A_383 : vector<16xf32> to vector<1x1x16xf32>
        tpu.vector_store %arg7[%swap3A_385, %swap3A_386, %swap3A_387], %swap3A_390 {add = true, strides = array<i32>} : memref<3x200x128xf32, #tpu.memory_space<vmem>>, vector<1x1x16xf32>,
        %get3A_391 = arith.index_cast %add3A_315 : i32 to index
        %get3A_392 = arith.constant 112 : index
        %get3A_393 = tpu.vector_load %arg8[%get3A_391, %get3A_392] {strides = array<i32>} : memref<200x128xf32, #tpu.memory_space<vmem>>, vector<1x16xf32>,
        %get3A_394 = vector.shape_cast %get3A_393 : vector<1x16xf32> to vector<16xf32>
        %swap3A_395 = arith.constant 2 : i32
        %swap3A_396 = arith.index_cast %swap3A_395 : i32 to index
        %swap3A_397 = arith.index_cast %add3A_315 : i32 to index
        %swap3A_398 = arith.constant 112 : index
        %swap3A_399 = tpu.vector_load %arg7[%swap3A_396, %swap3A_397, %swap3A_398] {strides = array<i32>} : memref<3x200x128xf32, #tpu.memory_space<vmem>>, vector<1x1x16xf32>,
        %swap3A_400 = vector.shape_cast %swap3A_399 : vector<1x1x16xf32> to vector<16xf32>
        %swap3A_401 = vector.shape_cast %get3A_394 : vector<16xf32> to vector<1x1x16xf32>
        tpu.vector_store %arg7[%swap3A_396, %swap3A_397, %swap3A_398], %swap3A_401 {add = true, strides = array<i32>} : memref<3x200x128xf32, #tpu.memory_space<vmem>>, vector<1x1x16xf32>,
        %mul3A_402 = arith.constant 4 : i32
        %mul3A_403 = arith.muli %scan3A_311, %mul3A_402 : i32
        %add3A_404 = arith.constant 1 : i32
        %add3A_405 = arith.addi %mul3A_403, %add3A_404 : i32
        %get3A_406 = arith.index_cast %add3A_405 : i32 to index
        %get3A_407 = arith.constant 0 : index
        %get3A_408 = tpu.vector_load %arg8[%get3A_406, %get3A_407] {strides = array<i32>} : memref<200x128xf32, #tpu.memory_space<vmem>>, vector<1x16xf32>,
        %get3A_409 = vector.shape_cast %get3A_408 : vector<1x16xf32> to vector<16xf32>
        %swap3A_410 = arith.constant 2 : i32
        %swap3A_411 = arith.index_cast %swap3A_410 : i32 to index
        %swap3A_412 = arith.index_cast %add3A_405 : i32 to index
        %swap3A_413 = arith.constant 0 : index
        %swap3A_414 = tpu.vector_load %arg7[%swap3A_411, %swap3A_412, %swap3A_413] {strides = array<i32>} : memref<3x200x128xf32, #tpu.memory_space<vmem>>, vector<1x1x16xf32>,
        %swap3A_415 = vector.shape_cast %swap3A_414 : vector<1x1x16xf32> to vector<16xf32>
        %swap3A_416 = vector.shape_cast %get3A_409 : vector<16xf32> to vector<1x1x16xf32>
        tpu.vector_store %arg7[%swap3A_411, %swap3A_412, %swap3A_413], %swap3A_416 {add = true, strides = array<i32>} : memref<3x200x128xf32, #tpu.memory_space<vmem>>, vector<1x1x16xf32>,
        %get3A_417 = arith.index_cast %add3A_405 : i32 to index
        %get3A_418 = arith.constant 16 : index
        %get3A_419 = tpu.vector_load %arg8[%get3A_417, %get3A_418] {strides = array<i32>} : memref<200x128xf32, #tpu.memory_space<vmem>>, vector<1x16xf32>,
        %get3A_420 = vector.shape_cast %get3A_419 : vector<1x16xf32> to vector<16xf32>
        %swap3A_421 = arith.constant 2 : i32
        %swap3A_422 = arith.index_cast %swap3A_421 : i32 to index
        %swap3A_423 = arith.index_cast %add3A_405 : i32 to index
        %swap3A_424 = arith.constant 16 : index
        %swap3A_425 = tpu.vector_load %arg7[%swap3A_422, %swap3A_423, %swap3A_424] {strides = array<i32>} : memref<3x200x128xf32, #tpu.memory_space<vmem>>, vector<1x1x16xf32>,
        %swap3A_426 = vector.shape_cast %swap3A_425 : vector<1x1x16xf32> to vector<16xf32>
        %swap3A_427 = vector.shape_cast %get3A_420 : vector<16xf32> to vector<1x1x16xf32>
        tpu.vector_store %arg7[%swap3A_422, %swap3A_423, %swap3A_424], %swap3A_427 {add = true, strides = array<i32>} : memref<3x200x128xf32, #tpu.memory_space<vmem>>, vector<1x1x16xf32>,
        %get3A_428 = arith.index_cast %add3A_405 : i32 to index
        %get3A_429 = arith.constant 32 : index
        %get3A_430 = tpu.vector_load %arg8[%get3A_428, %get3A_429] {strides = array<i32>} : memref<200x128xf32, #tpu.memory_space<vmem>>, vector<1x16xf32>,
        %get3A_431 = vector.shape_cast %get3A_430 : vector<1x16xf32> to vector<16xf32>
        %swap3A_432 = arith.constant 2 : i32
        %swap3A_433 = arith.index_cast %swap3A_432 : i32 to index
        %swap3A_434 = arith.index_cast %add3A_405 : i32 to index
        %swap3A_435 = arith.constant 32 : index
        %swap3A_436 = tpu.vector_load %arg7[%swap3A_433, %swap3A_434, %swap3A_435] {strides = array<i32>} : memref<3x200x128xf32, #tpu.memory_space<vmem>>, vector<1x1x16xf32>,
        %swap3A_437 = vector.shape_cast %swap3A_436 : vector<1x1x16xf32> to vector<16xf32>
        %swap3A_438 = vector.shape_cast %get3A_431 : vector<16xf32> to vector<1x1x16xf32>
        tpu.vector_store %arg7[%swap3A_433, %swap3A_434, %swap3A_435], %swap3A_438 {add = true, strides = array<i32>} : memref<3x200x128xf32, #tpu.memory_space<vmem>>, vector<1x1x16xf32>,
        %get3A_439 = arith.index_cast %add3A_405 : i32 to index
        %get3A_440 = arith.constant 48 : index
        %get3A_441 = tpu.vector_load %arg8[%get3A_439, %get3A_440] {strides = array<i32>} : memref<200x128xf32, #tpu.memory_space<vmem>>, vector<1x16xf32>,
        %get3A_442 = vector.shape_cast %get3A_441 : vector<1x16xf32> to vector<16xf32>
        %swap3A_443 = arith.constant 2 : i32
        %swap3A_444 = arith.index_cast %swap3A_443 : i32 to index
        %swap3A_445 = arith.index_cast %add3A_405 : i32 to index
        %swap3A_446 = arith.constant 48 : index
        %swap3A_447 = tpu.vector_load %arg7[%swap3A_444, %swap3A_445, %swap3A_446] {strides = array<i32>} : memref<3x200x128xf32, #tpu.memory_space<vmem>>, vector<1x1x16xf32>,
        %swap3A_448 = vector.shape_cast %swap3A_447 : vector<1x1x16xf32> to vector<16xf32>
        %swap3A_449 = vector.shape_cast %get3A_442 : vector<16xf32> to vector<1x1x16xf32>
        tpu.vector_store %arg7[%swap3A_444, %swap3A_445, %swap3A_446], %swap3A_449 {add = true, strides = array<i32>} : memref<3x200x128xf32, #tpu.memory_space<vmem>>, vector<1x1x16xf32>,
        %get3A_450 = arith.index_cast %add3A_405 : i32 to index
        %get3A_451 = arith.constant 64 : index
        %get3A_452 = tpu.vector_load %arg8[%get3A_450, %get3A_451] {strides = array<i32>} : memref<200x128xf32, #tpu.memory_space<vmem>>, vector<1x16xf32>,
        %get3A_453 = vector.shape_cast %get3A_452 : vector<1x16xf32> to vector<16xf32>
        %swap3A_454 = arith.constant 2 : i32
        %swap3A_455 = arith.index_cast %swap3A_454 : i32 to index
        %swap3A_456 = arith.index_cast %add3A_405 : i32 to index
        %swap3A_457 = arith.constant 64 : index
        %swap3A_458 = tpu.vector_load %arg7[%swap3A_455, %swap3A_456, %swap3A_457] {strides = array<i32>} : memref<3x200x128xf32, #tpu.memory_space<vmem>>, vector<1x1x16xf32>,
        %swap3A_459 = vector.shape_cast %swap3A_458 : vector<1x1x16xf32> to vector<16xf32>
        %swap3A_460 = vector.shape_cast %get3A_453 : vector<16xf32> to vector<1x1x16xf32>
        tpu.vector_store %arg7[%swap3A_455, %swap3A_456, %swap3A_457], %swap3A_460 {add = true, strides = array<i32>} : memref<3x200x128xf32, #tpu.memory_space<vmem>>, vector<1x1x16xf32>,
        %get3A_461 = arith.index_cast %add3A_405 : i32 to index
        %get3A_462 = arith.constant 80 : index
        %get3A_463 = tpu.vector_load %arg8[%get3A_461, %get3A_462] {strides = array<i32>} : memref<200x128xf32, #tpu.memory_space<vmem>>, vector<1x16xf32>,
        %get3A_464 = vector.shape_cast %get3A_463 : vector<1x16xf32> to vector<16xf32>
        %swap3A_465 = arith.constant 2 : i32
        %swap3A_466 = arith.index_cast %swap3A_465 : i32 to index
        %swap3A_467 = arith.index_cast %add3A_405 : i32 to index
        %swap3A_468 = arith.constant 80 : index
        %swap3A_469 = tpu.vector_load %arg7[%swap3A_466, %swap3A_467, %swap3A_468] {strides = array<i32>} : memref<3x200x128xf32, #tpu.memory_space<vmem>>, vector<1x1x16xf32>,
        %swap3A_470 = vector.shape_cast %swap3A_469 : vector<1x1x16xf32> to vector<16xf32>
        %swap3A_471 = vector.shape_cast %get3A_464 : vector<16xf32> to vector<1x1x16xf32>
        tpu.vector_store %arg7[%swap3A_466, %swap3A_467, %swap3A_468], %swap3A_471 {add = true, strides = array<i32>} : memref<3x200x128xf32, #tpu.memory_space<vmem>>, vector<1x1x16xf32>,
        %get3A_472 = arith.index_cast %add3A_405 : i32 to index
        %get3A_473 = arith.constant 96 : index
        %get3A_474 = tpu.vector_load %arg8[%get3A_472, %get3A_473] {strides = array<i32>} : memref<200x128xf32, #tpu.memory_space<vmem>>, vector<1x16xf32>,
        %get3A_475 = vector.shape_cast %get3A_474 : vector<1x16xf32> to vector<16xf32>
        %swap3A_476 = arith.constant 2 : i32
        %swap3A_477 = arith.index_cast %swap3A_476 : i32 to index
        %swap3A_478 = arith.index_cast %add3A_405 : i32 to index
        %swap3A_479 = arith.constant 96 : index
        %swap3A_480 = tpu.vector_load %arg7[%swap3A_477, %swap3A_478, %swap3A_479] {strides = array<i32>} : memref<3x200x128xf32, #tpu.memory_space<vmem>>, vector<1x1x16xf32>,
        %swap3A_481 = vector.shape_cast %swap3A_480 : vector<1x1x16xf32> to vector<16xf32>
        %swap3A_482 = vector.shape_cast %get3A_475 : vector<16xf32> to vector<1x1x16xf32>
        tpu.vector_store %arg7[%swap3A_477, %swap3A_478, %swap3A_479], %swap3A_482 {add = true, strides = array<i32>} : memref<3x200x128xf32, #tpu.memory_space<vmem>>, vector<1x1x16xf32>,
        %get3A_483 = arith.index_cast %add3A_405 : i32 to index
        %get3A_484 = arith.constant 112 : index
        %get3A_485 = tpu.vector_load %arg8[%get3A_483, %get3A_484] {strides = array<i32>} : memref<200x128xf32, #tpu.memory_space<vmem>>, vector<1x16xf32>,
        %get3A_486 = vector.shape_cast %get3A_485 : vector<1x16xf32> to vector<16xf32>
        %swap3A_487 = arith.constant 2 : i32
        %swap3A_488 = arith.index_cast %swap3A_487 : i32 to index
        %swap3A_489 = arith.index_cast %add3A_405 : i32 to index
        %swap3A_490 = arith.constant 112 : index
        %swap3A_491 = tpu.vector_load %arg7[%swap3A_488, %swap3A_489, %swap3A_490] {strides = array<i32>} : memref<3x200x128xf32, #tpu.memory_space<vmem>>, vector<1x1x16xf32>,
        %swap3A_492 = vector.shape_cast %swap3A_491 : vector<1x1x16xf32> to vector<16xf32>
        %swap3A_493 = vector.shape_cast %get3A_486 : vector<16xf32> to vector<1x1x16xf32>
        tpu.vector_store %arg7[%swap3A_488, %swap3A_489, %swap3A_490], %swap3A_493 {add = true, strides = array<i32>} : memref<3x200x128xf32, #tpu.memory_space<vmem>>, vector<1x1x16xf32>,
        %mul3A_494 = arith.constant 4 : i32
        %mul3A_495 = arith.muli %scan3A_311, %mul3A_494 : i32
        %add3A_496 = arith.constant 2 : i32
        %add3A_497 = arith.addi %mul3A_495, %add3A_496 : i32
        %get3A_498 = arith.index_cast %add3A_497 : i32 to index
        %get3A_499 = arith.constant 0 : index
        %get3A_500 = tpu.vector_load %arg8[%get3A_498, %get3A_499] {strides = array<i32>} : memref<200x128xf32, #tpu.memory_space<vmem>>, vector<1x16xf32>,
        %get3A_501 = vector.shape_cast %get3A_500 : vector<1x16xf32> to vector<16xf32>
        %swap3A_502 = arith.constant 2 : i32
        %swap3A_503 = arith.index_cast %swap3A_502 : i32 to index
        %swap3A_504 = arith.index_cast %add3A_497 : i32 to index
        %swap3A_505 = arith.constant 0 : index
        %swap3A_506 = tpu.vector_load %arg7[%swap3A_503, %swap3A_504, %swap3A_505] {strides = array<i32>} : memref<3x200x128xf32, #tpu.memory_space<vmem>>, vector<1x1x16xf32>,
        %swap3A_507 = vector.shape_cast %swap3A_506 : vector<1x1x16xf32> to vector<16xf32>
        %swap3A_508 = vector.shape_cast %get3A_501 : vector<16xf32> to vector<1x1x16xf32>
        tpu.vector_store %arg7[%swap3A_503, %swap3A_504, %swap3A_505], %swap3A_508 {add = true, strides = array<i32>} : memref<3x200x128xf32, #tpu.memory_space<vmem>>, vector<1x1x16xf32>,
        %get3A_509 = arith.index_cast %add3A_497 : i32 to index
        %get3A_510 = arith.constant 16 : index
        %get3A_511 = tpu.vector_load %arg8[%get3A_509, %get3A_510] {strides = array<i32>} : memref<200x128xf32, #tpu.memory_space<vmem>>, vector<1x16xf32>,
        %get3A_512 = vector.shape_cast %get3A_511 : vector<1x16xf32> to vector<16xf32>
        %swap3A_513 = arith.constant 2 : i32
        %swap3A_514 = arith.index_cast %swap3A_513 : i32 to index
        %swap3A_515 = arith.index_cast %add3A_497 : i32 to index
        %swap3A_516 = arith.constant 16 : index
        %swap3A_517 = tpu.vector_load %arg7[%swap3A_514, %swap3A_515, %swap3A_516] {strides = array<i32>} : memref<3x200x128xf32, #tpu.memory_space<vmem>>, vector<1x1x16xf32>,
        %swap3A_518 = vector.shape_cast %swap3A_517 : vector<1x1x16xf32> to vector<16xf32>
        %swap3A_519 = vector.shape_cast %get3A_512 : vector<16xf32> to vector<1x1x16xf32>
        tpu.vector_store %arg7[%swap3A_514, %swap3A_515, %swap3A_516], %swap3A_519 {add = true, strides = array<i32>} : memref<3x200x128xf32, #tpu.memory_space<vmem>>, vector<1x1x16xf32>,
        %get3A_520 = arith.index_cast %add3A_497 : i32 to index
        %get3A_521 = arith.constant 32 : index
        %get3A_522 = tpu.vector_load %arg8[%get3A_520, %get3A_521] {strides = array<i32>} : memref<200x128xf32, #tpu.memory_space<vmem>>, vector<1x16xf32>,
        %get3A_523 = vector.shape_cast %get3A_522 : vector<1x16xf32> to vector<16xf32>
        %swap3A_524 = arith.constant 2 : i32
        %swap3A_525 = arith.index_cast %swap3A_524 : i32 to index
        %swap3A_526 = arith.index_cast %add3A_497 : i32 to index
        %swap3A_527 = arith.constant 32 : index
        %swap3A_528 = tpu.vector_load %arg7[%swap3A_525, %swap3A_526, %swap3A_527] {strides = array<i32>} : memref<3x200x128xf32, #tpu.memory_space<vmem>>, vector<1x1x16xf32>,
        %swap3A_529 = vector.shape_cast %swap3A_528 : vector<1x1x16xf32> to vector<16xf32>
        %swap3A_530 = vector.shape_cast %get3A_523 : vector<16xf32> to vector<1x1x16xf32>
        tpu.vector_store %arg7[%swap3A_525, %swap3A_526, %swap3A_527], %swap3A_530 {add = true, strides = array<i32>} : memref<3x200x128xf32, #tpu.memory_space<vmem>>, vector<1x1x16xf32>,
        %get3A_531 = arith.index_cast %add3A_497 : i32 to index
        %get3A_532 = arith.constant 48 : index
        %get3A_533 = tpu.vector_load %arg8[%get3A_531, %get3A_532] {strides = array<i32>} : memref<200x128xf32, #tpu.memory_space<vmem>>, vector<1x16xf32>,
        %get3A_534 = vector.shape_cast %get3A_533 : vector<1x16xf32> to vector<16xf32>
        %swap3A_535 = arith.constant 2 : i32
        %swap3A_536 = arith.index_cast %swap3A_535 : i32 to index
        %swap3A_537 = arith.index_cast %add3A_497 : i32 to index
        %swap3A_538 = arith.constant 48 : index
        %swap3A_539 = tpu.vector_load %arg7[%swap3A_536, %swap3A_537, %swap3A_538] {strides = array<i32>} : memref<3x200x128xf32, #tpu.memory_space<vmem>>, vector<1x1x16xf32>,
        %swap3A_540 = vector.shape_cast %swap3A_539 : vector<1x1x16xf32> to vector<16xf32>
        %swap3A_541 = vector.shape_cast %get3A_534 : vector<16xf32> to vector<1x1x16xf32>
        tpu.vector_store %arg7[%swap3A_536, %swap3A_537, %swap3A_538], %swap3A_541 {add = true, strides = array<i32>} : memref<3x200x128xf32, #tpu.memory_space<vmem>>, vector<1x1x16xf32>,
        %get3A_542 = arith.index_cast %add3A_497 : i32 to index
        %get3A_543 = arith.constant 64 : index
        %get3A_544 = tpu.vector_load %arg8[%get3A_542, %get3A_543] {strides = array<i32>} : memref<200x128xf32, #tpu.memory_space<vmem>>, vector<1x16xf32>,
        %get3A_545 = vector.shape_cast %get3A_544 : vector<1x16xf32> to vector<16xf32>
        %swap3A_546 = arith.constant 2 : i32
        %swap3A_547 = arith.index_cast %swap3A_546 : i32 to index
        %swap3A_548 = arith.index_cast %add3A_497 : i32 to index
        %swap3A_549 = arith.constant 64 : index
        %swap3A_550 = tpu.vector_load %arg7[%swap3A_547, %swap3A_548, %swap3A_549] {strides = array<i32>} : memref<3x200x128xf32, #tpu.memory_space<vmem>>, vector<1x1x16xf32>,
        %swap3A_551 = vector.shape_cast %swap3A_550 : vector<1x1x16xf32> to vector<16xf32>
        %swap3A_552 = vector.shape_cast %get3A_545 : vector<16xf32> to vector<1x1x16xf32>
        tpu.vector_store %arg7[%swap3A_547, %swap3A_548, %swap3A_549], %swap3A_552 {add = true, strides = array<i32>} : memref<3x200x128xf32, #tpu.memory_space<vmem>>, vector<1x1x16xf32>,
        %get3A_553 = arith.index_cast %add3A_497 : i32 to index
        %get3A_554 = arith.constant 80 : index
        %get3A_555 = tpu.vector_load %arg8[%get3A_553, %get3A_554] {strides = array<i32>} : memref<200x128xf32, #tpu.memory_space<vmem>>, vector<1x16xf32>,
        %get3A_556 = vector.shape_cast %get3A_555 : vector<1x16xf32> to vector<16xf32>
        %swap3A_557 = arith.constant 2 : i32
        %swap3A_558 = arith.index_cast %swap3A_557 : i32 to index
        %swap3A_559 = arith.index_cast %add3A_497 : i32 to index
        %swap3A_560 = arith.constant 80 : index
        %swap3A_561 = tpu.vector_load %arg7[%swap3A_558, %swap3A_559, %swap3A_560] {strides = array<i32>} : memref<3x200x128xf32, #tpu.memory_space<vmem>>, vector<1x1x16xf32>,
        %swap3A_562 = vector.shape_cast %swap3A_561 : vector<1x1x16xf32> to vector<16xf32>
        %swap3A_563 = vector.shape_cast %get3A_556 : vector<16xf32> to vector<1x1x16xf32>
        tpu.vector_store %arg7[%swap3A_558, %swap3A_559, %swap3A_560], %swap3A_563 {add = true, strides = array<i32>} : memref<3x200x128xf32, #tpu.memory_space<vmem>>, vector<1x1x16xf32>,
        %get3A_564 = arith.index_cast %add3A_497 : i32 to index
        %get3A_565 = arith.constant 96 : index
        %get3A_566 = tpu.vector_load %arg8[%get3A_564, %get3A_565] {strides = array<i32>} : memref<200x128xf32, #tpu.memory_space<vmem>>, vector<1x16xf32>,
        %get3A_567 = vector.shape_cast %get3A_566 : vector<1x16xf32> to vector<16xf32>
        %swap3A_568 = arith.constant 2 : i32
        %swap3A_569 = arith.index_cast %swap3A_568 : i32 to index
        %swap3A_570 = arith.index_cast %add3A_497 : i32 to index
        %swap3A_571 = arith.constant 96 : index
        %swap3A_572 = tpu.vector_load %arg7[%swap3A_569, %swap3A_570, %swap3A_571] {strides = array<i32>} : memref<3x200x128xf32, #tpu.memory_space<vmem>>, vector<1x1x16xf32>,
        %swap3A_573 = vector.shape_cast %swap3A_572 : vector<1x1x16xf32> to vector<16xf32>
        %swap3A_574 = vector.shape_cast %get3A_567 : vector<16xf32> to vector<1x1x16xf32>
        tpu.vector_store %arg7[%swap3A_569, %swap3A_570, %swap3A_571], %swap3A_574 {add = true, strides = array<i32>} : memref<3x200x128xf32, #tpu.memory_space<vmem>>, vector<1x1x16xf32>,
        %get3A_575 = arith.index_cast %add3A_497 : i32 to index
        %get3A_576 = arith.constant 112 : index
        %get3A_577 = tpu.vector_load %arg8[%get3A_575, %get3A_576] {strides = array<i32>} : memref<200x128xf32, #tpu.memory_space<vmem>>, vector<1x16xf32>,
        %get3A_578 = vector.shape_cast %get3A_577 : vector<1x16xf32> to vector<16xf32>
        %swap3A_579 = arith.constant 2 : i32
        %swap3A_580 = arith.index_cast %swap3A_579 : i32 to index
        %swap3A_581 = arith.index_cast %add3A_497 : i32 to index
        %swap3A_582 = arith.constant 112 : index
        %swap3A_583 = tpu.vector_load %arg7[%swap3A_580, %swap3A_581, %swap3A_582] {strides = array<i32>} : memref<3x200x128xf32, #tpu.memory_space<vmem>>, vector<1x1x16xf32>,
        %swap3A_584 = vector.shape_cast %swap3A_583 : vector<1x1x16xf32> to vector<16xf32>
        %swap3A_585 = vector.shape_cast %get3A_578 : vector<16xf32> to vector<1x1x16xf32>
        tpu.vector_store %arg7[%swap3A_580, %swap3A_581, %swap3A_582], %swap3A_585 {add = true, strides = array<i32>} : memref<3x200x128xf32, #tpu.memory_space<vmem>>, vector<1x1x16xf32>,
        %mul3A_586 = arith.constant 4 : i32
        %mul3A_587 = arith.muli %scan3A_311, %mul3A_586 : i32
        %add3A_588 = arith.constant 3 : i32
        %add3A_589 = arith.addi %mul3A_587, %add3A_588 : i32
        %get3A_590 = arith.index_cast %add3A_589 : i32 to index
        %get3A_591 = arith.constant 0 : index
        %get3A_592 = tpu.vector_load %arg8[%get3A_590, %get3A_591] {strides = array<i32>} : memref<200x128xf32, #tpu.memory_space<vmem>>, vector<1x16xf32>,
        %get3A_593 = vector.shape_cast %get3A_592 : vector<1x16xf32> to vector<16xf32>
        %swap3A_594 = arith.constant 2 : i32
        %swap3A_595 = arith.index_cast %swap3A_594 : i32 to index
        %swap3A_596 = arith.index_cast %add3A_589 : i32 to index
        %swap3A_597 = arith.constant 0 : index
        %swap3A_598 = tpu.vector_load %arg7[%swap3A_595, %swap3A_596, %swap3A_597] {strides = array<i32>} : memref<3x200x128xf32, #tpu.memory_space<vmem>>, vector<1x1x16xf32>,
        %swap3A_599 = vector.shape_cast %swap3A_598 : vector<1x1x16xf32> to vector<16xf32>
        %swap3A_600 = vector.shape_cast %get3A_593 : vector<16xf32> to vector<1x1x16xf32>
        tpu.vector_store %arg7[%swap3A_595, %swap3A_596, %swap3A_597], %swap3A_600 {add = true, strides = array<i32>} : memref<3x200x128xf32, #tpu.memory_space<vmem>>, vector<1x1x16xf32>,
        %get3A_601 = arith.index_cast %add3A_589 : i32 to index
        %get3A_602 = arith.constant 16 : index
        %get3A_603 = tpu.vector_load %arg8[%get3A_601, %get3A_602] {strides = array<i32>} : memref<200x128xf32, #tpu.memory_space<vmem>>, vector<1x16xf32>,
        %get3A_604 = vector.shape_cast %get3A_603 : vector<1x16xf32> to vector<16xf32>
        %swap3A_605 = arith.constant 2 : i32
        %swap3A_606 = arith.index_cast %swap3A_605 : i32 to index
        %swap3A_607 = arith.index_cast %add3A_589 : i32 to index
        %swap3A_608 = arith.constant 16 : index
        %swap3A_609 = tpu.vector_load %arg7[%swap3A_606, %swap3A_607, %swap3A_608] {strides = array<i32>} : memref<3x200x128xf32, #tpu.memory_space<vmem>>, vector<1x1x16xf32>,
        %swap3A_610 = vector.shape_cast %swap3A_609 : vector<1x1x16xf32> to vector<16xf32>
        %swap3A_611 = vector.shape_cast %get3A_604 : vector<16xf32> to vector<1x1x16xf32>
        tpu.vector_store %arg7[%swap3A_606, %swap3A_607, %swap3A_608], %swap3A_611 {add = true, strides = array<i32>} : memref<3x200x128xf32, #tpu.memory_space<vmem>>, vector<1x1x16xf32>,
        %get3A_612 = arith.index_cast %add3A_589 : i32 to index
        %get3A_613 = arith.constant 32 : index
        %get3A_614 = tpu.vector_load %arg8[%get3A_612, %get3A_613] {strides = array<i32>} : memref<200x128xf32, #tpu.memory_space<vmem>>, vector<1x16xf32>,
        %get3A_615 = vector.shape_cast %get3A_614 : vector<1x16xf32> to vector<16xf32>
        %swap3A_616 = arith.constant 2 : i32
        %swap3A_617 = arith.index_cast %swap3A_616 : i32 to index
        %swap3A_618 = arith.index_cast %add3A_589 : i32 to index
        %swap3A_619 = arith.constant 32 : index
        %swap3A_620 = tpu.vector_load %arg7[%swap3A_617, %swap3A_618, %swap3A_619] {strides = array<i32>} : memref<3x200x128xf32, #tpu.memory_space<vmem>>, vector<1x1x16xf32>,
        %swap3A_621 = vector.shape_cast %swap3A_620 : vector<1x1x16xf32> to vector<16xf32>
        %swap3A_622 = vector.shape_cast %get3A_615 : vector<16xf32> to vector<1x1x16xf32>
        tpu.vector_store %arg7[%swap3A_617, %swap3A_618, %swap3A_619], %swap3A_622 {add = true, strides = array<i32>} : memref<3x200x128xf32, #tpu.memory_space<vmem>>, vector<1x1x16xf32>,
        %get3A_623 = arith.index_cast %add3A_589 : i32 to index
        %get3A_624 = arith.constant 48 : index
        %get3A_625 = tpu.vector_load %arg8[%get3A_623, %get3A_624] {strides = array<i32>} : memref<200x128xf32, #tpu.memory_space<vmem>>, vector<1x16xf32>,
        %get3A_626 = vector.shape_cast %get3A_625 : vector<1x16xf32> to vector<16xf32>
        %swap3A_627 = arith.constant 2 : i32
        %swap3A_628 = arith.index_cast %swap3A_627 : i32 to index
        %swap3A_629 = arith.index_cast %add3A_589 : i32 to index
        %swap3A_630 = arith.constant 48 : index
        %swap3A_631 = tpu.vector_load %arg7[%swap3A_628, %swap3A_629, %swap3A_630] {strides = array<i32>} : memref<3x200x128xf32, #tpu.memory_space<vmem>>, vector<1x1x16xf32>,
        %swap3A_632 = vector.shape_cast %swap3A_631 : vector<1x1x16xf32> to vector<16xf32>
        %swap3A_633 = vector.shape_cast %get3A_626 : vector<16xf32> to vector<1x1x16xf32>
        tpu.vector_store %arg7[%swap3A_628, %swap3A_629, %swap3A_630], %swap3A_633 {add = true, strides = array<i32>} : memref<3x200x128xf32, #tpu.memory_space<vmem>>, vector<1x1x16xf32>,
        %get3A_634 = arith.index_cast %add3A_589 : i32 to index
        %get3A_635 = arith.constant 64 : index
        %get3A_636 = tpu.vector_load %arg8[%get3A_634, %get3A_635] {strides = array<i32>} : memref<200x128xf32, #tpu.memory_space<vmem>>, vector<1x16xf32>,
        %get3A_637 = vector.shape_cast %get3A_636 : vector<1x16xf32> to vector<16xf32>
        %swap3A_638 = arith.constant 2 : i32
        %swap3A_639 = arith.index_cast %swap3A_638 : i32 to index
        %swap3A_640 = arith.index_cast %add3A_589 : i32 to index
        %swap3A_641 = arith.constant 64 : index
        %swap3A_642 = tpu.vector_load %arg7[%swap3A_639, %swap3A_640, %swap3A_641] {strides = array<i32>} : memref<3x200x128xf32, #tpu.memory_space<vmem>>, vector<1x1x16xf32>,
        %swap3A_643 = vector.shape_cast %swap3A_642 : vector<1x1x16xf32> to vector<16xf32>
        %swap3A_644 = vector.shape_cast %get3A_637 : vector<16xf32> to vector<1x1x16xf32>
        tpu.vector_store %arg7[%swap3A_639, %swap3A_640, %swap3A_641], %swap3A_644 {add = true, strides = array<i32>} : memref<3x200x128xf32, #tpu.memory_space<vmem>>, vector<1x1x16xf32>,
        %get3A_645 = arith.index_cast %add3A_589 : i32 to index
        %get3A_646 = arith.constant 80 : index
        %get3A_647 = tpu.vector_load %arg8[%get3A_645, %get3A_646] {strides = array<i32>} : memref<200x128xf32, #tpu.memory_space<vmem>>, vector<1x16xf32>,
        %get3A_648 = vector.shape_cast %get3A_647 : vector<1x16xf32> to vector<16xf32>
        %swap3A_649 = arith.constant 2 : i32
        %swap3A_650 = arith.index_cast %swap3A_649 : i32 to index
        %swap3A_651 = arith.index_cast %add3A_589 : i32 to index
        %swap3A_652 = arith.constant 80 : index
        %swap3A_653 = tpu.vector_load %arg7[%swap3A_650, %swap3A_651, %swap3A_652] {strides = array<i32>} : memref<3x200x128xf32, #tpu.memory_space<vmem>>, vector<1x1x16xf32>,
        %swap3A_654 = vector.shape_cast %swap3A_653 : vector<1x1x16xf32> to vector<16xf32>
        %swap3A_655 = vector.shape_cast %get3A_648 : vector<16xf32> to vector<1x1x16xf32>
        tpu.vector_store %arg7[%swap3A_650, %swap3A_651, %swap3A_652], %swap3A_655 {add = true, strides = array<i32>} : memref<3x200x128xf32, #tpu.memory_space<vmem>>, vector<1x1x16xf32>,
        %get3A_656 = arith.index_cast %add3A_589 : i32 to index
        %get3A_657 = arith.constant 96 : index
        %get3A_658 = tpu.vector_load %arg8[%get3A_656, %get3A_657] {strides = array<i32>} : memref<200x128xf32, #tpu.memory_space<vmem>>, vector<1x16xf32>,
        %get3A_659 = vector.shape_cast %get3A_658 : vector<1x16xf32> to vector<16xf32>
        %swap3A_660 = arith.constant 2 : i32
        %swap3A_661 = arith.index_cast %swap3A_660 : i32 to index
        %swap3A_662 = arith.index_cast %add3A_589 : i32 to index
        %swap3A_663 = arith.constant 96 : index
        %swap3A_664 = tpu.vector_load %arg7[%swap3A_661, %swap3A_662, %swap3A_663] {strides = array<i32>} : memref<3x200x128xf32, #tpu.memory_space<vmem>>, vector<1x1x16xf32>,
        %swap3A_665 = vector.shape_cast %swap3A_664 : vector<1x1x16xf32> to vector<16xf32>
        %swap3A_666 = vector.shape_cast %get3A_659 : vector<16xf32> to vector<1x1x16xf32>
        tpu.vector_store %arg7[%swap3A_661, %swap3A_662, %swap3A_663], %swap3A_666 {add = true, strides = array<i32>} : memref<3x200x128xf32, #tpu.memory_space<vmem>>, vector<1x1x16xf32>,
        %get3A_667 = arith.index_cast %add3A_589 : i32 to index
        %get3A_668 = arith.constant 112 : index
        %get3A_669 = tpu.vector_load %arg8[%get3A_667, %get3A_668] {strides = array<i32>} : memref<200x128xf32, #tpu.memory_space<vmem>>, vector<1x16xf32>,
        %get3A_670 = vector.shape_cast %get3A_669 : vector<1x16xf32> to vector<16xf32>
        %swap3A_671 = arith.constant 2 : i32
        %swap3A_672 = arith.index_cast %swap3A_671 : i32 to index
        %swap3A_673 = arith.index_cast %add3A_589 : i32 to index
        %swap3A_674 = arith.constant 112 : index
        %swap3A_675 = tpu.vector_load %arg7[%swap3A_672, %swap3A_673, %swap3A_674] {strides = array<i32>} : memref<3x200x128xf32, #tpu.memory_space<vmem>>, vector<1x1x16xf32>,
        %swap3A_676 = vector.shape_cast %swap3A_675 : vector<1x1x16xf32> to vector<16xf32>
        %swap3A_677 = vector.shape_cast %get3A_670 : vector<16xf32> to vector<1x1x16xf32>
        tpu.vector_store %arg7[%swap3A_672, %swap3A_673, %swap3A_674], %swap3A_677 {add = true, strides = array<i32>} : memref<3x200x128xf32, #tpu.memory_space<vmem>>, vector<1x1x16xf32>,
      }
      %scan3A_294 = arith.constant 50 : i32
      %mul3A_295 = arith.constant 200 : i32
      %mul3A_296 = arith.muli %add3A_259, %mul3A_295 : i32
      %add3A_297 = arith.addi %mul3A_2, %mul3A_296 : i32
      %dma_start3A_298 = arith.constant 2 : i32
      %dma_start3A_299 = arith.constant 0 : i32
      %dma_start3A_300 = arith.constant 0 : i32
      %dma_start3A_301 = tpu.memref_slice %arg7[%dma_start3A_298, %dma_start3A_299, %dma_start3A_300] : memref<3x200x128xf32, #tpu.memory_space<vmem>> -> memref<1x200x128xf32, #tpu.memory_space<vmem>>
      %dma_start3A_302 = tpu.memref_squeeze %dma_start3A_301 : memref<1x200x128xf32, #tpu.memory_space<vmem>> -> memref<200x128xf32, #tpu.memory_space<vmem>>
      %dma_start3A_303 = arith.constant 0 : i32
      %dma_start3A_304 = tpu.memref_slice %arg5[%add3A_297, %dma_start3A_303] : memref<819200x128xf32, #tpu.memory_space<hbm>> -> memref<200x128xf32, #tpu.memory_space<hbm>>
      %dma_start3A_305 = arith.constant 0 : i32
      %dma_start3A_306 = tpu.memref_slice %arg5[%add3A_297, %dma_start3A_305] : memref<819200x128xf32, #tpu.memory_space<hbm>> -> memref<200x128xf32, #tpu.memory_space<hbm>>
      %dma_start3A_307 = arith.constant 0 : i32
      %dma_start3A_308 = arith.constant 0 : i32
      %dma_start3A_309 = tpu.memref_slice %arg7[%dma_start3A_298, %dma_start3A_307, %dma_start3A_308] : memref<3x200x128xf32, #tpu.memory_space<vmem>> -> memref<1x200x128xf32, #tpu.memory_space<vmem>>
      %dma_start3A_310 = tpu.memref_squeeze %dma_start3A_309 : memref<1x200x128xf32, #tpu.memory_space<vmem>> -> memref<200x128xf32, #tpu.memory_space<vmem>>
      tpu.enqueue_dma source(%dma_start3A_310 : memref<200x128xf32, #tpu.memory_space<vmem>>) target(%dma_start3A_306 : memref<200x128xf32, #tpu.memory_space<hbm>>) target_semaphore(%arg15 : memref<!tpu.dma_semaphore, #tpu.memory_space<semaphore_mem>>)
    }
    %scan3A_16 = arith.constant 42 : i32
    %add3A_17 = arith.constant 24800 : i32
    %add3A_18 = arith.addi %mul3A_2, %add3A_17 : i32
    %dma_wait3A = arith.constant 1 : i32
    %dma_wait3A_19 = arith.constant 0 : i32
    %dma_wait3A_20 = arith.constant 0 : i32
    %dma_wait3A_21 = tpu.memref_slice %arg7[%dma_wait3A, %dma_wait3A_19, %dma_wait3A_20] : memref<3x200x128xf32, #tpu.memory_space<vmem>> -> memref<1x200x128xf32, #tpu.memory_space<vmem>>
    %dma_wait3A_22 = tpu.memref_squeeze %dma_wait3A_21 : memref<1x200x128xf32, #tpu.memory_space<vmem>> -> memref<200x128xf32, #tpu.memory_space<vmem>>
    %dma_wait3A_23 = arith.constant 0 : i32
    %dma_wait3A_24 = tpu.memref_slice %arg5[%add3A_18, %dma_wait3A_23] : memref<819200x128xf32, #tpu.memory_space<hbm>> -> memref<200x128xf32, #tpu.memory_space<hbm>>
    %dma_wait3A_25 = arith.constant 0 : i32
    %dma_wait3A_26 = tpu.memref_slice %arg5[%add3A_18, %dma_wait3A_25] : memref<819200x128xf32, #tpu.memory_space<hbm>> -> memref<200x128xf32, #tpu.memory_space<hbm>>
    %dma_wait3A_27 = arith.constant 0 : i32
    %dma_wait3A_28 = arith.constant 0 : i32
    %dma_wait3A_29 = tpu.memref_slice %arg7[%dma_wait3A, %dma_wait3A_27, %dma_wait3A_28] : memref<3x200x128xf32, #tpu.memory_space<vmem>> -> memref<1x200x128xf32, #tpu.memory_space<vmem>>
    %dma_wait3A_30 = tpu.memref_squeeze %dma_wait3A_29 : memref<1x200x128xf32, #tpu.memory_space<vmem>> -> memref<200x128xf32, #tpu.memory_space<vmem>>
    tpu.wait_dma2 semaphore(%arg14 : memref<!tpu.dma_semaphore, #tpu.memory_space<semaphore_mem>>) src(%dma_wait3A_30 : memref<200x128xf32, #tpu.memory_space<vmem>>) dst(%dma_wait3A_26 : memref<200x128xf32, #tpu.memory_space<hbm>>)
    %dma_start3A_31 = arith.constant 1 : i32
    %dma_start3A_32 = arith.constant 0 : i32
    %dma_start3A_33 = arith.constant 0 : i32
    %dma_start3A_34 = tpu.memref_slice %arg7[%dma_start3A_31, %dma_start3A_32, %dma_start3A_33] : memref<3x200x128xf32, #tpu.memory_space<vmem>> -> memref<1x200x128xf32, #tpu.memory_space<vmem>>
    %dma_start3A_35 = tpu.memref_squeeze %dma_start3A_34 : memref<1x200x128xf32, #tpu.memory_space<vmem>> -> memref<200x128xf32, #tpu.memory_space<vmem>>
    %dma_start3A_36 = arith.constant 25400 : i32
    %dma_start3A_37 = tpu.memref_slice %arg6[%dma_start3A_36] : memref<25600xi32, #tpu.memory_space<vmem>> -> memref<200xi32, #tpu.memory_space<vmem>>
    %dma_start3A_38 = arith.constant 0 : i32
    %dma_start3A_39 = arith.constant 0 : i32
    %dma_start3A_40 = tpu.memref_slice %arg3[%dma_start3A_38, %dma_start3A_39] : memref<100000x128xf32, #tpu.memory_space<hbm>> -> memref<100000x128xf32, #tpu.memory_space<hbm>>
    tpu.enqueue_indirect_dma source(%dma_start3A_40 : memref<100000x128xf32, #tpu.memory_space<hbm>>) target(%dma_start3A_35 : memref<200x128xf32, #tpu.memory_space<vmem>>) offsets(%dma_start3A_37 : memref<200xi32, #tpu.memory_space<vmem>>) semaphore(%arg11 : memref<!tpu.dma_semaphore, #tpu.memory_space<semaphore_mem>>)
    %dma_wait3A_41 = arith.constant 0 : i32
    %dma_wait3A_42 = arith.constant 0 : i32
    %dma_wait3A_43 = arith.constant 0 : i32
    %dma_wait3A_44 = tpu.memref_slice %arg7[%dma_wait3A_41, %dma_wait3A_42, %dma_wait3A_43] : memref<3x200x128xf32, #tpu.memory_space<vmem>> -> memref<1x200x128xf32, #tpu.memory_space<vmem>>
    %dma_wait3A_45 = tpu.memref_squeeze %dma_wait3A_44 : memref<1x200x128xf32, #tpu.memory_space<vmem>> -> memref<200x128xf32, #tpu.memory_space<vmem>>
    %dma_wait3A_46 = arith.constant 25200 : i32
    %dma_wait3A_47 = tpu.memref_slice %arg6[%dma_wait3A_46] : memref<25600xi32, #tpu.memory_space<vmem>> -> memref<200xi32, #tpu.memory_space<vmem>>
    %dma_wait3A_48 = arith.constant 0 : i32
    %dma_wait3A_49 = arith.constant 0 : i32
    %dma_wait3A_50 = tpu.memref_slice %arg3[%dma_wait3A_48, %dma_wait3A_49] : memref<100000x128xf32, #tpu.memory_space<hbm>> -> memref<100000x128xf32, #tpu.memory_space<hbm>>
    tpu.wait_indirect_dma semaphore(%arg10 : memref<!tpu.dma_semaphore, #tpu.memory_space<semaphore_mem>>) src(%dma_wait3A_50 : memref<100000x128xf32, #tpu.memory_space<hbm>>) dst(%dma_wait3A_45 : memref<200x128xf32, #tpu.memory_space<vmem>>)
    %scan3A_51 = arith.constant 0 : i32
    %scan3A_52 = arith.constant 0 : i32
    %scan3A_53 = arith.constant 50 : i32
    %scan3A_54 = arith.addi %scan3A_52, %scan3A_53 : i32
    %scan3A_55 = arith.constant 1 : i32
    scf.for %scan3A_148 = %scan3A_52 to %scan3A_54 step %scan3A_55  : i32 {
      %mul3A_149 = arith.constant 4 : i32
      %mul3A_150 = arith.muli %scan3A_148, %mul3A_149 : i32
      %add3A_151 = arith.constant 0 : i32
      %add3A_152 = arith.addi %mul3A_150, %add3A_151 : i32
      %get3A = arith.index_cast %add3A_152 : i32 to index
      %get3A_153 = arith.constant 0 : index
      %get3A_154 = tpu.vector_load %arg8[%get3A, %get3A_153] {strides = array<i32>} : memref<200x128xf32, #tpu.memory_space<vmem>>, vector<1x16xf32>,
      %get3A_155 = vector.shape_cast %get3A_154 : vector<1x16xf32> to vector<16xf32>
      %swap3A = arith.constant 0 : i32
      %swap3A_156 = arith.index_cast %swap3A : i32 to index
      %swap3A_157 = arith.index_cast %add3A_152 : i32 to index
      %swap3A_158 = arith.constant 0 : index
      %swap3A_159 = tpu.vector_load %arg7[%swap3A_156, %swap3A_157, %swap3A_158] {strides = array<i32>} : memref<3x200x128xf32, #tpu.memory_space<vmem>>, vector<1x1x16xf32>,
      %swap3A_160 = vector.shape_cast %swap3A_159 : vector<1x1x16xf32> to vector<16xf32>
      %swap3A_161 = vector.shape_cast %get3A_155 : vector<16xf32> to vector<1x1x16xf32>
      tpu.vector_store %arg7[%swap3A_156, %swap3A_157, %swap3A_158], %swap3A_161 {add = true, strides = array<i32>} : memref<3x200x128xf32, #tpu.memory_space<vmem>>, vector<1x1x16xf32>,
      %get3A_162 = arith.index_cast %add3A_152 : i32 to index
      %get3A_163 = arith.constant 16 : index
      %get3A_164 = tpu.vector_load %arg8[%get3A_162, %get3A_163] {strides = array<i32>} : memref<200x128xf32, #tpu.memory_space<vmem>>, vector<1x16xf32>,
      %get3A_165 = vector.shape_cast %get3A_164 : vector<1x16xf32> to vector<16xf32>
      %swap3A_166 = arith.constant 0 : i32
      %swap3A_167 = arith.index_cast %swap3A_166 : i32 to index
      %swap3A_168 = arith.index_cast %add3A_152 : i32 to index
      %swap3A_169 = arith.constant 16 : index
      %swap3A_170 = tpu.vector_load %arg7[%swap3A_167, %swap3A_168, %swap3A_169] {strides = array<i32>} : memref<3x200x128xf32, #tpu.memory_space<vmem>>, vector<1x1x16xf32>,
      %swap3A_171 = vector.shape_cast %swap3A_170 : vector<1x1x16xf32> to vector<16xf32>
      %swap3A_172 = vector.shape_cast %get3A_165 : vector<16xf32> to vector<1x1x16xf32>
      tpu.vector_store %arg7[%swap3A_167, %swap3A_168, %swap3A_169], %swap3A_172 {add = true, strides = array<i32>} : memref<3x200x128xf32, #tpu.memory_space<vmem>>, vector<1x1x16xf32>,
      %get3A_173 = arith.index_cast %add3A_152 : i32 to index
      %get3A_174 = arith.constant 32 : index
      %get3A_175 = tpu.vector_load %arg8[%get3A_173, %get3A_174] {strides = array<i32>} : memref<200x128xf32, #tpu.memory_space<vmem>>, vector<1x16xf32>,
      %get3A_176 = vector.shape_cast %get3A_175 : vector<1x16xf32> to vector<16xf32>
      %swap3A_177 = arith.constant 0 : i32
      %swap3A_178 = arith.index_cast %swap3A_177 : i32 to index
      %swap3A_179 = arith.index_cast %add3A_152 : i32 to index
      %swap3A_180 = arith.constant 32 : index
      %swap3A_181 = tpu.vector_load %arg7[%swap3A_178, %swap3A_179, %swap3A_180] {strides = array<i32>} : memref<3x200x128xf32, #tpu.memory_space<vmem>>, vector<1x1x16xf32>,
      %swap3A_182 = vector.shape_cast %swap3A_181 : vector<1x1x16xf32> to vector<16xf32>
      %swap3A_183 = vector.shape_cast %get3A_176 : vector<16xf32> to vector<1x1x16xf32>
      tpu.vector_store %arg7[%swap3A_178, %swap3A_179, %swap3A_180], %swap3A_183 {add = true, strides = array<i32>} : memref<3x200x128xf32, #tpu.memory_space<vmem>>, vector<1x1x16xf32>,
      %get3A_184 = arith.index_cast %add3A_152 : i32 to index
      %get3A_185 = arith.constant 48 : index
      %get3A_186 = tpu.vector_load %arg8[%get3A_184, %get3A_185] {strides = array<i32>} : memref<200x128xf32, #tpu.memory_space<vmem>>, vector<1x16xf32>,
      %get3A_187 = vector.shape_cast %get3A_186 : vector<1x16xf32> to vector<16xf32>
      %swap3A_188 = arith.constant 0 : i32
      %swap3A_189 = arith.index_cast %swap3A_188 : i32 to index
      %swap3A_190 = arith.index_cast %add3A_152 : i32 to index
      %swap3A_191 = arith.constant 48 : index
      %swap3A_192 = tpu.vector_load %arg7[%swap3A_189, %swap3A_190, %swap3A_191] {strides = array<i32>} : memref<3x200x128xf32, #tpu.memory_space<vmem>>, vector<1x1x16xf32>,
      %swap3A_193 = vector.shape_cast %swap3A_192 : vector<1x1x16xf32> to vector<16xf32>
      %swap3A_194 = vector.shape_cast %get3A_187 : vector<16xf32> to vector<1x1x16xf32>
      tpu.vector_store %arg7[%swap3A_189, %swap3A_190, %swap3A_191], %swap3A_194 {add = true, strides = array<i32>} : memref<3x200x128xf32, #tpu.memory_space<vmem>>, vector<1x1x16xf32>,
      %get3A_195 = arith.index_cast %add3A_152 : i32 to index
      %get3A_196 = arith.constant 64 : index
      %get3A_197 = tpu.vector_load %arg8[%get3A_195, %get3A_196] {strides = array<i32>} : memref<200x128xf32, #tpu.memory_space<vmem>>, vector<1x16xf32>,
      %get3A_198 = vector.shape_cast %get3A_197 : vector<1x16xf32> to vector<16xf32>
      %swap3A_199 = arith.constant 0 : i32
      %swap3A_200 = arith.index_cast %swap3A_199 : i32 to index
      %swap3A_201 = arith.index_cast %add3A_152 : i32 to index
      %swap3A_202 = arith.constant 64 : index
      %swap3A_203 = tpu.vector_load %arg7[%swap3A_200, %swap3A_201, %swap3A_202] {strides = array<i32>} : memref<3x200x128xf32, #tpu.memory_space<vmem>>, vector<1x1x16xf32>,
      %swap3A_204 = vector.shape_cast %swap3A_203 : vector<1x1x16xf32> to vector<16xf32>
      %swap3A_205 = vector.shape_cast %get3A_198 : vector<16xf32> to vector<1x1x16xf32>
      tpu.vector_store %arg7[%swap3A_200, %swap3A_201, %swap3A_202], %swap3A_205 {add = true, strides = array<i32>} : memref<3x200x128xf32, #tpu.memory_space<vmem>>, vector<1x1x16xf32>,
      %get3A_206 = arith.index_cast %add3A_152 : i32 to index
      %get3A_207 = arith.constant 80 : index
      %get3A_208 = tpu.vector_load %arg8[%get3A_206, %get3A_207] {strides = array<i32>} : memref<200x128xf32, #tpu.memory_space<vmem>>, vector<1x16xf32>,
      %get3A_209 = vector.shape_cast %get3A_208 : vector<1x16xf32> to vector<16xf32>
      %swap3A_210 = arith.constant 0 : i32
      %swap3A_211 = arith.index_cast %swap3A_210 : i32 to index
      %swap3A_212 = arith.index_cast %add3A_152 : i32 to index
      %swap3A_213 = arith.constant 80 : index
      %swap3A_214 = tpu.vector_load %arg7[%swap3A_211, %swap3A_212, %swap3A_213] {strides = array<i32>} : memref<3x200x128xf32, #tpu.memory_space<vmem>>, vector<1x1x16xf32>,
      %swap3A_215 = vector.shape_cast %swap3A_214 : vector<1x1x16xf32> to vector<16xf32>
      %swap3A_216 = vector.shape_cast %get3A_209 : vector<16xf32> to vector<1x1x16xf32>
      tpu.vector_store %arg7[%swap3A_211, %swap3A_212, %swap3A_213], %swap3A_216 {add = true, strides = array<i32>} : memref<3x200x128xf32, #tpu.memory_space<vmem>>, vector<1x1x16xf32>,
      %get3A_217 = arith.index_cast %add3A_152 : i32 to index
      %get3A_218 = arith.constant 96 : index
      %get3A_219 = tpu.vector_load %arg8[%get3A_217, %get3A_218] {strides = array<i32>} : memref<200x128xf32, #tpu.memory_space<vmem>>, vector<1x16xf32>,
      %get3A_220 = vector.shape_cast %get3A_219 : vector<1x16xf32> to vector<16xf32>
      %swap3A_221 = arith.constant 0 : i32
      %swap3A_222 = arith.index_cast %swap3A_221 : i32 to index
      %swap3A_223 = arith.index_cast %add3A_152 : i32 to index
      %swap3A_224 = arith.constant 96 : index
      %swap3A_225 = tpu.vector_load %arg7[%swap3A_222, %swap3A_223, %swap3A_224] {strides = array<i32>} : memref<3x200x128xf32, #tpu.memory_space<vmem>>, vector<1x1x16xf32>,
      %swap3A_226 = vector.shape_cast %swap3A_225 : vector<1x1x16xf32> to vector<16xf32>
      %swap3A_227 = vector.shape_cast %get3A_220 : vector<16xf32> to vector<1x1x16xf32>
      tpu.vector_store %arg7[%swap3A_222, %swap3A_223, %swap3A_224], %swap3A_227 {add = true, strides = array<i32>} : memref<3x200x128xf32, #tpu.memory_space<vmem>>, vector<1x1x16xf32>,
      %get3A_228 = arith.index_cast %add3A_152 : i32 to index
      %get3A_229 = arith.constant 112 : index
      %get3A_230 = tpu.vector_load %arg8[%get3A_228, %get3A_229] {strides = array<i32>} : memref<200x128xf32, #tpu.memory_space<vmem>>, vector<1x16xf32>,
      %get3A_231 = vector.shape_cast %get3A_230 : vector<1x16xf32> to vector<16xf32>
      %swap3A_232 = arith.constant 0 : i32
      %swap3A_233 = arith.index_cast %swap3A_232 : i32 to index
      %swap3A_234 = arith.index_cast %add3A_152 : i32 to index
      %swap3A_235 = arith.constant 112 : index
      %swap3A_236 = tpu.vector_load %arg7[%swap3A_233, %swap3A_234, %swap3A_235] {strides = array<i32>} : memref<3x200x128xf32, #tpu.memory_space<vmem>>, vector<1x1x16xf32>,
      %swap3A_237 = vector.shape_cast %swap3A_236 : vector<1x1x16xf32> to vector<16xf32>
      %swap3A_238 = vector.shape_cast %get3A_231 : vector<16xf32> to vector<1x1x16xf32>
      tpu.vector_store %arg7[%swap3A_233, %swap3A_234, %swap3A_235], %swap3A_238 {add = true, strides = array<i32>} : memref<3x200x128xf32, #tpu.memory_space<vmem>>, vector<1x1x16xf32>,
      %mul3A_239 = arith.constant 4 : i32
      %mul3A_240 = arith.muli %scan3A_148, %mul3A_239 : i32
      %add3A_241 = arith.constant 1 : i32
      %add3A_242 = arith.addi %mul3A_240, %add3A_241 : i32
      %get3A_243 = arith.index_cast %add3A_242 : i32 to index
      %get3A_244 = arith.constant 0 : index
      %get3A_245 = tpu.vector_load %arg8[%get3A_243, %get3A_244] {strides = array<i32>} : memref<200x128xf32, #tpu.memory_space<vmem>>, vector<1x16xf32>,
      %get3A_246 = vector.shape_cast %get3A_245 : vector<1x16xf32> to vector<16xf32>
      %swap3A_247 = arith.constant 0 : i32
      %swap3A_248 = arith.index_cast %swap3A_247 : i32 to index
      %swap3A_249 = arith.index_cast %add3A_242 : i32 to index
      %swap3A_250 = arith.constant 0 : index
      %swap3A_251 = tpu.vector_load %arg7[%swap3A_248, %swap3A_249, %swap3A_250] {strides = array<i32>} : memref<3x200x128xf32, #tpu.memory_space<vmem>>, vector<1x1x16xf32>,
      %swap3A_252 = vector.shape_cast %swap3A_251 : vector<1x1x16xf32> to vector<16xf32>
      %swap3A_253 = vector.shape_cast %get3A_246 : vector<16xf32> to vector<1x1x16xf32>
      tpu.vector_store %arg7[%swap3A_248, %swap3A_249, %swap3A_250], %swap3A_253 {add = true, strides = array<i32>} : memref<3x200x128xf32, #tpu.memory_space<vmem>>, vector<1x1x16xf32>,
      %get3A_254 = arith.index_cast %add3A_242 : i32 to index
      %get3A_255 = arith.constant 16 : index
      %get3A_256 = tpu.vector_load %arg8[%get3A_254, %get3A_255] {strides = array<i32>} : memref<200x128xf32, #tpu.memory_space<vmem>>, vector<1x16xf32>,
      %get3A_257 = vector.shape_cast %get3A_256 : vector<1x16xf32> to vector<16xf32>
      %swap3A_258 = arith.constant 0 : i32
      %swap3A_259 = arith.index_cast %swap3A_258 : i32 to index
      %swap3A_260 = arith.index_cast %add3A_242 : i32 to index
      %swap3A_261 = arith.constant 16 : index
      %swap3A_262 = tpu.vector_load %arg7[%swap3A_259, %swap3A_260, %swap3A_261] {strides = array<i32>} : memref<3x200x128xf32, #tpu.memory_space<vmem>>, vector<1x1x16xf32>,
      %swap3A_263 = vector.shape_cast %swap3A_262 : vector<1x1x16xf32> to vector<16xf32>
      %swap3A_264 = vector.shape_cast %get3A_257 : vector<16xf32> to vector<1x1x16xf32>
      tpu.vector_store %arg7[%swap3A_259, %swap3A_260, %swap3A_261], %swap3A_264 {add = true, strides = array<i32>} : memref<3x200x128xf32, #tpu.memory_space<vmem>>, vector<1x1x16xf32>,
      %get3A_265 = arith.index_cast %add3A_242 : i32 to index
      %get3A_266 = arith.constant 32 : index
      %get3A_267 = tpu.vector_load %arg8[%get3A_265, %get3A_266] {strides = array<i32>} : memref<200x128xf32, #tpu.memory_space<vmem>>, vector<1x16xf32>,
      %get3A_268 = vector.shape_cast %get3A_267 : vector<1x16xf32> to vector<16xf32>
      %swap3A_269 = arith.constant 0 : i32
      %swap3A_270 = arith.index_cast %swap3A_269 : i32 to index
      %swap3A_271 = arith.index_cast %add3A_242 : i32 to index
      %swap3A_272 = arith.constant 32 : index
      %swap3A_273 = tpu.vector_load %arg7[%swap3A_270, %swap3A_271, %swap3A_272] {strides = array<i32>} : memref<3x200x128xf32, #tpu.memory_space<vmem>>, vector<1x1x16xf32>,
      %swap3A_274 = vector.shape_cast %swap3A_273 : vector<1x1x16xf32> to vector<16xf32>
      %swap3A_275 = vector.shape_cast %get3A_268 : vector<16xf32> to vector<1x1x16xf32>
      tpu.vector_store %arg7[%swap3A_270, %swap3A_271, %swap3A_272], %swap3A_275 {add = true, strides = array<i32>} : memref<3x200x128xf32, #tpu.memory_space<vmem>>, vector<1x1x16xf32>,
      %get3A_276 = arith.index_cast %add3A_242 : i32 to index
      %get3A_277 = arith.constant 48 : index
      %get3A_278 = tpu.vector_load %arg8[%get3A_276, %get3A_277] {strides = array<i32>} : memref<200x128xf32, #tpu.memory_space<vmem>>, vector<1x16xf32>,
      %get3A_279 = vector.shape_cast %get3A_278 : vector<1x16xf32> to vector<16xf32>
      %swap3A_280 = arith.constant 0 : i32
      %swap3A_281 = arith.index_cast %swap3A_280 : i32 to index
      %swap3A_282 = arith.index_cast %add3A_242 : i32 to index
      %swap3A_283 = arith.constant 48 : index
      %swap3A_284 = tpu.vector_load %arg7[%swap3A_281, %swap3A_282, %swap3A_283] {strides = array<i32>} : memref<3x200x128xf32, #tpu.memory_space<vmem>>, vector<1x1x16xf32>,
      %swap3A_285 = vector.shape_cast %swap3A_284 : vector<1x1x16xf32> to vector<16xf32>
      %swap3A_286 = vector.shape_cast %get3A_279 : vector<16xf32> to vector<1x1x16xf32>
      tpu.vector_store %arg7[%swap3A_281, %swap3A_282, %swap3A_283], %swap3A_286 {add = true, strides = array<i32>} : memref<3x200x128xf32, #tpu.memory_space<vmem>>, vector<1x1x16xf32>,
      %get3A_287 = arith.index_cast %add3A_242 : i32 to index
      %get3A_288 = arith.constant 64 : index
      %get3A_289 = tpu.vector_load %arg8[%get3A_287, %get3A_288] {strides = array<i32>} : memref<200x128xf32, #tpu.memory_space<vmem>>, vector<1x16xf32>,
      %get3A_290 = vector.shape_cast %get3A_289 : vector<1x16xf32> to vector<16xf32>
      %swap3A_291 = arith.constant 0 : i32
      %swap3A_292 = arith.index_cast %swap3A_291 : i32 to index
      %swap3A_293 = arith.index_cast %add3A_242 : i32 to index
      %swap3A_294 = arith.constant 64 : index
      %swap3A_295 = tpu.vector_load %arg7[%swap3A_292, %swap3A_293, %swap3A_294] {strides = array<i32>} : memref<3x200x128xf32, #tpu.memory_space<vmem>>, vector<1x1x16xf32>,
      %swap3A_296 = vector.shape_cast %swap3A_295 : vector<1x1x16xf32> to vector<16xf32>
      %swap3A_297 = vector.shape_cast %get3A_290 : vector<16xf32> to vector<1x1x16xf32>
      tpu.vector_store %arg7[%swap3A_292, %swap3A_293, %swap3A_294], %swap3A_297 {add = true, strides = array<i32>} : memref<3x200x128xf32, #tpu.memory_space<vmem>>, vector<1x1x16xf32>,
      %get3A_298 = arith.index_cast %add3A_242 : i32 to index
      %get3A_299 = arith.constant 80 : index
      %get3A_300 = tpu.vector_load %arg8[%get3A_298, %get3A_299] {strides = array<i32>} : memref<200x128xf32, #tpu.memory_space<vmem>>, vector<1x16xf32>,
      %get3A_301 = vector.shape_cast %get3A_300 : vector<1x16xf32> to vector<16xf32>
      %swap3A_302 = arith.constant 0 : i32
      %swap3A_303 = arith.index_cast %swap3A_302 : i32 to index
      %swap3A_304 = arith.index_cast %add3A_242 : i32 to index
      %swap3A_305 = arith.constant 80 : index
      %swap3A_306 = tpu.vector_load %arg7[%swap3A_303, %swap3A_304, %swap3A_305] {strides = array<i32>} : memref<3x200x128xf32, #tpu.memory_space<vmem>>, vector<1x1x16xf32>,
      %swap3A_307 = vector.shape_cast %swap3A_306 : vector<1x1x16xf32> to vector<16xf32>
      %swap3A_308 = vector.shape_cast %get3A_301 : vector<16xf32> to vector<1x1x16xf32>
      tpu.vector_store %arg7[%swap3A_303, %swap3A_304, %swap3A_305], %swap3A_308 {add = true, strides = array<i32>} : memref<3x200x128xf32, #tpu.memory_space<vmem>>, vector<1x1x16xf32>,
      %get3A_309 = arith.index_cast %add3A_242 : i32 to index
      %get3A_310 = arith.constant 96 : index
      %get3A_311 = tpu.vector_load %arg8[%get3A_309, %get3A_310] {strides = array<i32>} : memref<200x128xf32, #tpu.memory_space<vmem>>, vector<1x16xf32>,
      %get3A_312 = vector.shape_cast %get3A_311 : vector<1x16xf32> to vector<16xf32>
      %swap3A_313 = arith.constant 0 : i32
      %swap3A_314 = arith.index_cast %swap3A_313 : i32 to index
      %swap3A_315 = arith.index_cast %add3A_242 : i32 to index
      %swap3A_316 = arith.constant 96 : index
      %swap3A_317 = tpu.vector_load %arg7[%swap3A_314, %swap3A_315, %swap3A_316] {strides = array<i32>} : memref<3x200x128xf32, #tpu.memory_space<vmem>>, vector<1x1x16xf32>,
      %swap3A_318 = vector.shape_cast %swap3A_317 : vector<1x1x16xf32> to vector<16xf32>
      %swap3A_319 = vector.shape_cast %get3A_312 : vector<16xf32> to vector<1x1x16xf32>
      tpu.vector_store %arg7[%swap3A_314, %swap3A_315, %swap3A_316], %swap3A_319 {add = true, strides = array<i32>} : memref<3x200x128xf32, #tpu.memory_space<vmem>>, vector<1x1x16xf32>,
      %get3A_320 = arith.index_cast %add3A_242 : i32 to index
      %get3A_321 = arith.constant 112 : index
      %get3A_322 = tpu.vector_load %arg8[%get3A_320, %get3A_321] {strides = array<i32>} : memref<200x128xf32, #tpu.memory_space<vmem>>, vector<1x16xf32>,
      %get3A_323 = vector.shape_cast %get3A_322 : vector<1x16xf32> to vector<16xf32>
      %swap3A_324 = arith.constant 0 : i32
      %swap3A_325 = arith.index_cast %swap3A_324 : i32 to index
      %swap3A_326 = arith.index_cast %add3A_242 : i32 to index
      %swap3A_327 = arith.constant 112 : index
      %swap3A_328 = tpu.vector_load %arg7[%swap3A_325, %swap3A_326, %swap3A_327] {strides = array<i32>} : memref<3x200x128xf32, #tpu.memory_space<vmem>>, vector<1x1x16xf32>,
      %swap3A_329 = vector.shape_cast %swap3A_328 : vector<1x1x16xf32> to vector<16xf32>
      %swap3A_330 = vector.shape_cast %get3A_323 : vector<16xf32> to vector<1x1x16xf32>
      tpu.vector_store %arg7[%swap3A_325, %swap3A_326, %swap3A_327], %swap3A_330 {add = true, strides = array<i32>} : memref<3x200x128xf32, #tpu.memory_space<vmem>>, vector<1x1x16xf32>,
      %mul3A_331 = arith.constant 4 : i32
      %mul3A_332 = arith.muli %scan3A_148, %mul3A_331 : i32
      %add3A_333 = arith.constant 2 : i32
      %add3A_334 = arith.addi %mul3A_332, %add3A_333 : i32
      %get3A_335 = arith.index_cast %add3A_334 : i32 to index
      %get3A_336 = arith.constant 0 : index
      %get3A_337 = tpu.vector_load %arg8[%get3A_335, %get3A_336] {strides = array<i32>} : memref<200x128xf32, #tpu.memory_space<vmem>>, vector<1x16xf32>,
      %get3A_338 = vector.shape_cast %get3A_337 : vector<1x16xf32> to vector<16xf32>
      %swap3A_339 = arith.constant 0 : i32
      %swap3A_340 = arith.index_cast %swap3A_339 : i32 to index
      %swap3A_341 = arith.index_cast %add3A_334 : i32 to index
      %swap3A_342 = arith.constant 0 : index
      %swap3A_343 = tpu.vector_load %arg7[%swap3A_340, %swap3A_341, %swap3A_342] {strides = array<i32>} : memref<3x200x128xf32, #tpu.memory_space<vmem>>, vector<1x1x16xf32>,
      %swap3A_344 = vector.shape_cast %swap3A_343 : vector<1x1x16xf32> to vector<16xf32>
      %swap3A_345 = vector.shape_cast %get3A_338 : vector<16xf32> to vector<1x1x16xf32>
      tpu.vector_store %arg7[%swap3A_340, %swap3A_341, %swap3A_342], %swap3A_345 {add = true, strides = array<i32>} : memref<3x200x128xf32, #tpu.memory_space<vmem>>, vector<1x1x16xf32>,
      %get3A_346 = arith.index_cast %add3A_334 : i32 to index
      %get3A_347 = arith.constant 16 : index
      %get3A_348 = tpu.vector_load %arg8[%get3A_346, %get3A_347] {strides = array<i32>} : memref<200x128xf32, #tpu.memory_space<vmem>>, vector<1x16xf32>,
      %get3A_349 = vector.shape_cast %get3A_348 : vector<1x16xf32> to vector<16xf32>
      %swap3A_350 = arith.constant 0 : i32
      %swap3A_351 = arith.index_cast %swap3A_350 : i32 to index
      %swap3A_352 = arith.index_cast %add3A_334 : i32 to index
      %swap3A_353 = arith.constant 16 : index
      %swap3A_354 = tpu.vector_load %arg7[%swap3A_351, %swap3A_352, %swap3A_353] {strides = array<i32>} : memref<3x200x128xf32, #tpu.memory_space<vmem>>, vector<1x1x16xf32>,
      %swap3A_355 = vector.shape_cast %swap3A_354 : vector<1x1x16xf32> to vector<16xf32>
      %swap3A_356 = vector.shape_cast %get3A_349 : vector<16xf32> to vector<1x1x16xf32>
      tpu.vector_store %arg7[%swap3A_351, %swap3A_352, %swap3A_353], %swap3A_356 {add = true, strides = array<i32>} : memref<3x200x128xf32, #tpu.memory_space<vmem>>, vector<1x1x16xf32>,
      %get3A_357 = arith.index_cast %add3A_334 : i32 to index
      %get3A_358 = arith.constant 32 : index
      %get3A_359 = tpu.vector_load %arg8[%get3A_357, %get3A_358] {strides = array<i32>} : memref<200x128xf32, #tpu.memory_space<vmem>>, vector<1x16xf32>,
      %get3A_360 = vector.shape_cast %get3A_359 : vector<1x16xf32> to vector<16xf32>
      %swap3A_361 = arith.constant 0 : i32
      %swap3A_362 = arith.index_cast %swap3A_361 : i32 to index
      %swap3A_363 = arith.index_cast %add3A_334 : i32 to index
      %swap3A_364 = arith.constant 32 : index
      %swap3A_365 = tpu.vector_load %arg7[%swap3A_362, %swap3A_363, %swap3A_364] {strides = array<i32>} : memref<3x200x128xf32, #tpu.memory_space<vmem>>, vector<1x1x16xf32>,
      %swap3A_366 = vector.shape_cast %swap3A_365 : vector<1x1x16xf32> to vector<16xf32>
      %swap3A_367 = vector.shape_cast %get3A_360 : vector<16xf32> to vector<1x1x16xf32>
      tpu.vector_store %arg7[%swap3A_362, %swap3A_363, %swap3A_364], %swap3A_367 {add = true, strides = array<i32>} : memref<3x200x128xf32, #tpu.memory_space<vmem>>, vector<1x1x16xf32>,
      %get3A_368 = arith.index_cast %add3A_334 : i32 to index
      %get3A_369 = arith.constant 48 : index
      %get3A_370 = tpu.vector_load %arg8[%get3A_368, %get3A_369] {strides = array<i32>} : memref<200x128xf32, #tpu.memory_space<vmem>>, vector<1x16xf32>,
      %get3A_371 = vector.shape_cast %get3A_370 : vector<1x16xf32> to vector<16xf32>
      %swap3A_372 = arith.constant 0 : i32
      %swap3A_373 = arith.index_cast %swap3A_372 : i32 to index
      %swap3A_374 = arith.index_cast %add3A_334 : i32 to index
      %swap3A_375 = arith.constant 48 : index
      %swap3A_376 = tpu.vector_load %arg7[%swap3A_373, %swap3A_374, %swap3A_375] {strides = array<i32>} : memref<3x200x128xf32, #tpu.memory_space<vmem>>, vector<1x1x16xf32>,
      %swap3A_377 = vector.shape_cast %swap3A_376 : vector<1x1x16xf32> to vector<16xf32>
      %swap3A_378 = vector.shape_cast %get3A_371 : vector<16xf32> to vector<1x1x16xf32>
      tpu.vector_store %arg7[%swap3A_373, %swap3A_374, %swap3A_375], %swap3A_378 {add = true, strides = array<i32>} : memref<3x200x128xf32, #tpu.memory_space<vmem>>, vector<1x1x16xf32>,
      %get3A_379 = arith.index_cast %add3A_334 : i32 to index
      %get3A_380 = arith.constant 64 : index
      %get3A_381 = tpu.vector_load %arg8[%get3A_379, %get3A_380] {strides = array<i32>} : memref<200x128xf32, #tpu.memory_space<vmem>>, vector<1x16xf32>,
      %get3A_382 = vector.shape_cast %get3A_381 : vector<1x16xf32> to vector<16xf32>
      %swap3A_383 = arith.constant 0 : i32
      %swap3A_384 = arith.index_cast %swap3A_383 : i32 to index
      %swap3A_385 = arith.index_cast %add3A_334 : i32 to index
      %swap3A_386 = arith.constant 64 : index
      %swap3A_387 = tpu.vector_load %arg7[%swap3A_384, %swap3A_385, %swap3A_386] {strides = array<i32>} : memref<3x200x128xf32, #tpu.memory_space<vmem>>, vector<1x1x16xf32>,
      %swap3A_388 = vector.shape_cast %swap3A_387 : vector<1x1x16xf32> to vector<16xf32>
      %swap3A_389 = vector.shape_cast %get3A_382 : vector<16xf32> to vector<1x1x16xf32>
      tpu.vector_store %arg7[%swap3A_384, %swap3A_385, %swap3A_386], %swap3A_389 {add = true, strides = array<i32>} : memref<3x200x128xf32, #tpu.memory_space<vmem>>, vector<1x1x16xf32>,
      %get3A_390 = arith.index_cast %add3A_334 : i32 to index
      %get3A_391 = arith.constant 80 : index
      %get3A_392 = tpu.vector_load %arg8[%get3A_390, %get3A_391] {strides = array<i32>} : memref<200x128xf32, #tpu.memory_space<vmem>>, vector<1x16xf32>,
      %get3A_393 = vector.shape_cast %get3A_392 : vector<1x16xf32> to vector<16xf32>
      %swap3A_394 = arith.constant 0 : i32
      %swap3A_395 = arith.index_cast %swap3A_394 : i32 to index
      %swap3A_396 = arith.index_cast %add3A_334 : i32 to index
      %swap3A_397 = arith.constant 80 : index
      %swap3A_398 = tpu.vector_load %arg7[%swap3A_395, %swap3A_396, %swap3A_397] {strides = array<i32>} : memref<3x200x128xf32, #tpu.memory_space<vmem>>, vector<1x1x16xf32>,
      %swap3A_399 = vector.shape_cast %swap3A_398 : vector<1x1x16xf32> to vector<16xf32>
      %swap3A_400 = vector.shape_cast %get3A_393 : vector<16xf32> to vector<1x1x16xf32>
      tpu.vector_store %arg7[%swap3A_395, %swap3A_396, %swap3A_397], %swap3A_400 {add = true, strides = array<i32>} : memref<3x200x128xf32, #tpu.memory_space<vmem>>, vector<1x1x16xf32>,
      %get3A_401 = arith.index_cast %add3A_334 : i32 to index
      %get3A_402 = arith.constant 96 : index
      %get3A_403 = tpu.vector_load %arg8[%get3A_401, %get3A_402] {strides = array<i32>} : memref<200x128xf32, #tpu.memory_space<vmem>>, vector<1x16xf32>,
      %get3A_404 = vector.shape_cast %get3A_403 : vector<1x16xf32> to vector<16xf32>
      %swap3A_405 = arith.constant 0 : i32
      %swap3A_406 = arith.index_cast %swap3A_405 : i32 to index
      %swap3A_407 = arith.index_cast %add3A_334 : i32 to index
      %swap3A_408 = arith.constant 96 : index
      %swap3A_409 = tpu.vector_load %arg7[%swap3A_406, %swap3A_407, %swap3A_408] {strides = array<i32>} : memref<3x200x128xf32, #tpu.memory_space<vmem>>, vector<1x1x16xf32>,
      %swap3A_410 = vector.shape_cast %swap3A_409 : vector<1x1x16xf32> to vector<16xf32>
      %swap3A_411 = vector.shape_cast %get3A_404 : vector<16xf32> to vector<1x1x16xf32>
      tpu.vector_store %arg7[%swap3A_406, %swap3A_407, %swap3A_408], %swap3A_411 {add = true, strides = array<i32>} : memref<3x200x128xf32, #tpu.memory_space<vmem>>, vector<1x1x16xf32>,
      %get3A_412 = arith.index_cast %add3A_334 : i32 to index
      %get3A_413 = arith.constant 112 : index
      %get3A_414 = tpu.vector_load %arg8[%get3A_412, %get3A_413] {strides = array<i32>} : memref<200x128xf32, #tpu.memory_space<vmem>>, vector<1x16xf32>,
      %get3A_415 = vector.shape_cast %get3A_414 : vector<1x16xf32> to vector<16xf32>
      %swap3A_416 = arith.constant 0 : i32
      %swap3A_417 = arith.index_cast %swap3A_416 : i32 to index
      %swap3A_418 = arith.index_cast %add3A_334 : i32 to index
      %swap3A_419 = arith.constant 112 : index
      %swap3A_420 = tpu.vector_load %arg7[%swap3A_417, %swap3A_418, %swap3A_419] {strides = array<i32>} : memref<3x200x128xf32, #tpu.memory_space<vmem>>, vector<1x1x16xf32>,
      %swap3A_421 = vector.shape_cast %swap3A_420 : vector<1x1x16xf32> to vector<16xf32>
      %swap3A_422 = vector.shape_cast %get3A_415 : vector<16xf32> to vector<1x1x16xf32>
      tpu.vector_store %arg7[%swap3A_417, %swap3A_418, %swap3A_419], %swap3A_422 {add = true, strides = array<i32>} : memref<3x200x128xf32, #tpu.memory_space<vmem>>, vector<1x1x16xf32>,
      %mul3A_423 = arith.constant 4 : i32
      %mul3A_424 = arith.muli %scan3A_148, %mul3A_423 : i32
      %add3A_425 = arith.constant 3 : i32
      %add3A_426 = arith.addi %mul3A_424, %add3A_425 : i32
      %get3A_427 = arith.index_cast %add3A_426 : i32 to index
      %get3A_428 = arith.constant 0 : index
      %get3A_429 = tpu.vector_load %arg8[%get3A_427, %get3A_428] {strides = array<i32>} : memref<200x128xf32, #tpu.memory_space<vmem>>, vector<1x16xf32>,
      %get3A_430 = vector.shape_cast %get3A_429 : vector<1x16xf32> to vector<16xf32>
      %swap3A_431 = arith.constant 0 : i32
      %swap3A_432 = arith.index_cast %swap3A_431 : i32 to index
      %swap3A_433 = arith.index_cast %add3A_426 : i32 to index
      %swap3A_434 = arith.constant 0 : index
      %swap3A_435 = tpu.vector_load %arg7[%swap3A_432, %swap3A_433, %swap3A_434] {strides = array<i32>} : memref<3x200x128xf32, #tpu.memory_space<vmem>>, vector<1x1x16xf32>,
      %swap3A_436 = vector.shape_cast %swap3A_435 : vector<1x1x16xf32> to vector<16xf32>
      %swap3A_437 = vector.shape_cast %get3A_430 : vector<16xf32> to vector<1x1x16xf32>
      tpu.vector_store %arg7[%swap3A_432, %swap3A_433, %swap3A_434], %swap3A_437 {add = true, strides = array<i32>} : memref<3x200x128xf32, #tpu.memory_space<vmem>>, vector<1x1x16xf32>,
      %get3A_438 = arith.index_cast %add3A_426 : i32 to index
      %get3A_439 = arith.constant 16 : index
      %get3A_440 = tpu.vector_load %arg8[%get3A_438, %get3A_439] {strides = array<i32>} : memref<200x128xf32, #tpu.memory_space<vmem>>, vector<1x16xf32>,
      %get3A_441 = vector.shape_cast %get3A_440 : vector<1x16xf32> to vector<16xf32>
      %swap3A_442 = arith.constant 0 : i32
      %swap3A_443 = arith.index_cast %swap3A_442 : i32 to index
      %swap3A_444 = arith.index_cast %add3A_426 : i32 to index
      %swap3A_445 = arith.constant 16 : index
      %swap3A_446 = tpu.vector_load %arg7[%swap3A_443, %swap3A_444, %swap3A_445] {strides = array<i32>} : memref<3x200x128xf32, #tpu.memory_space<vmem>>, vector<1x1x16xf32>,
      %swap3A_447 = vector.shape_cast %swap3A_446 : vector<1x1x16xf32> to vector<16xf32>
      %swap3A_448 = vector.shape_cast %get3A_441 : vector<16xf32> to vector<1x1x16xf32>
      tpu.vector_store %arg7[%swap3A_443, %swap3A_444, %swap3A_445], %swap3A_448 {add = true, strides = array<i32>} : memref<3x200x128xf32, #tpu.memory_space<vmem>>, vector<1x1x16xf32>,
      %get3A_449 = arith.index_cast %add3A_426 : i32 to index
      %get3A_450 = arith.constant 32 : index
      %get3A_451 = tpu.vector_load %arg8[%get3A_449, %get3A_450] {strides = array<i32>} : memref<200x128xf32, #tpu.memory_space<vmem>>, vector<1x16xf32>,
      %get3A_452 = vector.shape_cast %get3A_451 : vector<1x16xf32> to vector<16xf32>
      %swap3A_453 = arith.constant 0 : i32
      %swap3A_454 = arith.index_cast %swap3A_453 : i32 to index
      %swap3A_455 = arith.index_cast %add3A_426 : i32 to index
      %swap3A_456 = arith.constant 32 : index
      %swap3A_457 = tpu.vector_load %arg7[%swap3A_454, %swap3A_455, %swap3A_456] {strides = array<i32>} : memref<3x200x128xf32, #tpu.memory_space<vmem>>, vector<1x1x16xf32>,
      %swap3A_458 = vector.shape_cast %swap3A_457 : vector<1x1x16xf32> to vector<16xf32>
      %swap3A_459 = vector.shape_cast %get3A_452 : vector<16xf32> to vector<1x1x16xf32>
      tpu.vector_store %arg7[%swap3A_454, %swap3A_455, %swap3A_456], %swap3A_459 {add = true, strides = array<i32>} : memref<3x200x128xf32, #tpu.memory_space<vmem>>, vector<1x1x16xf32>,
      %get3A_460 = arith.index_cast %add3A_426 : i32 to index
      %get3A_461 = arith.constant 48 : index
      %get3A_462 = tpu.vector_load %arg8[%get3A_460, %get3A_461] {strides = array<i32>} : memref<200x128xf32, #tpu.memory_space<vmem>>, vector<1x16xf32>,
      %get3A_463 = vector.shape_cast %get3A_462 : vector<1x16xf32> to vector<16xf32>
      %swap3A_464 = arith.constant 0 : i32
      %swap3A_465 = arith.index_cast %swap3A_464 : i32 to index
      %swap3A_466 = arith.index_cast %add3A_426 : i32 to index
      %swap3A_467 = arith.constant 48 : index
      %swap3A_468 = tpu.vector_load %arg7[%swap3A_465, %swap3A_466, %swap3A_467] {strides = array<i32>} : memref<3x200x128xf32, #tpu.memory_space<vmem>>, vector<1x1x16xf32>,
      %swap3A_469 = vector.shape_cast %swap3A_468 : vector<1x1x16xf32> to vector<16xf32>
      %swap3A_470 = vector.shape_cast %get3A_463 : vector<16xf32> to vector<1x1x16xf32>
      tpu.vector_store %arg7[%swap3A_465, %swap3A_466, %swap3A_467], %swap3A_470 {add = true, strides = array<i32>} : memref<3x200x128xf32, #tpu.memory_space<vmem>>, vector<1x1x16xf32>,
      %get3A_471 = arith.index_cast %add3A_426 : i32 to index
      %get3A_472 = arith.constant 64 : index
      %get3A_473 = tpu.vector_load %arg8[%get3A_471, %get3A_472] {strides = array<i32>} : memref<200x128xf32, #tpu.memory_space<vmem>>, vector<1x16xf32>,
      %get3A_474 = vector.shape_cast %get3A_473 : vector<1x16xf32> to vector<16xf32>
      %swap3A_475 = arith.constant 0 : i32
      %swap3A_476 = arith.index_cast %swap3A_475 : i32 to index
      %swap3A_477 = arith.index_cast %add3A_426 : i32 to index
      %swap3A_478 = arith.constant 64 : index
      %swap3A_479 = tpu.vector_load %arg7[%swap3A_476, %swap3A_477, %swap3A_478] {strides = array<i32>} : memref<3x200x128xf32, #tpu.memory_space<vmem>>, vector<1x1x16xf32>,
      %swap3A_480 = vector.shape_cast %swap3A_479 : vector<1x1x16xf32> to vector<16xf32>
      %swap3A_481 = vector.shape_cast %get3A_474 : vector<16xf32> to vector<1x1x16xf32>
      tpu.vector_store %arg7[%swap3A_476, %swap3A_477, %swap3A_478], %swap3A_481 {add = true, strides = array<i32>} : memref<3x200x128xf32, #tpu.memory_space<vmem>>, vector<1x1x16xf32>,
      %get3A_482 = arith.index_cast %add3A_426 : i32 to index
      %get3A_483 = arith.constant 80 : index
      %get3A_484 = tpu.vector_load %arg8[%get3A_482, %get3A_483] {strides = array<i32>} : memref<200x128xf32, #tpu.memory_space<vmem>>, vector<1x16xf32>,
      %get3A_485 = vector.shape_cast %get3A_484 : vector<1x16xf32> to vector<16xf32>
      %swap3A_486 = arith.constant 0 : i32
      %swap3A_487 = arith.index_cast %swap3A_486 : i32 to index
      %swap3A_488 = arith.index_cast %add3A_426 : i32 to index
      %swap3A_489 = arith.constant 80 : index
      %swap3A_490 = tpu.vector_load %arg7[%swap3A_487, %swap3A_488, %swap3A_489] {strides = array<i32>} : memref<3x200x128xf32, #tpu.memory_space<vmem>>, vector<1x1x16xf32>,
      %swap3A_491 = vector.shape_cast %swap3A_490 : vector<1x1x16xf32> to vector<16xf32>
      %swap3A_492 = vector.shape_cast %get3A_485 : vector<16xf32> to vector<1x1x16xf32>
      tpu.vector_store %arg7[%swap3A_487, %swap3A_488, %swap3A_489], %swap3A_492 {add = true, strides = array<i32>} : memref<3x200x128xf32, #tpu.memory_space<vmem>>, vector<1x1x16xf32>,
      %get3A_493 = arith.index_cast %add3A_426 : i32 to index
      %get3A_494 = arith.constant 96 : index
      %get3A_495 = tpu.vector_load %arg8[%get3A_493, %get3A_494] {strides = array<i32>} : memref<200x128xf32, #tpu.memory_space<vmem>>, vector<1x16xf32>,
      %get3A_496 = vector.shape_cast %get3A_495 : vector<1x16xf32> to vector<16xf32>
      %swap3A_497 = arith.constant 0 : i32
      %swap3A_498 = arith.index_cast %swap3A_497 : i32 to index
      %swap3A_499 = arith.index_cast %add3A_426 : i32 to index
      %swap3A_500 = arith.constant 96 : index
      %swap3A_501 = tpu.vector_load %arg7[%swap3A_498, %swap3A_499, %swap3A_500] {strides = array<i32>} : memref<3x200x128xf32, #tpu.memory_space<vmem>>, vector<1x1x16xf32>,
      %swap3A_502 = vector.shape_cast %swap3A_501 : vector<1x1x16xf32> to vector<16xf32>
      %swap3A_503 = vector.shape_cast %get3A_496 : vector<16xf32> to vector<1x1x16xf32>
      tpu.vector_store %arg7[%swap3A_498, %swap3A_499, %swap3A_500], %swap3A_503 {add = true, strides = array<i32>} : memref<3x200x128xf32, #tpu.memory_space<vmem>>, vector<1x1x16xf32>,
      %get3A_504 = arith.index_cast %add3A_426 : i32 to index
      %get3A_505 = arith.constant 112 : index
      %get3A_506 = tpu.vector_load %arg8[%get3A_504, %get3A_505] {strides = array<i32>} : memref<200x128xf32, #tpu.memory_space<vmem>>, vector<1x16xf32>,
      %get3A_507 = vector.shape_cast %get3A_506 : vector<1x16xf32> to vector<16xf32>
      %swap3A_508 = arith.constant 0 : i32
      %swap3A_509 = arith.index_cast %swap3A_508 : i32 to index
      %swap3A_510 = arith.index_cast %add3A_426 : i32 to index
      %swap3A_511 = arith.constant 112 : index
      %swap3A_512 = tpu.vector_load %arg7[%swap3A_509, %swap3A_510, %swap3A_511] {strides = array<i32>} : memref<3x200x128xf32, #tpu.memory_space<vmem>>, vector<1x1x16xf32>,
      %swap3A_513 = vector.shape_cast %swap3A_512 : vector<1x1x16xf32> to vector<16xf32>
      %swap3A_514 = vector.shape_cast %get3A_507 : vector<16xf32> to vector<1x1x16xf32>
      tpu.vector_store %arg7[%swap3A_509, %swap3A_510, %swap3A_511], %swap3A_514 {add = true, strides = array<i32>} : memref<3x200x128xf32, #tpu.memory_space<vmem>>, vector<1x1x16xf32>,
    }
    %scan3A_56 = arith.constant 50 : i32
    %add3A_57 = arith.constant 25200 : i32
    %add3A_58 = arith.addi %mul3A_2, %add3A_57 : i32
    %dma_start3A_59 = arith.constant 0 : i32
    %dma_start3A_60 = arith.constant 0 : i32
    %dma_start3A_61 = arith.constant 0 : i32
    %dma_start3A_62 = tpu.memref_slice %arg7[%dma_start3A_59, %dma_start3A_60, %dma_start3A_61] : memref<3x200x128xf32, #tpu.memory_space<vmem>> -> memref<1x200x128xf32, #tpu.memory_space<vmem>>
    %dma_start3A_63 = tpu.memref_squeeze %dma_start3A_62 : memref<1x200x128xf32, #tpu.memory_space<vmem>> -> memref<200x128xf32, #tpu.memory_space<vmem>>
    %dma_start3A_64 = arith.constant 0 : i32
    %dma_start3A_65 = tpu.memref_slice %arg5[%add3A_58, %dma_start3A_64] : memref<819200x128xf32, #tpu.memory_space<hbm>> -> memref<200x128xf32, #tpu.memory_space<hbm>>
    %dma_start3A_66 = arith.constant 0 : i32
    %dma_start3A_67 = tpu.memref_slice %arg5[%add3A_58, %dma_start3A_66] : memref<819200x128xf32, #tpu.memory_space<hbm>> -> memref<200x128xf32, #tpu.memory_space<hbm>>
    %dma_start3A_68 = arith.constant 0 : i32
    %dma_start3A_69 = arith.constant 0 : i32
    %dma_start3A_70 = tpu.memref_slice %arg7[%dma_start3A_59, %dma_start3A_68, %dma_start3A_69] : memref<3x200x128xf32, #tpu.memory_space<vmem>> -> memref<1x200x128xf32, #tpu.memory_space<vmem>>
    %dma_start3A_71 = tpu.memref_squeeze %dma_start3A_70 : memref<1x200x128xf32, #tpu.memory_space<vmem>> -> memref<200x128xf32, #tpu.memory_space<vmem>>
    tpu.enqueue_dma source(%dma_start3A_71 : memref<200x128xf32, #tpu.memory_space<vmem>>) target(%dma_start3A_67 : memref<200x128xf32, #tpu.memory_space<hbm>>) target_semaphore(%arg13 : memref<!tpu.dma_semaphore, #tpu.memory_space<semaphore_mem>>)
    %add3A_72 = arith.constant 25000 : i32
    %add3A_73 = arith.addi %mul3A_2, %add3A_72 : i32
    %dma_wait3A_74 = arith.constant 2 : i32
    %dma_wait3A_75 = arith.constant 0 : i32
    %dma_wait3A_76 = arith.constant 0 : i32
    %dma_wait3A_77 = tpu.memref_slice %arg7[%dma_wait3A_74, %dma_wait3A_75, %dma_wait3A_76] : memref<3x200x128xf32, #tpu.memory_space<vmem>> -> memref<1x200x128xf32, #tpu.memory_space<vmem>>
    %dma_wait3A_78 = tpu.memref_squeeze %dma_wait3A_77 : memref<1x200x128xf32, #tpu.memory_space<vmem>> -> memref<200x128xf32, #tpu.memory_space<vmem>>
    %dma_wait3A_79 = arith.constant 0 : i32
    %dma_wait3A_80 = tpu.memref_slice %arg5[%add3A_73, %dma_wait3A_79] : memref<819200x128xf32, #tpu.memory_space<hbm>> -> memref<200x128xf32, #tpu.memory_space<hbm>>
    %dma_wait3A_81 = arith.constant 0 : i32
    %dma_wait3A_82 = tpu.memref_slice %arg5[%add3A_73, %dma_wait3A_81] : memref<819200x128xf32, #tpu.memory_space<hbm>> -> memref<200x128xf32, #tpu.memory_space<hbm>>
    %dma_wait3A_83 = arith.constant 0 : i32
    %dma_wait3A_84 = arith.constant 0 : i32
    %dma_wait3A_85 = tpu.memref_slice %arg7[%dma_wait3A_74, %dma_wait3A_83, %dma_wait3A_84] : memref<3x200x128xf32, #tpu.memory_space<vmem>> -> memref<1x200x128xf32, #tpu.memory_space<vmem>>
    %dma_wait3A_86 = tpu.memref_squeeze %dma_wait3A_85 : memref<1x200x128xf32, #tpu.memory_space<vmem>> -> memref<200x128xf32, #tpu.memory_space<vmem>>
    tpu.wait_dma2 semaphore(%arg15 : memref<!tpu.dma_semaphore, #tpu.memory_space<semaphore_mem>>) src(%dma_wait3A_86 : memref<200x128xf32, #tpu.memory_space<vmem>>) dst(%dma_wait3A_82 : memref<200x128xf32, #tpu.memory_space<hbm>>)
    %dma_wait3A_87 = arith.constant 1 : i32
    %dma_wait3A_88 = arith.constant 0 : i32
    %dma_wait3A_89 = arith.constant 0 : i32
    %dma_wait3A_90 = tpu.memref_slice %arg7[%dma_wait3A_87, %dma_wait3A_88, %dma_wait3A_89] : memref<3x200x128xf32, #tpu.memory_space<vmem>> -> memref<1x200x128xf32, #tpu.memory_space<vmem>>
    %dma_wait3A_91 = tpu.memref_squeeze %dma_wait3A_90 : memref<1x200x128xf32, #tpu.memory_space<vmem>> -> memref<200x128xf32, #tpu.memory_space<vmem>>
    %dma_wait3A_92 = arith.constant 25400 : i32
    %dma_wait3A_93 = tpu.memref_slice %arg6[%dma_wait3A_92] : memref<25600xi32, #tpu.memory_space<vmem>> -> memref<200xi32, #tpu.memory_space<vmem>>
    %dma_wait3A_94 = arith.constant 0 : i32
    %dma_wait3A_95 = arith.constant 0 : i32
    %dma_wait3A_96 = tpu.memref_slice %arg3[%dma_wait3A_94, %dma_wait3A_95] : memref<100000x128xf32, #tpu.memory_space<hbm>> -> memref<100000x128xf32, #tpu.memory_space<hbm>>
    tpu.wait_indirect_dma semaphore(%arg11 : memref<!tpu.dma_semaphore, #tpu.memory_space<semaphore_mem>>) src(%dma_wait3A_96 : memref<100000x128xf32, #tpu.memory_space<hbm>>) dst(%dma_wait3A_91 : memref<200x128xf32, #tpu.memory_space<vmem>>)
    %scan3A_97 = arith.constant 0 : i32
    %scan3A_98 = arith.constant 0 : i32
    %scan3A_99 = arith.constant 50 : i32
    %scan3A_100 = arith.addi %scan3A_98, %scan3A_99 : i32
    %scan3A_101 = arith.constant 1 : i32
    scf.for %scan3A_148 = %scan3A_98 to %scan3A_100 step %scan3A_101  : i32 {
      %mul3A_149 = arith.constant 4 : i32
      %mul3A_150 = arith.muli %scan3A_148, %mul3A_149 : i32
      %add3A_151 = arith.constant 0 : i32
      %add3A_152 = arith.addi %mul3A_150, %add3A_151 : i32
      %get3A = arith.index_cast %add3A_152 : i32 to index
      %get3A_153 = arith.constant 0 : index
      %get3A_154 = tpu.vector_load %arg8[%get3A, %get3A_153] {strides = array<i32>} : memref<200x128xf32, #tpu.memory_space<vmem>>, vector<1x16xf32>,
      %get3A_155 = vector.shape_cast %get3A_154 : vector<1x16xf32> to vector<16xf32>
      %swap3A = arith.constant 1 : i32
      %swap3A_156 = arith.index_cast %swap3A : i32 to index
      %swap3A_157 = arith.index_cast %add3A_152 : i32 to index
      %swap3A_158 = arith.constant 0 : index
      %swap3A_159 = tpu.vector_load %arg7[%swap3A_156, %swap3A_157, %swap3A_158] {strides = array<i32>} : memref<3x200x128xf32, #tpu.memory_space<vmem>>, vector<1x1x16xf32>,
      %swap3A_160 = vector.shape_cast %swap3A_159 : vector<1x1x16xf32> to vector<16xf32>
      %swap3A_161 = vector.shape_cast %get3A_155 : vector<16xf32> to vector<1x1x16xf32>
      tpu.vector_store %arg7[%swap3A_156, %swap3A_157, %swap3A_158], %swap3A_161 {add = true, strides = array<i32>} : memref<3x200x128xf32, #tpu.memory_space<vmem>>, vector<1x1x16xf32>,
      %get3A_162 = arith.index_cast %add3A_152 : i32 to index
      %get3A_163 = arith.constant 16 : index
      %get3A_164 = tpu.vector_load %arg8[%get3A_162, %get3A_163] {strides = array<i32>} : memref<200x128xf32, #tpu.memory_space<vmem>>, vector<1x16xf32>,
      %get3A_165 = vector.shape_cast %get3A_164 : vector<1x16xf32> to vector<16xf32>
      %swap3A_166 = arith.constant 1 : i32
      %swap3A_167 = arith.index_cast %swap3A_166 : i32 to index
      %swap3A_168 = arith.index_cast %add3A_152 : i32 to index
      %swap3A_169 = arith.constant 16 : index
      %swap3A_170 = tpu.vector_load %arg7[%swap3A_167, %swap3A_168, %swap3A_169] {strides = array<i32>} : memref<3x200x128xf32, #tpu.memory_space<vmem>>, vector<1x1x16xf32>,
      %swap3A_171 = vector.shape_cast %swap3A_170 : vector<1x1x16xf32> to vector<16xf32>
      %swap3A_172 = vector.shape_cast %get3A_165 : vector<16xf32> to vector<1x1x16xf32>
      tpu.vector_store %arg7[%swap3A_167, %swap3A_168, %swap3A_169], %swap3A_172 {add = true, strides = array<i32>} : memref<3x200x128xf32, #tpu.memory_space<vmem>>, vector<1x1x16xf32>,
      %get3A_173 = arith.index_cast %add3A_152 : i32 to index
      %get3A_174 = arith.constant 32 : index
      %get3A_175 = tpu.vector_load %arg8[%get3A_173, %get3A_174] {strides = array<i32>} : memref<200x128xf32, #tpu.memory_space<vmem>>, vector<1x16xf32>,
      %get3A_176 = vector.shape_cast %get3A_175 : vector<1x16xf32> to vector<16xf32>
      %swap3A_177 = arith.constant 1 : i32
      %swap3A_178 = arith.index_cast %swap3A_177 : i32 to index
      %swap3A_179 = arith.index_cast %add3A_152 : i32 to index
      %swap3A_180 = arith.constant 32 : index
      %swap3A_181 = tpu.vector_load %arg7[%swap3A_178, %swap3A_179, %swap3A_180] {strides = array<i32>} : memref<3x200x128xf32, #tpu.memory_space<vmem>>, vector<1x1x16xf32>,
      %swap3A_182 = vector.shape_cast %swap3A_181 : vector<1x1x16xf32> to vector<16xf32>
      %swap3A_183 = vector.shape_cast %get3A_176 : vector<16xf32> to vector<1x1x16xf32>
      tpu.vector_store %arg7[%swap3A_178, %swap3A_179, %swap3A_180], %swap3A_183 {add = true, strides = array<i32>} : memref<3x200x128xf32, #tpu.memory_space<vmem>>, vector<1x1x16xf32>,
      %get3A_184 = arith.index_cast %add3A_152 : i32 to index
      %get3A_185 = arith.constant 48 : index
      %get3A_186 = tpu.vector_load %arg8[%get3A_184, %get3A_185] {strides = array<i32>} : memref<200x128xf32, #tpu.memory_space<vmem>>, vector<1x16xf32>,
      %get3A_187 = vector.shape_cast %get3A_186 : vector<1x16xf32> to vector<16xf32>
      %swap3A_188 = arith.constant 1 : i32
      %swap3A_189 = arith.index_cast %swap3A_188 : i32 to index
      %swap3A_190 = arith.index_cast %add3A_152 : i32 to index
      %swap3A_191 = arith.constant 48 : index
      %swap3A_192 = tpu.vector_load %arg7[%swap3A_189, %swap3A_190, %swap3A_191] {strides = array<i32>} : memref<3x200x128xf32, #tpu.memory_space<vmem>>, vector<1x1x16xf32>,
      %swap3A_193 = vector.shape_cast %swap3A_192 : vector<1x1x16xf32> to vector<16xf32>
      %swap3A_194 = vector.shape_cast %get3A_187 : vector<16xf32> to vector<1x1x16xf32>
      tpu.vector_store %arg7[%swap3A_189, %swap3A_190, %swap3A_191], %swap3A_194 {add = true, strides = array<i32>} : memref<3x200x128xf32, #tpu.memory_space<vmem>>, vector<1x1x16xf32>,
      %get3A_195 = arith.index_cast %add3A_152 : i32 to index
      %get3A_196 = arith.constant 64 : index
      %get3A_197 = tpu.vector_load %arg8[%get3A_195, %get3A_196] {strides = array<i32>} : memref<200x128xf32, #tpu.memory_space<vmem>>, vector<1x16xf32>,
      %get3A_198 = vector.shape_cast %get3A_197 : vector<1x16xf32> to vector<16xf32>
      %swap3A_199 = arith.constant 1 : i32
      %swap3A_200 = arith.index_cast %swap3A_199 : i32 to index
      %swap3A_201 = arith.index_cast %add3A_152 : i32 to index
      %swap3A_202 = arith.constant 64 : index
      %swap3A_203 = tpu.vector_load %arg7[%swap3A_200, %swap3A_201, %swap3A_202] {strides = array<i32>} : memref<3x200x128xf32, #tpu.memory_space<vmem>>, vector<1x1x16xf32>,
      %swap3A_204 = vector.shape_cast %swap3A_203 : vector<1x1x16xf32> to vector<16xf32>
      %swap3A_205 = vector.shape_cast %get3A_198 : vector<16xf32> to vector<1x1x16xf32>
      tpu.vector_store %arg7[%swap3A_200, %swap3A_201, %swap3A_202], %swap3A_205 {add = true, strides = array<i32>} : memref<3x200x128xf32, #tpu.memory_space<vmem>>, vector<1x1x16xf32>,
      %get3A_206 = arith.index_cast %add3A_152 : i32 to index
      %get3A_207 = arith.constant 80 : index
      %get3A_208 = tpu.vector_load %arg8[%get3A_206, %get3A_207] {strides = array<i32>} : memref<200x128xf32, #tpu.memory_space<vmem>>, vector<1x16xf32>,
      %get3A_209 = vector.shape_cast %get3A_208 : vector<1x16xf32> to vector<16xf32>
      %swap3A_210 = arith.constant 1 : i32
      %swap3A_211 = arith.index_cast %swap3A_210 : i32 to index
      %swap3A_212 = arith.index_cast %add3A_152 : i32 to index
      %swap3A_213 = arith.constant 80 : index
      %swap3A_214 = tpu.vector_load %arg7[%swap3A_211, %swap3A_212, %swap3A_213] {strides = array<i32>} : memref<3x200x128xf32, #tpu.memory_space<vmem>>, vector<1x1x16xf32>,
      %swap3A_215 = vector.shape_cast %swap3A_214 : vector<1x1x16xf32> to vector<16xf32>
      %swap3A_216 = vector.shape_cast %get3A_209 : vector<16xf32> to vector<1x1x16xf32>
      tpu.vector_store %arg7[%swap3A_211, %swap3A_212, %swap3A_213], %swap3A_216 {add = true, strides = array<i32>} : memref<3x200x128xf32, #tpu.memory_space<vmem>>, vector<1x1x16xf32>,
      %get3A_217 = arith.index_cast %add3A_152 : i32 to index
      %get3A_218 = arith.constant 96 : index
      %get3A_219 = tpu.vector_load %arg8[%get3A_217, %get3A_218] {strides = array<i32>} : memref<200x128xf32, #tpu.memory_space<vmem>>, vector<1x16xf32>,
      %get3A_220 = vector.shape_cast %get3A_219 : vector<1x16xf32> to vector<16xf32>
      %swap3A_221 = arith.constant 1 : i32
      %swap3A_222 = arith.index_cast %swap3A_221 : i32 to index
      %swap3A_223 = arith.index_cast %add3A_152 : i32 to index
      %swap3A_224 = arith.constant 96 : index
      %swap3A_225 = tpu.vector_load %arg7[%swap3A_222, %swap3A_223, %swap3A_224] {strides = array<i32>} : memref<3x200x128xf32, #tpu.memory_space<vmem>>, vector<1x1x16xf32>,
      %swap3A_226 = vector.shape_cast %swap3A_225 : vector<1x1x16xf32> to vector<16xf32>
      %swap3A_227 = vector.shape_cast %get3A_220 : vector<16xf32> to vector<1x1x16xf32>
      tpu.vector_store %arg7[%swap3A_222, %swap3A_223, %swap3A_224], %swap3A_227 {add = true, strides = array<i32>} : memref<3x200x128xf32, #tpu.memory_space<vmem>>, vector<1x1x16xf32>,
      %get3A_228 = arith.index_cast %add3A_152 : i32 to index
      %get3A_229 = arith.constant 112 : index
      %get3A_230 = tpu.vector_load %arg8[%get3A_228, %get3A_229] {strides = array<i32>} : memref<200x128xf32, #tpu.memory_space<vmem>>, vector<1x16xf32>,
      %get3A_231 = vector.shape_cast %get3A_230 : vector<1x16xf32> to vector<16xf32>
      %swap3A_232 = arith.constant 1 : i32
      %swap3A_233 = arith.index_cast %swap3A_232 : i32 to index
      %swap3A_234 = arith.index_cast %add3A_152 : i32 to index
      %swap3A_235 = arith.constant 112 : index
      %swap3A_236 = tpu.vector_load %arg7[%swap3A_233, %swap3A_234, %swap3A_235] {strides = array<i32>} : memref<3x200x128xf32, #tpu.memory_space<vmem>>, vector<1x1x16xf32>,
      %swap3A_237 = vector.shape_cast %swap3A_236 : vector<1x1x16xf32> to vector<16xf32>
      %swap3A_238 = vector.shape_cast %get3A_231 : vector<16xf32> to vector<1x1x16xf32>
      tpu.vector_store %arg7[%swap3A_233, %swap3A_234, %swap3A_235], %swap3A_238 {add = true, strides = array<i32>} : memref<3x200x128xf32, #tpu.memory_space<vmem>>, vector<1x1x16xf32>,
      %mul3A_239 = arith.constant 4 : i32
      %mul3A_240 = arith.muli %scan3A_148, %mul3A_239 : i32
      %add3A_241 = arith.constant 1 : i32
      %add3A_242 = arith.addi %mul3A_240, %add3A_241 : i32
      %get3A_243 = arith.index_cast %add3A_242 : i32 to index
      %get3A_244 = arith.constant 0 : index
      %get3A_245 = tpu.vector_load %arg8[%get3A_243, %get3A_244] {strides = array<i32>} : memref<200x128xf32, #tpu.memory_space<vmem>>, vector<1x16xf32>,
      %get3A_246 = vector.shape_cast %get3A_245 : vector<1x16xf32> to vector<16xf32>
      %swap3A_247 = arith.constant 1 : i32
      %swap3A_248 = arith.index_cast %swap3A_247 : i32 to index
      %swap3A_249 = arith.index_cast %add3A_242 : i32 to index
      %swap3A_250 = arith.constant 0 : index
      %swap3A_251 = tpu.vector_load %arg7[%swap3A_248, %swap3A_249, %swap3A_250] {strides = array<i32>} : memref<3x200x128xf32, #tpu.memory_space<vmem>>, vector<1x1x16xf32>,
      %swap3A_252 = vector.shape_cast %swap3A_251 : vector<1x1x16xf32> to vector<16xf32>
      %swap3A_253 = vector.shape_cast %get3A_246 : vector<16xf32> to vector<1x1x16xf32>
      tpu.vector_store %arg7[%swap3A_248, %swap3A_249, %swap3A_250], %swap3A_253 {add = true, strides = array<i32>} : memref<3x200x128xf32, #tpu.memory_space<vmem>>, vector<1x1x16xf32>,
      %get3A_254 = arith.index_cast %add3A_242 : i32 to index
      %get3A_255 = arith.constant 16 : index
      %get3A_256 = tpu.vector_load %arg8[%get3A_254, %get3A_255] {strides = array<i32>} : memref<200x128xf32, #tpu.memory_space<vmem>>, vector<1x16xf32>,
      %get3A_257 = vector.shape_cast %get3A_256 : vector<1x16xf32> to vector<16xf32>
      %swap3A_258 = arith.constant 1 : i32
      %swap3A_259 = arith.index_cast %swap3A_258 : i32 to index
      %swap3A_260 = arith.index_cast %add3A_242 : i32 to index
      %swap3A_261 = arith.constant 16 : index
      %swap3A_262 = tpu.vector_load %arg7[%swap3A_259, %swap3A_260, %swap3A_261] {strides = array<i32>} : memref<3x200x128xf32, #tpu.memory_space<vmem>>, vector<1x1x16xf32>,
      %swap3A_263 = vector.shape_cast %swap3A_262 : vector<1x1x16xf32> to vector<16xf32>
      %swap3A_264 = vector.shape_cast %get3A_257 : vector<16xf32> to vector<1x1x16xf32>
      tpu.vector_store %arg7[%swap3A_259, %swap3A_260, %swap3A_261], %swap3A_264 {add = true, strides = array<i32>} : memref<3x200x128xf32, #tpu.memory_space<vmem>>, vector<1x1x16xf32>,
      %get3A_265 = arith.index_cast %add3A_242 : i32 to index
      %get3A_266 = arith.constant 32 : index
      %get3A_267 = tpu.vector_load %arg8[%get3A_265, %get3A_266] {strides = array<i32>} : memref<200x128xf32, #tpu.memory_space<vmem>>, vector<1x16xf32>,
      %get3A_268 = vector.shape_cast %get3A_267 : vector<1x16xf32> to vector<16xf32>
      %swap3A_269 = arith.constant 1 : i32
      %swap3A_270 = arith.index_cast %swap3A_269 : i32 to index
      %swap3A_271 = arith.index_cast %add3A_242 : i32 to index
      %swap3A_272 = arith.constant 32 : index
      %swap3A_273 = tpu.vector_load %arg7[%swap3A_270, %swap3A_271, %swap3A_272] {strides = array<i32>} : memref<3x200x128xf32, #tpu.memory_space<vmem>>, vector<1x1x16xf32>,
      %swap3A_274 = vector.shape_cast %swap3A_273 : vector<1x1x16xf32> to vector<16xf32>
      %swap3A_275 = vector.shape_cast %get3A_268 : vector<16xf32> to vector<1x1x16xf32>
      tpu.vector_store %arg7[%swap3A_270, %swap3A_271, %swap3A_272], %swap3A_275 {add = true, strides = array<i32>} : memref<3x200x128xf32, #tpu.memory_space<vmem>>, vector<1x1x16xf32>,
      %get3A_276 = arith.index_cast %add3A_242 : i32 to index
      %get3A_277 = arith.constant 48 : index
      %get3A_278 = tpu.vector_load %arg8[%get3A_276, %get3A_277] {strides = array<i32>} : memref<200x128xf32, #tpu.memory_space<vmem>>, vector<1x16xf32>,
      %get3A_279 = vector.shape_cast %get3A_278 : vector<1x16xf32> to vector<16xf32>
      %swap3A_280 = arith.constant 1 : i32
      %swap3A_281 = arith.index_cast %swap3A_280 : i32 to index
      %swap3A_282 = arith.index_cast %add3A_242 : i32 to index
      %swap3A_283 = arith.constant 48 : index
      %swap3A_284 = tpu.vector_load %arg7[%swap3A_281, %swap3A_282, %swap3A_283] {strides = array<i32>} : memref<3x200x128xf32, #tpu.memory_space<vmem>>, vector<1x1x16xf32>,
      %swap3A_285 = vector.shape_cast %swap3A_284 : vector<1x1x16xf32> to vector<16xf32>
      %swap3A_286 = vector.shape_cast %get3A_279 : vector<16xf32> to vector<1x1x16xf32>
      tpu.vector_store %arg7[%swap3A_281, %swap3A_282, %swap3A_283], %swap3A_286 {add = true, strides = array<i32>} : memref<3x200x128xf32, #tpu.memory_space<vmem>>, vector<1x1x16xf32>,
      %get3A_287 = arith.index_cast %add3A_242 : i32 to index
      %get3A_288 = arith.constant 64 : index
      %get3A_289 = tpu.vector_load %arg8[%get3A_287, %get3A_288] {strides = array<i32>} : memref<200x128xf32, #tpu.memory_space<vmem>>, vector<1x16xf32>,
      %get3A_290 = vector.shape_cast %get3A_289 : vector<1x16xf32> to vector<16xf32>
      %swap3A_291 = arith.constant 1 : i32
      %swap3A_292 = arith.index_cast %swap3A_291 : i32 to index
      %swap3A_293 = arith.index_cast %add3A_242 : i32 to index
      %swap3A_294 = arith.constant 64 : index
      %swap3A_295 = tpu.vector_load %arg7[%swap3A_292, %swap3A_293, %swap3A_294] {strides = array<i32>} : memref<3x200x128xf32, #tpu.memory_space<vmem>>, vector<1x1x16xf32>,
      %swap3A_296 = vector.shape_cast %swap3A_295 : vector<1x1x16xf32> to vector<16xf32>
      %swap3A_297 = vector.shape_cast %get3A_290 : vector<16xf32> to vector<1x1x16xf32>
      tpu.vector_store %arg7[%swap3A_292, %swap3A_293, %swap3A_294], %swap3A_297 {add = true, strides = array<i32>} : memref<3x200x128xf32, #tpu.memory_space<vmem>>, vector<1x1x16xf32>,
      %get3A_298 = arith.index_cast %add3A_242 : i32 to index
      %get3A_299 = arith.constant 80 : index
      %get3A_300 = tpu.vector_load %arg8[%get3A_298, %get3A_299] {strides = array<i32>} : memref<200x128xf32, #tpu.memory_space<vmem>>, vector<1x16xf32>,
      %get3A_301 = vector.shape_cast %get3A_300 : vector<1x16xf32> to vector<16xf32>
      %swap3A_302 = arith.constant 1 : i32
      %swap3A_303 = arith.index_cast %swap3A_302 : i32 to index
      %swap3A_304 = arith.index_cast %add3A_242 : i32 to index
      %swap3A_305 = arith.constant 80 : index
      %swap3A_306 = tpu.vector_load %arg7[%swap3A_303, %swap3A_304, %swap3A_305] {strides = array<i32>} : memref<3x200x128xf32, #tpu.memory_space<vmem>>, vector<1x1x16xf32>,
      %swap3A_307 = vector.shape_cast %swap3A_306 : vector<1x1x16xf32> to vector<16xf32>
      %swap3A_308 = vector.shape_cast %get3A_301 : vector<16xf32> to vector<1x1x16xf32>
      tpu.vector_store %arg7[%swap3A_303, %swap3A_304, %swap3A_305], %swap3A_308 {add = true, strides = array<i32>} : memref<3x200x128xf32, #tpu.memory_space<vmem>>, vector<1x1x16xf32>,
      %get3A_309 = arith.index_cast %add3A_242 : i32 to index
      %get3A_310 = arith.constant 96 : index
      %get3A_311 = tpu.vector_load %arg8[%get3A_309, %get3A_310] {strides = array<i32>} : memref<200x128xf32, #tpu.memory_space<vmem>>, vector<1x16xf32>,
      %get3A_312 = vector.shape_cast %get3A_311 : vector<1x16xf32> to vector<16xf32>
      %swap3A_313 = arith.constant 1 : i32
      %swap3A_314 = arith.index_cast %swap3A_313 : i32 to index
      %swap3A_315 = arith.index_cast %add3A_242 : i32 to index
      %swap3A_316 = arith.constant 96 : index
      %swap3A_317 = tpu.vector_load %arg7[%swap3A_314, %swap3A_315, %swap3A_316] {strides = array<i32>} : memref<3x200x128xf32, #tpu.memory_space<vmem>>, vector<1x1x16xf32>,
      %swap3A_318 = vector.shape_cast %swap3A_317 : vector<1x1x16xf32> to vector<16xf32>
      %swap3A_319 = vector.shape_cast %get3A_312 : vector<16xf32> to vector<1x1x16xf32>
      tpu.vector_store %arg7[%swap3A_314, %swap3A_315, %swap3A_316], %swap3A_319 {add = true, strides = array<i32>} : memref<3x200x128xf32, #tpu.memory_space<vmem>>, vector<1x1x16xf32>,
      %get3A_320 = arith.index_cast %add3A_242 : i32 to index
      %get3A_321 = arith.constant 112 : index
      %get3A_322 = tpu.vector_load %arg8[%get3A_320, %get3A_321] {strides = array<i32>} : memref<200x128xf32, #tpu.memory_space<vmem>>, vector<1x16xf32>,
      %get3A_323 = vector.shape_cast %get3A_322 : vector<1x16xf32> to vector<16xf32>
      %swap3A_324 = arith.constant 1 : i32
      %swap3A_325 = arith.index_cast %swap3A_324 : i32 to index
      %swap3A_326 = arith.index_cast %add3A_242 : i32 to index
      %swap3A_327 = arith.constant 112 : index
      %swap3A_328 = tpu.vector_load %arg7[%swap3A_325, %swap3A_326, %swap3A_327] {strides = array<i32>} : memref<3x200x128xf32, #tpu.memory_space<vmem>>, vector<1x1x16xf32>,
      %swap3A_329 = vector.shape_cast %swap3A_328 : vector<1x1x16xf32> to vector<16xf32>
      %swap3A_330 = vector.shape_cast %get3A_323 : vector<16xf32> to vector<1x1x16xf32>
      tpu.vector_store %arg7[%swap3A_325, %swap3A_326, %swap3A_327], %swap3A_330 {add = true, strides = array<i32>} : memref<3x200x128xf32, #tpu.memory_space<vmem>>, vector<1x1x16xf32>,
      %mul3A_331 = arith.constant 4 : i32
      %mul3A_332 = arith.muli %scan3A_148, %mul3A_331 : i32
      %add3A_333 = arith.constant 2 : i32
      %add3A_334 = arith.addi %mul3A_332, %add3A_333 : i32
      %get3A_335 = arith.index_cast %add3A_334 : i32 to index
      %get3A_336 = arith.constant 0 : index
      %get3A_337 = tpu.vector_load %arg8[%get3A_335, %get3A_336] {strides = array<i32>} : memref<200x128xf32, #tpu.memory_space<vmem>>, vector<1x16xf32>,
      %get3A_338 = vector.shape_cast %get3A_337 : vector<1x16xf32> to vector<16xf32>
      %swap3A_339 = arith.constant 1 : i32
      %swap3A_340 = arith.index_cast %swap3A_339 : i32 to index
      %swap3A_341 = arith.index_cast %add3A_334 : i32 to index
      %swap3A_342 = arith.constant 0 : index
      %swap3A_343 = tpu.vector_load %arg7[%swap3A_340, %swap3A_341, %swap3A_342] {strides = array<i32>} : memref<3x200x128xf32, #tpu.memory_space<vmem>>, vector<1x1x16xf32>,
      %swap3A_344 = vector.shape_cast %swap3A_343 : vector<1x1x16xf32> to vector<16xf32>
      %swap3A_345 = vector.shape_cast %get3A_338 : vector<16xf32> to vector<1x1x16xf32>
      tpu.vector_store %arg7[%swap3A_340, %swap3A_341, %swap3A_342], %swap3A_345 {add = true, strides = array<i32>} : memref<3x200x128xf32, #tpu.memory_space<vmem>>, vector<1x1x16xf32>,
      %get3A_346 = arith.index_cast %add3A_334 : i32 to index
      %get3A_347 = arith.constant 16 : index
      %get3A_348 = tpu.vector_load %arg8[%get3A_346, %get3A_347] {strides = array<i32>} : memref<200x128xf32, #tpu.memory_space<vmem>>, vector<1x16xf32>,
      %get3A_349 = vector.shape_cast %get3A_348 : vector<1x16xf32> to vector<16xf32>
      %swap3A_350 = arith.constant 1 : i32
      %swap3A_351 = arith.index_cast %swap3A_350 : i32 to index
      %swap3A_352 = arith.index_cast %add3A_334 : i32 to index
      %swap3A_353 = arith.constant 16 : index
      %swap3A_354 = tpu.vector_load %arg7[%swap3A_351, %swap3A_352, %swap3A_353] {strides = array<i32>} : memref<3x200x128xf32, #tpu.memory_space<vmem>>, vector<1x1x16xf32>,
      %swap3A_355 = vector.shape_cast %swap3A_354 : vector<1x1x16xf32> to vector<16xf32>
      %swap3A_356 = vector.shape_cast %get3A_349 : vector<16xf32> to vector<1x1x16xf32>
      tpu.vector_store %arg7[%swap3A_351, %swap3A_352, %swap3A_353], %swap3A_356 {add = true, strides = array<i32>} : memref<3x200x128xf32, #tpu.memory_space<vmem>>, vector<1x1x16xf32>,
      %get3A_357 = arith.index_cast %add3A_334 : i32 to index
      %get3A_358 = arith.constant 32 : index
      %get3A_359 = tpu.vector_load %arg8[%get3A_357, %get3A_358] {strides = array<i32>} : memref<200x128xf32, #tpu.memory_space<vmem>>, vector<1x16xf32>,
      %get3A_360 = vector.shape_cast %get3A_359 : vector<1x16xf32> to vector<16xf32>
      %swap3A_361 = arith.constant 1 : i32
      %swap3A_362 = arith.index_cast %swap3A_361 : i32 to index
      %swap3A_363 = arith.index_cast %add3A_334 : i32 to index
      %swap3A_364 = arith.constant 32 : index
      %swap3A_365 = tpu.vector_load %arg7[%swap3A_362, %swap3A_363, %swap3A_364] {strides = array<i32>} : memref<3x200x128xf32, #tpu.memory_space<vmem>>, vector<1x1x16xf32>,
      %swap3A_366 = vector.shape_cast %swap3A_365 : vector<1x1x16xf32> to vector<16xf32>
      %swap3A_367 = vector.shape_cast %get3A_360 : vector<16xf32> to vector<1x1x16xf32>
      tpu.vector_store %arg7[%swap3A_362, %swap3A_363, %swap3A_364], %swap3A_367 {add = true, strides = array<i32>} : memref<3x200x128xf32, #tpu.memory_space<vmem>>, vector<1x1x16xf32>,
      %get3A_368 = arith.index_cast %add3A_334 : i32 to index
      %get3A_369 = arith.constant 48 : index
      %get3A_370 = tpu.vector_load %arg8[%get3A_368, %get3A_369] {strides = array<i32>} : memref<200x128xf32, #tpu.memory_space<vmem>>, vector<1x16xf32>,
      %get3A_371 = vector.shape_cast %get3A_370 : vector<1x16xf32> to vector<16xf32>
      %swap3A_372 = arith.constant 1 : i32
      %swap3A_373 = arith.index_cast %swap3A_372 : i32 to index
      %swap3A_374 = arith.index_cast %add3A_334 : i32 to index
      %swap3A_375 = arith.constant 48 : index
      %swap3A_376 = tpu.vector_load %arg7[%swap3A_373, %swap3A_374, %swap3A_375] {strides = array<i32>} : memref<3x200x128xf32, #tpu.memory_space<vmem>>, vector<1x1x16xf32>,
      %swap3A_377 = vector.shape_cast %swap3A_376 : vector<1x1x16xf32> to vector<16xf32>
      %swap3A_378 = vector.shape_cast %get3A_371 : vector<16xf32> to vector<1x1x16xf32>
      tpu.vector_store %arg7[%swap3A_373, %swap3A_374, %swap3A_375], %swap3A_378 {add = true, strides = array<i32>} : memref<3x200x128xf32, #tpu.memory_space<vmem>>, vector<1x1x16xf32>,
      %get3A_379 = arith.index_cast %add3A_334 : i32 to index
      %get3A_380 = arith.constant 64 : index
      %get3A_381 = tpu.vector_load %arg8[%get3A_379, %get3A_380] {strides = array<i32>} : memref<200x128xf32, #tpu.memory_space<vmem>>, vector<1x16xf32>,
      %get3A_382 = vector.shape_cast %get3A_381 : vector<1x16xf32> to vector<16xf32>
      %swap3A_383 = arith.constant 1 : i32
      %swap3A_384 = arith.index_cast %swap3A_383 : i32 to index
      %swap3A_385 = arith.index_cast %add3A_334 : i32 to index
      %swap3A_386 = arith.constant 64 : index
      %swap3A_387 = tpu.vector_load %arg7[%swap3A_384, %swap3A_385, %swap3A_386] {strides = array<i32>} : memref<3x200x128xf32, #tpu.memory_space<vmem>>, vector<1x1x16xf32>,
      %swap3A_388 = vector.shape_cast %swap3A_387 : vector<1x1x16xf32> to vector<16xf32>
      %swap3A_389 = vector.shape_cast %get3A_382 : vector<16xf32> to vector<1x1x16xf32>
      tpu.vector_store %arg7[%swap3A_384, %swap3A_385, %swap3A_386], %swap3A_389 {add = true, strides = array<i32>} : memref<3x200x128xf32, #tpu.memory_space<vmem>>, vector<1x1x16xf32>,
      %get3A_390 = arith.index_cast %add3A_334 : i32 to index
      %get3A_391 = arith.constant 80 : index
      %get3A_392 = tpu.vector_load %arg8[%get3A_390, %get3A_391] {strides = array<i32>} : memref<200x128xf32, #tpu.memory_space<vmem>>, vector<1x16xf32>,
      %get3A_393 = vector.shape_cast %get3A_392 : vector<1x16xf32> to vector<16xf32>
      %swap3A_394 = arith.constant 1 : i32
      %swap3A_395 = arith.index_cast %swap3A_394 : i32 to index
      %swap3A_396 = arith.index_cast %add3A_334 : i32 to index
      %swap3A_397 = arith.constant 80 : index
      %swap3A_398 = tpu.vector_load %arg7[%swap3A_395, %swap3A_396, %swap3A_397] {strides = array<i32>} : memref<3x200x128xf32, #tpu.memory_space<vmem>>, vector<1x1x16xf32>,
      %swap3A_399 = vector.shape_cast %swap3A_398 : vector<1x1x16xf32> to vector<16xf32>
      %swap3A_400 = vector.shape_cast %get3A_393 : vector<16xf32> to vector<1x1x16xf32>
      tpu.vector_store %arg7[%swap3A_395, %swap3A_396, %swap3A_397], %swap3A_400 {add = true, strides = array<i32>} : memref<3x200x128xf32, #tpu.memory_space<vmem>>, vector<1x1x16xf32>,
      %get3A_401 = arith.index_cast %add3A_334 : i32 to index
      %get3A_402 = arith.constant 96 : index
      %get3A_403 = tpu.vector_load %arg8[%get3A_401, %get3A_402] {strides = array<i32>} : memref<200x128xf32, #tpu.memory_space<vmem>>, vector<1x16xf32>,
      %get3A_404 = vector.shape_cast %get3A_403 : vector<1x16xf32> to vector<16xf32>
      %swap3A_405 = arith.constant 1 : i32
      %swap3A_406 = arith.index_cast %swap3A_405 : i32 to index
      %swap3A_407 = arith.index_cast %add3A_334 : i32 to index
      %swap3A_408 = arith.constant 96 : index
      %swap3A_409 = tpu.vector_load %arg7[%swap3A_406, %swap3A_407, %swap3A_408] {strides = array<i32>} : memref<3x200x128xf32, #tpu.memory_space<vmem>>, vector<1x1x16xf32>,
      %swap3A_410 = vector.shape_cast %swap3A_409 : vector<1x1x16xf32> to vector<16xf32>
      %swap3A_411 = vector.shape_cast %get3A_404 : vector<16xf32> to vector<1x1x16xf32>
      tpu.vector_store %arg7[%swap3A_406, %swap3A_407, %swap3A_408], %swap3A_411 {add = true, strides = array<i32>} : memref<3x200x128xf32, #tpu.memory_space<vmem>>, vector<1x1x16xf32>,
      %get3A_412 = arith.index_cast %add3A_334 : i32 to index
      %get3A_413 = arith.constant 112 : index
      %get3A_414 = tpu.vector_load %arg8[%get3A_412, %get3A_413] {strides = array<i32>} : memref<200x128xf32, #tpu.memory_space<vmem>>, vector<1x16xf32>,
      %get3A_415 = vector.shape_cast %get3A_414 : vector<1x16xf32> to vector<16xf32>
      %swap3A_416 = arith.constant 1 : i32
      %swap3A_417 = arith.index_cast %swap3A_416 : i32 to index
      %swap3A_418 = arith.index_cast %add3A_334 : i32 to index
      %swap3A_419 = arith.constant 112 : index
      %swap3A_420 = tpu.vector_load %arg7[%swap3A_417, %swap3A_418, %swap3A_419] {strides = array<i32>} : memref<3x200x128xf32, #tpu.memory_space<vmem>>, vector<1x1x16xf32>,
      %swap3A_421 = vector.shape_cast %swap3A_420 : vector<1x1x16xf32> to vector<16xf32>
      %swap3A_422 = vector.shape_cast %get3A_415 : vector<16xf32> to vector<1x1x16xf32>
      tpu.vector_store %arg7[%swap3A_417, %swap3A_418, %swap3A_419], %swap3A_422 {add = true, strides = array<i32>} : memref<3x200x128xf32, #tpu.memory_space<vmem>>, vector<1x1x16xf32>,
      %mul3A_423 = arith.constant 4 : i32
      %mul3A_424 = arith.muli %scan3A_148, %mul3A_423 : i32
      %add3A_425 = arith.constant 3 : i32
      %add3A_426 = arith.addi %mul3A_424, %add3A_425 : i32
      %get3A_427 = arith.index_cast %add3A_426 : i32 to index
      %get3A_428 = arith.constant 0 : index
      %get3A_429 = tpu.vector_load %arg8[%get3A_427, %get3A_428] {strides = array<i32>} : memref<200x128xf32, #tpu.memory_space<vmem>>, vector<1x16xf32>,
      %get3A_430 = vector.shape_cast %get3A_429 : vector<1x16xf32> to vector<16xf32>
      %swap3A_431 = arith.constant 1 : i32
      %swap3A_432 = arith.index_cast %swap3A_431 : i32 to index
      %swap3A_433 = arith.index_cast %add3A_426 : i32 to index
      %swap3A_434 = arith.constant 0 : index
      %swap3A_435 = tpu.vector_load %arg7[%swap3A_432, %swap3A_433, %swap3A_434] {strides = array<i32>} : memref<3x200x128xf32, #tpu.memory_space<vmem>>, vector<1x1x16xf32>,
      %swap3A_436 = vector.shape_cast %swap3A_435 : vector<1x1x16xf32> to vector<16xf32>
      %swap3A_437 = vector.shape_cast %get3A_430 : vector<16xf32> to vector<1x1x16xf32>
      tpu.vector_store %arg7[%swap3A_432, %swap3A_433, %swap3A_434], %swap3A_437 {add = true, strides = array<i32>} : memref<3x200x128xf32, #tpu.memory_space<vmem>>, vector<1x1x16xf32>,
      %get3A_438 = arith.index_cast %add3A_426 : i32 to index
      %get3A_439 = arith.constant 16 : index
      %get3A_440 = tpu.vector_load %arg8[%get3A_438, %get3A_439] {strides = array<i32>} : memref<200x128xf32, #tpu.memory_space<vmem>>, vector<1x16xf32>,
      %get3A_441 = vector.shape_cast %get3A_440 : vector<1x16xf32> to vector<16xf32>
      %swap3A_442 = arith.constant 1 : i32
      %swap3A_443 = arith.index_cast %swap3A_442 : i32 to index
      %swap3A_444 = arith.index_cast %add3A_426 : i32 to index
      %swap3A_445 = arith.constant 16 : index
      %swap3A_446 = tpu.vector_load %arg7[%swap3A_443, %swap3A_444, %swap3A_445] {strides = array<i32>} : memref<3x200x128xf32, #tpu.memory_space<vmem>>, vector<1x1x16xf32>,
      %swap3A_447 = vector.shape_cast %swap3A_446 : vector<1x1x16xf32> to vector<16xf32>
      %swap3A_448 = vector.shape_cast %get3A_441 : vector<16xf32> to vector<1x1x16xf32>
      tpu.vector_store %arg7[%swap3A_443, %swap3A_444, %swap3A_445], %swap3A_448 {add = true, strides = array<i32>} : memref<3x200x128xf32, #tpu.memory_space<vmem>>, vector<1x1x16xf32>,
      %get3A_449 = arith.index_cast %add3A_426 : i32 to index
      %get3A_450 = arith.constant 32 : index
      %get3A_451 = tpu.vector_load %arg8[%get3A_449, %get3A_450] {strides = array<i32>} : memref<200x128xf32, #tpu.memory_space<vmem>>, vector<1x16xf32>,
      %get3A_452 = vector.shape_cast %get3A_451 : vector<1x16xf32> to vector<16xf32>
      %swap3A_453 = arith.constant 1 : i32
      %swap3A_454 = arith.index_cast %swap3A_453 : i32 to index
      %swap3A_455 = arith.index_cast %add3A_426 : i32 to index
      %swap3A_456 = arith.constant 32 : index
      %swap3A_457 = tpu.vector_load %arg7[%swap3A_454, %swap3A_455, %swap3A_456] {strides = array<i32>} : memref<3x200x128xf32, #tpu.memory_space<vmem>>, vector<1x1x16xf32>,
      %swap3A_458 = vector.shape_cast %swap3A_457 : vector<1x1x16xf32> to vector<16xf32>
      %swap3A_459 = vector.shape_cast %get3A_452 : vector<16xf32> to vector<1x1x16xf32>
      tpu.vector_store %arg7[%swap3A_454, %swap3A_455, %swap3A_456], %swap3A_459 {add = true, strides = array<i32>} : memref<3x200x128xf32, #tpu.memory_space<vmem>>, vector<1x1x16xf32>,
      %get3A_460 = arith.index_cast %add3A_426 : i32 to index
      %get3A_461 = arith.constant 48 : index
      %get3A_462 = tpu.vector_load %arg8[%get3A_460, %get3A_461] {strides = array<i32>} : memref<200x128xf32, #tpu.memory_space<vmem>>, vector<1x16xf32>,
      %get3A_463 = vector.shape_cast %get3A_462 : vector<1x16xf32> to vector<16xf32>
      %swap3A_464 = arith.constant 1 : i32
      %swap3A_465 = arith.index_cast %swap3A_464 : i32 to index
      %swap3A_466 = arith.index_cast %add3A_426 : i32 to index
      %swap3A_467 = arith.constant 48 : index
      %swap3A_468 = tpu.vector_load %arg7[%swap3A_465, %swap3A_466, %swap3A_467] {strides = array<i32>} : memref<3x200x128xf32, #tpu.memory_space<vmem>>, vector<1x1x16xf32>,
      %swap3A_469 = vector.shape_cast %swap3A_468 : vector<1x1x16xf32> to vector<16xf32>
      %swap3A_470 = vector.shape_cast %get3A_463 : vector<16xf32> to vector<1x1x16xf32>
      tpu.vector_store %arg7[%swap3A_465, %swap3A_466, %swap3A_467], %swap3A_470 {add = true, strides = array<i32>} : memref<3x200x128xf32, #tpu.memory_space<vmem>>, vector<1x1x16xf32>,
      %get3A_471 = arith.index_cast %add3A_426 : i32 to index
      %get3A_472 = arith.constant 64 : index
      %get3A_473 = tpu.vector_load %arg8[%get3A_471, %get3A_472] {strides = array<i32>} : memref<200x128xf32, #tpu.memory_space<vmem>>, vector<1x16xf32>,
      %get3A_474 = vector.shape_cast %get3A_473 : vector<1x16xf32> to vector<16xf32>
      %swap3A_475 = arith.constant 1 : i32
      %swap3A_476 = arith.index_cast %swap3A_475 : i32 to index
      %swap3A_477 = arith.index_cast %add3A_426 : i32 to index
      %swap3A_478 = arith.constant 64 : index
      %swap3A_479 = tpu.vector_load %arg7[%swap3A_476, %swap3A_477, %swap3A_478] {strides = array<i32>} : memref<3x200x128xf32, #tpu.memory_space<vmem>>, vector<1x1x16xf32>,
      %swap3A_480 = vector.shape_cast %swap3A_479 : vector<1x1x16xf32> to vector<16xf32>
      %swap3A_481 = vector.shape_cast %get3A_474 : vector<16xf32> to vector<1x1x16xf32>
      tpu.vector_store %arg7[%swap3A_476, %swap3A_477, %swap3A_478], %swap3A_481 {add = true, strides = array<i32>} : memref<3x200x128xf32, #tpu.memory_space<vmem>>, vector<1x1x16xf32>,
      %get3A_482 = arith.index_cast %add3A_426 : i32 to index
      %get3A_483 = arith.constant 80 : index
      %get3A_484 = tpu.vector_load %arg8[%get3A_482, %get3A_483] {strides = array<i32>} : memref<200x128xf32, #tpu.memory_space<vmem>>, vector<1x16xf32>,
      %get3A_485 = vector.shape_cast %get3A_484 : vector<1x16xf32> to vector<16xf32>
      %swap3A_486 = arith.constant 1 : i32
      %swap3A_487 = arith.index_cast %swap3A_486 : i32 to index
      %swap3A_488 = arith.index_cast %add3A_426 : i32 to index
      %swap3A_489 = arith.constant 80 : index
      %swap3A_490 = tpu.vector_load %arg7[%swap3A_487, %swap3A_488, %swap3A_489] {strides = array<i32>} : memref<3x200x128xf32, #tpu.memory_space<vmem>>, vector<1x1x16xf32>,
      %swap3A_491 = vector.shape_cast %swap3A_490 : vector<1x1x16xf32> to vector<16xf32>
      %swap3A_492 = vector.shape_cast %get3A_485 : vector<16xf32> to vector<1x1x16xf32>
      tpu.vector_store %arg7[%swap3A_487, %swap3A_488, %swap3A_489], %swap3A_492 {add = true, strides = array<i32>} : memref<3x200x128xf32, #tpu.memory_space<vmem>>, vector<1x1x16xf32>,
      %get3A_493 = arith.index_cast %add3A_426 : i32 to index
      %get3A_494 = arith.constant 96 : index
      %get3A_495 = tpu.vector_load %arg8[%get3A_493, %get3A_494] {strides = array<i32>} : memref<200x128xf32, #tpu.memory_space<vmem>>, vector<1x16xf32>,
      %get3A_496 = vector.shape_cast %get3A_495 : vector<1x16xf32> to vector<16xf32>
      %swap3A_497 = arith.constant 1 : i32
      %swap3A_498 = arith.index_cast %swap3A_497 : i32 to index
      %swap3A_499 = arith.index_cast %add3A_426 : i32 to index
      %swap3A_500 = arith.constant 96 : index
      %swap3A_501 = tpu.vector_load %arg7[%swap3A_498, %swap3A_499, %swap3A_500] {strides = array<i32>} : memref<3x200x128xf32, #tpu.memory_space<vmem>>, vector<1x1x16xf32>,
      %swap3A_502 = vector.shape_cast %swap3A_501 : vector<1x1x16xf32> to vector<16xf32>
      %swap3A_503 = vector.shape_cast %get3A_496 : vector<16xf32> to vector<1x1x16xf32>
      tpu.vector_store %arg7[%swap3A_498, %swap3A_499, %swap3A_500], %swap3A_503 {add = true, strides = array<i32>} : memref<3x200x128xf32, #tpu.memory_space<vmem>>, vector<1x1x16xf32>,
      %get3A_504 = arith.index_cast %add3A_426 : i32 to index
      %get3A_505 = arith.constant 112 : index
      %get3A_506 = tpu.vector_load %arg8[%get3A_504, %get3A_505] {strides = array<i32>} : memref<200x128xf32, #tpu.memory_space<vmem>>, vector<1x16xf32>,
      %get3A_507 = vector.shape_cast %get3A_506 : vector<1x16xf32> to vector<16xf32>
      %swap3A_508 = arith.constant 1 : i32
      %swap3A_509 = arith.index_cast %swap3A_508 : i32 to index
      %swap3A_510 = arith.index_cast %add3A_426 : i32 to index
      %swap3A_511 = arith.constant 112 : index
      %swap3A_512 = tpu.vector_load %arg7[%swap3A_509, %swap3A_510, %swap3A_511] {strides = array<i32>} : memref<3x200x128xf32, #tpu.memory_space<vmem>>, vector<1x1x16xf32>,
      %swap3A_513 = vector.shape_cast %swap3A_512 : vector<1x1x16xf32> to vector<16xf32>
      %swap3A_514 = vector.shape_cast %get3A_507 : vector<16xf32> to vector<1x1x16xf32>
      tpu.vector_store %arg7[%swap3A_509, %swap3A_510, %swap3A_511], %swap3A_514 {add = true, strides = array<i32>} : memref<3x200x128xf32, #tpu.memory_space<vmem>>, vector<1x1x16xf32>,
    }
    %scan3A_102 = arith.constant 50 : i32
    %add3A_103 = arith.constant 25400 : i32
    %add3A_104 = arith.addi %mul3A_2, %add3A_103 : i32
    %dma_start3A_105 = arith.constant 1 : i32
    %dma_start3A_106 = arith.constant 0 : i32
    %dma_start3A_107 = arith.constant 0 : i32
    %dma_start3A_108 = tpu.memref_slice %arg7[%dma_start3A_105, %dma_start3A_106, %dma_start3A_107] : memref<3x200x128xf32, #tpu.memory_space<vmem>> -> memref<1x200x128xf32, #tpu.memory_space<vmem>>
    %dma_start3A_109 = tpu.memref_squeeze %dma_start3A_108 : memref<1x200x128xf32, #tpu.memory_space<vmem>> -> memref<200x128xf32, #tpu.memory_space<vmem>>
    %dma_start3A_110 = arith.constant 0 : i32
    %dma_start3A_111 = tpu.memref_slice %arg5[%add3A_104, %dma_start3A_110] : memref<819200x128xf32, #tpu.memory_space<hbm>> -> memref<200x128xf32, #tpu.memory_space<hbm>>
    %dma_start3A_112 = arith.constant 0 : i32
    %dma_start3A_113 = tpu.memref_slice %arg5[%add3A_104, %dma_start3A_112] : memref<819200x128xf32, #tpu.memory_space<hbm>> -> memref<200x128xf32, #tpu.memory_space<hbm>>
    %dma_start3A_114 = arith.constant 0 : i32
    %dma_start3A_115 = arith.constant 0 : i32
    %dma_start3A_116 = tpu.memref_slice %arg7[%dma_start3A_105, %dma_start3A_114, %dma_start3A_115] : memref<3x200x128xf32, #tpu.memory_space<vmem>> -> memref<1x200x128xf32, #tpu.memory_space<vmem>>
    %dma_start3A_117 = tpu.memref_squeeze %dma_start3A_116 : memref<1x200x128xf32, #tpu.memory_space<vmem>> -> memref<200x128xf32, #tpu.memory_space<vmem>>
    tpu.enqueue_dma source(%dma_start3A_117 : memref<200x128xf32, #tpu.memory_space<vmem>>) target(%dma_start3A_113 : memref<200x128xf32, #tpu.memory_space<hbm>>) target_semaphore(%arg14 : memref<!tpu.dma_semaphore, #tpu.memory_space<semaphore_mem>>)
    %add3A_118 = arith.constant 25200 : i32
    %add3A_119 = arith.addi %mul3A_2, %add3A_118 : i32
    %dma_wait3A_120 = arith.constant 0 : i32
    %dma_wait3A_121 = arith.constant 0 : i32
    %dma_wait3A_122 = arith.constant 0 : i32
    %dma_wait3A_123 = tpu.memref_slice %arg7[%dma_wait3A_120, %dma_wait3A_121, %dma_wait3A_122] : memref<3x200x128xf32, #tpu.memory_space<vmem>> -> memref<1x200x128xf32, #tpu.memory_space<vmem>>
    %dma_wait3A_124 = tpu.memref_squeeze %dma_wait3A_123 : memref<1x200x128xf32, #tpu.memory_space<vmem>> -> memref<200x128xf32, #tpu.memory_space<vmem>>
    %dma_wait3A_125 = arith.constant 0 : i32
    %dma_wait3A_126 = tpu.memref_slice %arg5[%add3A_119, %dma_wait3A_125] : memref<819200x128xf32, #tpu.memory_space<hbm>> -> memref<200x128xf32, #tpu.memory_space<hbm>>
    %dma_wait3A_127 = arith.constant 0 : i32
    %dma_wait3A_128 = tpu.memref_slice %arg5[%add3A_119, %dma_wait3A_127] : memref<819200x128xf32, #tpu.memory_space<hbm>> -> memref<200x128xf32, #tpu.memory_space<hbm>>
    %dma_wait3A_129 = arith.constant 0 : i32
    %dma_wait3A_130 = arith.constant 0 : i32
    %dma_wait3A_131 = tpu.memref_slice %arg7[%dma_wait3A_120, %dma_wait3A_129, %dma_wait3A_130] : memref<3x200x128xf32, #tpu.memory_space<vmem>> -> memref<1x200x128xf32, #tpu.memory_space<vmem>>
    %dma_wait3A_132 = tpu.memref_squeeze %dma_wait3A_131 : memref<1x200x128xf32, #tpu.memory_space<vmem>> -> memref<200x128xf32, #tpu.memory_space<vmem>>
    tpu.wait_dma2 semaphore(%arg13 : memref<!tpu.dma_semaphore, #tpu.memory_space<semaphore_mem>>) src(%dma_wait3A_132 : memref<200x128xf32, #tpu.memory_space<vmem>>) dst(%dma_wait3A_128 : memref<200x128xf32, #tpu.memory_space<hbm>>)
    %add3A_133 = arith.constant 25400 : i32
    %add3A_134 = arith.addi %mul3A_2, %add3A_133 : i32
    %dma_wait3A_135 = arith.constant 1 : i32
    %dma_wait3A_136 = arith.constant 0 : i32
    %dma_wait3A_137 = arith.constant 0 : i32
    %dma_wait3A_138 = tpu.memref_slice %arg7[%dma_wait3A_135, %dma_wait3A_136, %dma_wait3A_137] : memref<3x200x128xf32, #tpu.memory_space<vmem>> -> memref<1x200x128xf32, #tpu.memory_space<vmem>>
    %dma_wait3A_139 = tpu.memref_squeeze %dma_wait3A_138 : memref<1x200x128xf32, #tpu.memory_space<vmem>> -> memref<200x128xf32, #tpu.memory_space<vmem>>
    %dma_wait3A_140 = arith.constant 0 : i32
    %dma_wait3A_141 = tpu.memref_slice %arg5[%add3A_134, %dma_wait3A_140] : memref<819200x128xf32, #tpu.memory_space<hbm>> -> memref<200x128xf32, #tpu.memory_space<hbm>>
    %dma_wait3A_142 = arith.constant 0 : i32
    %dma_wait3A_143 = tpu.memref_slice %arg5[%add3A_134, %dma_wait3A_142] : memref<819200x128xf32, #tpu.memory_space<hbm>> -> memref<200x128xf32, #tpu.memory_space<hbm>>
    %dma_wait3A_144 = arith.constant 0 : i32
    %dma_wait3A_145 = arith.constant 0 : i32
    %dma_wait3A_146 = tpu.memref_slice %arg7[%dma_wait3A_135, %dma_wait3A_144, %dma_wait3A_145] : memref<3x200x128xf32, #tpu.memory_space<vmem>> -> memref<1x200x128xf32, #tpu.memory_space<vmem>>
    %dma_wait3A_147 = tpu.memref_squeeze %dma_wait3A_146 : memref<1x200x128xf32, #tpu.memory_space<vmem>> -> memref<200x128xf32, #tpu.memory_space<vmem>>
    tpu.wait_dma2 semaphore(%arg14 : memref<!tpu.dma_semaphore, #tpu.memory_space<semaphore_mem>>) src(%dma_wait3A_147 : memref<200x128xf32, #tpu.memory_space<vmem>>) dst(%dma_wait3A_143 : memref<200x128xf32, #tpu.memory_space<hbm>>)
    return
  }
}

</mosaic_0001>

<sc_bundles>
// kernel: kernel.3.cloned.1.call-start
scs
__scs_entry_jumppad:
0x0: {  	(pc) =	sbr.rel $0x88, $3  }
0x1: {  	(tag) =	ssettag $0x0;
	lr =	simm.s32 $0x1  }
0x2: {  	[smem:$0x3F9F] =	sst lr;
	_ =	strace $0xD0000000  }
0x3: {  	_ = 	snop  }
0x4: {  	_ = 	snop  }
0x5: {  	_ = 	snop  }
0x6: {  	_ = 	snop  }
0x7: {  	_ = 	snop  }
__scs_overlays_trampoline_lowered:
0x8: {  	[smem:$0x3FAE] =	sst s0  }
0x9: {  	[smem:$0x3FAF] =	sst s1  }
0xa: {  	[smem:$0x3FB0] =	sst s2  }
0xb: {  	[smem:$0x3FB1] =	sst s3  }
0xc: {  	[smem:$0x3FB2] =	sst s4  }
0xd: {  	[smem:$0x3FB3] =	sst s5  }
0xe: {  	[smem:$0x3FB4] =	sst s6  }
0xf: {  	[smem:$0x3FB5] =	sst s7  }
0x10: {  	[smem:$0x3FB6] =	sst s8  }
0x11: {  	[smem:$0x3FB7] =	sst s9;
	s0 =	simm.s32 @!p0 $0x0  }
0x12: {  	s1 =	sld [smem:$0x3F9D];
	s0 =	simm.s32 @p0 $0x1  }
0x13: {  	[smem:$0x3FB8] =	sst s0;
	s0 =	simm.s32 @!p1 $0x0  }
0x14: {  	s2 =	sld [smem:$0x3F9C];
	s0 =	simm.s32 @p1 $0x1  }
0x15: {  	[smem:$0x3FB9] =	sst s0;
	s0 =	simm.s32 @!p2 $0x0  }
0x16: {  	s3 =	sld [smem:$0x3FDB];
	s0 =	simm.s32 @p2 $0x1  }
0x17: {  	s4 =	simm.s32 $0x1BF5;
	[smem:$0x3FBB] =	sst s0  }
0x18: {  	s0 =	sld [smem:$0x3F9E];
	_ =	swait.ge [sflag:s4], $0x0  }
0x19: {  	s7 =	sld [smem:$0x3F9F]  }
0x1a: {  	s8 =	sadd.s32 $0xFFFFE003, lr  }
0x1b: {  	s9 =	sadd.s32 $0xFFFFFEF7, lr;
	s5 =	simm.s32 $0xFFFFFFFF;
	p2 =	slt.u32 s8, $0xFFFFF086  }
0x1c: {  	p1 =	slt.u32 s9, $0xF7A;
	s5 =	simm.s32 @!p2 $0x0  }
0x1d: {  	s5 =	simm.s32 @p1 $0x1;
	p0 =	seq.s32 s7, s2  }
0x1e: {  	s7 =	smul.u32 @!p0 $0xF7A, s2;
	p2 =	seq.s32 @!p0 s5, $0x0  }
0x1f: {  	s9 =	smul.u32 $0xF7A, s1;
	s8 =	simm.s32 @!p0 $0x1BF5;
	p2 =	por !p2, p0  }
0x20: {  	[sflag:s8] =	ssyncset.s32 @!p0 $0xFFFFF086;
	s6 =	sadd.s32 @!p0 s3, s7;
	s7 =	simm.s32 @!p0 $0x108  }
0x21: {  	s3 =	sadd.s32 s3, s9;
	s6 =	sadd.s32 @!p0 $0x88, s6;
	s7 =	simm.s32 @p2 $0x1082  }
0x22: {  	[simem:s7], [sflag:s8] =	dma.local @!p0 [hbm:s6], $0xF7A  }
0x23: {  	s9 =	sor.u32 $0xD0000000, s2;
	s6 =	simm.s32 $0x108;
	_ =	swait.ge @!p0 [sflag:s8], $0x0  }
0x24: {  	s3 =	sadd.s32 $0x88, s3;
	s6 =	simm.s32 @!p1 $0x1082;
	[sflag:s4] =	ssyncset.s32 $0xFFFFF086  }
0x25: {  	[simem:s6], [sflag:s4] =	dma.local [hbm:s3], $0xF7A  }
0x26: {  	[smem:$0x3F9F] =	sst s1;
	(tag) =	ssettag s2;
	_ =	strace s9  }
0x27: {  	s1 =	sld [smem:$0x3FAF]  }
0x28: {  	s2 =	sld [smem:$0x3FB0]  }
0x29: {  	s4 =	sld [smem:$0x3FB2]  }
0x2a: {  	p0 =	seq.s32 s5, $0x0;
	s5 =	sld [smem:$0x3FB3]  }
0x2b: {  	s6 =	sld [smem:$0x3FB4]  }
0x2c: {  	s7 =	sld [smem:$0x3FB5]  }
0x2d: {  	s3 =	simm.s32 $0x108;
	s8 =	sld [smem:$0x3FB6]  }
0x2e: {  	s3 =	simm.s32 @!p0 $0x1082;
	s9 =	sld [smem:$0x3FB7]  }
0x2f: {  	lr =	sadd.s32 s0, s3;
	s0 =	sld [smem:$0x3FAE]  }
0x30: {  	s3 =	sld [smem:$0x3FB1]  }
0x31: {  	[smem:$0x3FBA] =	sst s10  }
0x32: {  	s10 =	sld [smem:$0x3FB8];
	_ =	sdelay $0x3  }
0x33: {  	p0 =	seq.s32 s10, $0x1;
	s10 =	sld [smem:$0x3FBA];
	_ =	sdelay $0x3  }
0x34: {  	[smem:$0x3FBA] =	sst s10  }
0x35: {  	s10 =	sld [smem:$0x3FB9];
	_ =	sdelay $0x3  }
0x36: {  	p1 =	seq.s32 s10, $0x1;
	s10 =	sld [smem:$0x3FBA];
	_ =	sdelay $0x3  }
0x37: {  	[smem:$0x3FBA] =	sst s10  }
0x38: {  	s10 =	sld [smem:$0x3FBB]  }
0x39: {  	_ = 	snop;
	(pc) =	sbr.ind lr, $3  }
0x3a: {  	_ = 	snop  }
0x3b: {  	_ = 	snop  }
0x3c: {  	p2 =	seq.s32 s10, $0x1;
	s10 =	sld [smem:$0x3FBA]  }
0x3d: {  	_ =	shalt  }
0x3e: {  	_ =	shalt  }
0x3f: {  	_ =	shalt  }
0x40: {  	_ =	shalt  }
0x41: {  	_ =	shalt  }
0x42: {  	_ =	shalt  }
0x43: {  	_ =	shalt  }
0x44: {  	_ =	shalt  }
0x45: {  	_ =	shalt  }
0x46: {  	_ =	shalt  }
0x47: {  	_ =	shalt  }
0x48: {  	_ =	shalt  }
0x49: {  	_ =	shalt  }
0x4a: {  	_ =	shalt  }
0x4b: {  	_ =	shalt  }
0x4c: {  	_ =	shalt  }
0x4d: {  	_ =	shalt  }
0x4e: {  	_ =	shalt  }
0x4f: {  	_ =	shalt  }
0x50: {  	_ =	shalt  }
0x51: {  	_ =	shalt  }
0x52: {  	_ =	shalt  }
0x53: {  	_ =	shalt  }
0x54: {  	_ =	shalt  }
0x55: {  	_ =	shalt  }
0x56: {  	_ =	shalt  }
0x57: {  	_ =	shalt  }
0x58: {  	_ =	shalt  }
0x59: {  	_ =	shalt  }
0x5a: {  	_ =	shalt  }
0x5b: {  	_ =	shalt  }
0x5c: {  	_ =	shalt  }
0x5d: {  	_ =	shalt  }
0x5e: {  	_ =	shalt  }
0x5f: {  	_ =	shalt  }
0x60: {  	_ =	shalt  }
0x61: {  	_ =	shalt  }
0x62: {  	_ =	shalt  }
0x63: {  	_ =	shalt  }
0x64: {  	_ =	shalt  }
0x65: {  	_ =	shalt  }
0x66: {  	_ =	shalt  }
0x67: {  	_ =	shalt  }
0x68: {  	_ =	shalt  }
0x69: {  	_ =	shalt  }
0x6a: {  	_ =	shalt  }
0x6b: {  	_ =	shalt  }
0x6c: {  	_ =	shalt  }
0x6d: {  	_ =	shalt  }
0x6e: {  	_ =	shalt  }
0x6f: {  	_ =	shalt  }
0x70: {  	_ =	shalt  }
0x71: {  	_ =	shalt  }
0x72: {  	_ =	shalt  }
0x73: {  	_ =	shalt  }
0x74: {  	_ =	shalt  }
0x75: {  	_ =	shalt  }
0x76: {  	_ =	shalt  }
0x77: {  	_ =	shalt  }
0x78: {  	_ =	shalt  }
0x79: {  	_ =	shalt  }
0x7a: {  	_ =	shalt  }
0x7b: {  	_ =	shalt  }
0x7c: {  	_ =	shalt  }
0x7d: {  	_ =	shalt  }
0x7e: {  	_ =	shalt  }
0x7f: {  	_ =	shalt  }
0x80: {  	_ =	shalt  }
0x81: {  	_ =	shalt  }
0x82: {  	_ =	shalt  }
0x83: {  	_ =	shalt  }
0x84: {  	_ =	shalt  }
0x85: {  	_ =	shalt  }
0x86: {  	_ =	shalt  }
0x87: {  	_ =	shalt  }
.Lfunc_end0:
.L_simem_size_0:
called_computation_lowered:
.L_overlay_start_0:
0x88: {  	s2 =	sld [smem:$0x3FD9]  }
0x89: {  	s3 =	sld [smem:$0x3FFE];
	_ =	sdelay $0x1  }
0x8a: {  	s1 =	srdreg.scid  }
0x8b: {  	s0 =	sand.u32 $0x1, s1  }
0x8c: {  	s17 =	sshll.u32 s0, $0xA;
	s2 =	sadd.s32 s3, s2  }
0x8d: {  	s2 =	sadd.s32 s2, s17  }
0x8e: {  	[smem:$0x3FC6] =	sst s2  }
0x8f: {  	_ = 	snop  }
0x90: {  	s2 =	sld [smem:$0x3FC8]  }
0x91: {  	s18 =	sld [smem:$0x3FD0];
	(tm) =	ssettm $0x1  }
0x92: {  	s4 =	sld [smem:$0x3FFB];
	_ =	sdelay $0x3  }
0x93: {  	_ =	strace s4  }
0x94: {  	s4 =	sld [smem:$0x3FFC];
	_ =	sdelay $0x3  }
0x95: {  	_ =	strace s4  }
0x96: {  	s4 =	sld [smem:$0x3FFD];
	_ =	sdelay $0x3  }
0x97: {  	_ =	strace s4  }
0x98: {  	_ =	strace $0x8FFFFFFF  }
0x99: {  	s19 =	sld [smem:$0x3FDB];
	_ =	sdelay $0x1  }
0x9a: {  	s5 =	simm.s32 $_scs_section_size  }
0x9b: {  	s6 =	simm.s32 $_size__tile_overlayer_lowered;
	s7 =	simm.s32 $_tile_overlayer_lowered  }
0x9c: {  	s22 =	simm.s32 $0x1BFF;
	s21 =	sshll.u32 s7, $0x1;
	s4 =	sadd.s32 s5, s19  }
0x9d: {  	s8 =	simm.s32 $0x0;
	s20 =	sshll.u32 s6, $0x1;
	s6 =	sadd.s32 s21, s4  }
0x9e: {  	[timem:s8], [sflag:s22] =	dma.local [hbm:s6], s20  }
0x9f: {  	_ =	swait.ge [sflag:s22], s20  }
0xa0: {  	s5 =	ssub.s32 $0x0, s20;
	[sflag:s22] =	ssyncset.done $0x0  }
0xa1: {  	[sflag:s22] =	ssyncadd.s32 s5;
	_ =	sdelay $0x1  }
0xa2: {  	s23 =	simm.s32 $0x1B8B  }
0xa3: {  	_ =	swait.ge [sflag:s23], $0x1  }
0xa4: {  	[sflag:s23] =	ssyncset.done $0x0  }
0xa5: {  	s25 =	simm.s32 $0x1B8E;
	s24 =	sld [smem:$0x3FFE];
	[sflag:s23] =	ssyncadd.s32 $0xFFFFFFFF  }
0xa6: {  	s26 =	simm.s32 $execute0_lowered;
	[smem:$0x3FD2] =	sst s25  }
0xa7: {  	s6 =	sshll.u32 s26, $0x1;
	_ =	strace $0x80000046;
	[dreg:$0x1] =	wrdreg $0xFFFFFFFF  }
0xa8: {  	s28 =	simm.s32 $_size_execute0_lowered;
	s4 =	sadd.s32 s4, s6;
	[dreg:$0x0] =	wrdreg $0x0  }
0xa9: {  	s6 =	sshll.u32 s28, $0x1;
	[dreg:$0x2] =	wrdreg s4  }
0xaa: {  	[dreg:$0x3] =	wrdreg s6  }
0xab: {  	[dreg:$0x4] =	wrdreg $0xC0  }
0xac: {  	_ =	task [dreg:s8], $0x5FFFF  }
0xad: {  	[dreg:$0x1] =	wrdreg $0xFFFFFFFF  }
0xae: {  	[dreg:$0x0] =	wrdreg $0x60  }
0xaf: {  	[dreg:$0x2] =	wrdreg s24  }
0xb0: {  	[dreg:$0x3] =	wrdreg s2  }
0xb1: {  	[dreg:$0x4] =	wrdreg s18  }
0xb2: {  	[dreg:$0x5] =	wrdreg $0x9  }
0xb3: {  	_ =	task.clear_ibuf [dreg:s8], $0x6FFFF;
	_ =	strace $0x90000046  }
0xb4: {  	s29 =	simm.s32 $0x9;
	_ =	strace $0x80000048  }
0xb5: {  	_ =	swait.ge [sflag:s29], $0x1  }
0xb6: {  	[sflag:s29] =	ssyncadd.s32 $0xFFFFFFFF  }
0xb7: {  	_ =	strace $0x90000048  }
0xb8: {  	_ =	sfence  }
0xb9: {  	s30 =	sld [smem:$0x0];
	_ =	sdelay $0x2  }
0xba: {  	s31 =	sshll.u32 s1, $0xD;
	s1 =	sshrl.u32 s1, $0x2  }
0xbb: {  	s3 =	sand.u32 $0x4000, s31;
	s1 =	sadd.s32 s1, s30  }
0xbc: {  	s0 =	sor.u32 s3, s0;
	s1 =	sshll.u32 s1, $0x11  }
0xbd: {  	s0 =	sor.u32 s1, s0  }
0xbe: {  	s0 =	sadd.s32 $0x8F2B, s0  }
0xbf: {  	[sflag:s0] =	ssyncadd.remote.s32 $0x1  }
0xc0: {  	_ =	sfence.sel $0xFFFF  }
0xc1: {  	[dreg:$0x0] =	wrdreg $0xFFFFFFFF;
	(pc) =	sbr.abs _section_cstart, $3  }
0xc2: {  	[dreg:$0x1] =	wrdreg $0xFFFFFFFF  }
0xc3: {  	_ =	task.clear_ibuf [dreg:s8], $0x2FFFF;
	_ =	strace $0x9FFFFFFF  }
0xc4: {  	(tm) =	ssettm $0x7FFFFFFF  }
0xc5: {  	_ =	shalt  }
tec
execute0_lowered:
.L_overlay_start_1:
0x0: {  	(tag) =	ssettag $0x1  }
0x1: {  	s6 =	rddreg [dreg:$0x0]  }
0x2: {  	s1 =	srdreg.scid;
	s2 =	rddreg [dreg:$0x1]  }
0x3: {  	s0 =	stileid.u32;
	s3 =	rddreg [dreg:$0x2]  }
0x4: {  	s5 =	simm.s32 $0x0;
	s11 =	simm.s32 $0x19000;
	s12 =	simm.s32 $0x8  }
0x5: {  	s13 =	simm.s32 $0xC8;
	s14 =	simm.s32 $0x6400;
	s15 =	simm.s32 $0x1  }
0x6: {  	s16 =	simm.s32 $0xC800;
	s17 =	simm.s32 $0x2;
	s18 =	simm.s32 $0x12C00  }
0x7: {  	s19 =	simm.s32 $0x3;
	s20 =	simm.s32 $0x5;
	s21 =	simm.s32 $0x4  }
0x8: {  	s22 =	simm.s32 $0x6;
	s7 =	sand.u32 $0x1, s1;
	s30 =	sshll.u32 s0, $0x1  }
0x9: {  	s23 =	simm.s32 $0x6338;
	s24 =	simm.s32 $0x7;
	s8 =	sor.u32 s7, s30  }
0xa: {  	s25 =	simm.s32 $0x0;
	s7 =	ssub.s32 $0x2, s7;
	s4 =	smul.u32 $0x6400, s8  }
0xb: {  	[smem:$0x7FF] =	sst s5;
	s8 =	smul.u32 $0x320000, s8;
	s10 =	sshrl.u32 s7, $0x1  }
0xc: {  	s1 =	rddreg [dreg:$0x3];
	_ =	strace $0x80000047;
	s10 =	ssub.s32 s7, s10  }
0xd: {  	s9 =	sshrl.u32 s4, $0x3;
	s8 =	sshrl.u32 s8, $0x3;
	s10 =	smax.u32 s10, $0x1  }
0xe: {  	s9 =	sadd.s32 s9, s6;
	s6 =	sadd.s32 $0x19600, s6;
	s31 =	sadd.s32 s3, s8  }
0xf: {  	s7 =	sadd.s32 $0x600, s9;
	s8 =	sadd.s32 $0x62700, s31;
	s9 =	sadd.s32 $0x63380, s31  }
.LBB2_1:
0x10: {  	[tilespmem:s11], [sflag:$0x1] =	stream.linear.gather [hbm4b:s6+s5], $0x6400, $0x38;
	[tilespmem:$0x1F400] =	vst v63  }
0x11: {  	_ = 	snop  }
0x12: {  	[tilespmem:s5], [sflag:$0x8] =	stream.linear.gather [hbm4b:s7+s5], $0x6400, $0x38;
	[tilespmem:$0x1F400] =	vst v63  }
0x13: {  	_ =	swait.ge [sflag:s12], $0x6400  }
0x14: {  	[sflag:s12] =	ssyncset.done $0x0  }
0x15: {  	[sflag:s12] =	ssyncadd.s32 $0xFFFF9C00  }
0x16: {  	[tilespmem:s14], [sflag:$0x2] =	stream.indirect.gather [hbm4b:s2+s13], $0x80, s5, s13, $0xb8;
	[tilespmem:$0x1F400] =	vst v63  }
0x17: {  	_ =	swait.ge [sflag:s15], $0x6400  }
0x18: {  	[sflag:s15] =	ssyncset.done $0x0  }
0x19: {  	s26 =	simm.s32 $0x0;
	[sflag:s15] =	ssyncadd.s32 $0xFFFF9C00  }
.LBB2_2:
0x1a: {  	p0 =	seq.s32 s26, $0x0  }
0x1b: {  	s29 =	simm.s32 @!p0 $0x6  }
0x1c: {  	s28 =	smul.u32 $0x258, s26;
	_ =	swait.ge @!p0 [sflag:s29], $0x6400  }
0x1d: {  	[sflag:s29] =	ssyncset.done @!p0 $0x0  }
0x1e: {  	[sflag:s29] =	ssyncadd.s32 @!p0 $0xFFFF9C00;
	s29 =	sadd.s32 $0xC8, s28  }
0x1f: {  	[tilespmem:s16], [sflag:$0x3] =	stream.indirect.gather [hbm4b:s2+s13], $0x80, s29, s13, $0xb8;
	[tilespmem:$0x1F400] =	vst v63  }
0x20: {  	_ =	swait.ge [sflag:s17], $0x6400  }
0x21: {  	[sflag:s17] =	ssyncset.done $0x0  }
0x22: {  	s30 =	simm.s32 $0x0;
	s31 =	simm.s32 $0x800;
	[sflag:s17] =	ssyncadd.s32 $0xFFFF9C00  }
.LBB2_3:
0x23: {  	p1 =	sne.s32 s31, $0x18800;
	v0 =	vld [tilespmem:s30+$0x191F0]  }
0x24: {  	v1 =	vld [tilespmem:s30+$0x19000]  }
0x25: {  	v2 =	vld [tilespmem:s30+$0x19010]  }
0x26: {  	v3 =	vld [tilespmem:s30+$0x19020]  }
0x27: {  	v4 =	vld [tilespmem:s30+$0x19030]  }
0x28: {  	[tilespmem:s30+$0x65F0] =	vst.add.f32.msk $0xffff, v0  }
0x29: {  	v0 =	vld [tilespmem:s30+$0x19040]  }
0x2a: {  	v5 =	vld [tilespmem:s30+$0x19050]  }
0x2b: {  	v6 =	vld [tilespmem:s30+$0x19060]  }
0x2c: {  	v7 =	vld [tilespmem:s30+$0x19070]  }
0x2d: {  	v8 =	vld [tilespmem:s30+$0x19080]  }
0x2e: {  	v9 =	vld [tilespmem:s30+$0x19090]  }
0x2f: {  	v10 =	vld [tilespmem:s30+$0x190A0]  }
0x30: {  	v11 =	vld [tilespmem:s30+$0x190B0]  }
0x31: {  	v12 =	vld [tilespmem:s30+$0x190C0]  }
0x32: {  	v13 =	vld [tilespmem:s30+$0x190D0]  }
0x33: {  	v14 =	vld [tilespmem:s30+$0x190E0]  }
0x34: {  	v15 =	vld [tilespmem:s30+$0x190F0]  }
0x35: {  	v16 =	vld [tilespmem:s30+$0x19100]  }
0x36: {  	v17 =	vld [tilespmem:s30+$0x19110]  }
0x37: {  	v18 =	vld [tilespmem:s30+$0x19120]  }
0x38: {  	v19 =	vld [tilespmem:s30+$0x19130]  }
0x39: {  	v20 =	vld [tilespmem:s30+$0x19140]  }
0x3a: {  	v21 =	vld [tilespmem:s30+$0x19150]  }
0x3b: {  	v22 =	vld [tilespmem:s30+$0x19160]  }
0x3c: {  	v23 =	vld [tilespmem:s30+$0x19170]  }
0x3d: {  	v24 =	vld [tilespmem:s30+$0x19180]  }
0x3e: {  	v25 =	vld [tilespmem:s30+$0x19190]  }
0x3f: {  	v26 =	vld [tilespmem:s30+$0x191A0]  }
0x40: {  	v27 =	vld [tilespmem:s30+$0x191B0]  }
0x41: {  	v28 =	vld [tilespmem:s30+$0x191C0]  }
0x42: {  	v29 =	vld [tilespmem:s30+$0x191D0]  }
0x43: {  	v30 =	vld [tilespmem:s30+$0x191E0]  }
0x44: {  	[tilespmem:s30+$0x6400] =	vst.add.f32.msk $0xffff, v1  }
0x45: {  	[tilespmem:s30+$0x6410] =	vst.add.f32.msk $0xffff, v2  }
0x46: {  	[tilespmem:s30+$0x6420] =	vst.add.f32.msk $0xffff, v3  }
0x47: {  	[tilespmem:s30+$0x6430] =	vst.add.f32.msk $0xffff, v4  }
0x48: {  	[tilespmem:s30+$0x6440] =	vst.add.f32.msk $0xffff, v0  }
0x49: {  	[tilespmem:s30+$0x6450] =	vst.add.f32.msk $0xffff, v5  }
0x4a: {  	[tilespmem:s30+$0x6460] =	vst.add.f32.msk $0xffff, v6  }
0x4b: {  	[tilespmem:s30+$0x6470] =	vst.add.f32.msk $0xffff, v7  }
0x4c: {  	[tilespmem:s30+$0x6480] =	vst.add.f32.msk $0xffff, v8  }
0x4d: {  	[tilespmem:s30+$0x6490] =	vst.add.f32.msk $0xffff, v9  }
0x4e: {  	[tilespmem:s30+$0x64A0] =	vst.add.f32.msk $0xffff, v10  }
0x4f: {  	[tilespmem:s30+$0x64B0] =	vst.add.f32.msk $0xffff, v11  }
0x50: {  	[tilespmem:s30+$0x64C0] =	vst.add.f32.msk $0xffff, v12  }
0x51: {  	[tilespmem:s30+$0x64D0] =	vst.add.f32.msk $0xffff, v13  }
0x52: {  	[tilespmem:s30+$0x64E0] =	vst.add.f32.msk $0xffff, v14  }
0x53: {  	[tilespmem:s30+$0x64F0] =	vst.add.f32.msk $0xffff, v15  }
0x54: {  	[tilespmem:s30+$0x6500] =	vst.add.f32.msk $0xffff, v16  }
0x55: {  	[tilespmem:s30+$0x6510] =	vst.add.f32.msk $0xffff, v17  }
0x56: {  	[tilespmem:s30+$0x6520] =	vst.add.f32.msk $0xffff, v18  }
0x57: {  	[tilespmem:s30+$0x6530] =	vst.add.f32.msk $0xffff, v19  }
0x58: {  	[tilespmem:s30+$0x6540] =	vst.add.f32.msk $0xffff, v20  }
0x59: {  	[tilespmem:s30+$0x6550] =	vst.add.f32.msk $0xffff, v21  }
0x5a: {  	[tilespmem:s30+$0x6560] =	vst.add.f32.msk $0xffff, v22  }
0x5b: {  	[tilespmem:s30+$0x6570] =	vst.add.f32.msk $0xffff, v23  }
0x5c: {  	[tilespmem:s30+$0x6580] =	vst.add.f32.msk $0xffff, v24  }
0x5d: {  	[tilespmem:s30+$0x6590] =	vst.add.f32.msk $0xffff, v25  }
.Ltmp0:
0x5e: {  	[tilespmem:s30+$0x65A0] =	vst.add.f32.msk $0xffff, v26;
	(pc) =	sbr.rel @p1 .LBB2_3-.Ltmp0, $4  }
0x5f: {  	[tilespmem:s30+$0x65B0] =	vst.add.f32.msk $0xffff, v27  }
0x60: {  	[tilespmem:s30+$0x65C0] =	vst.add.f32.msk $0xffff, v28  }
0x61: {  	[tilespmem:s30+$0x65D0] =	vst.add.f32.msk $0xffff, v29  }
0x62: {  	[tilespmem:s30+$0x65E0] =	vst.add.f32.msk $0xffff, v30;
	s30 =	sshra.s32 s31, $0x2;
	s31 =	sadd.s32 $0x800, s31  }
0x63: {  	v0 =	vld [tilespmem:s30+$0x191F0]  }
0x64: {  	v1 =	vld [tilespmem:s30+$0x19000]  }
0x65: {  	v2 =	vld [tilespmem:s30+$0x19010]  }
0x66: {  	v3 =	vld [tilespmem:s30+$0x19020]  }
0x67: {  	v4 =	vld [tilespmem:s30+$0x19030]  }
0x68: {  	v63 =	vld [tilespmem:s30+$0x19040]  }
0x69: {  	v5 =	vld [tilespmem:s30+$0x19050]  }
0x6a: {  	v6 =	vld [tilespmem:s30+$0x19060]  }
0x6b: {  	v7 =	vld [tilespmem:s30+$0x19070]  }
0x6c: {  	v8 =	vld [tilespmem:s30+$0x19080]  }
0x6d: {  	v9 =	vld [tilespmem:s30+$0x19090]  }
0x6e: {  	v10 =	vld [tilespmem:s30+$0x190A0]  }
0x6f: {  	v11 =	vld [tilespmem:s30+$0x190B0]  }
0x70: {  	v12 =	vld [tilespmem:s30+$0x190C0]  }
0x71: {  	v13 =	vld [tilespmem:s30+$0x190D0]  }
0x72: {  	v14 =	vld [tilespmem:s30+$0x190E0]  }
0x73: {  	v15 =	vld [tilespmem:s30+$0x190F0]  }
0x74: {  	v16 =	vld [tilespmem:s30+$0x19100]  }
0x75: {  	v17 =	vld [tilespmem:s30+$0x19110]  }
0x76: {  	v18 =	vld [tilespmem:s30+$0x19120]  }
0x77: {  	v19 =	vld [tilespmem:s30+$0x19130]  }
0x78: {  	v20 =	vld [tilespmem:s30+$0x19140]  }
0x79: {  	v21 =	vld [tilespmem:s30+$0x19150]  }
0x7a: {  	v22 =	vld [tilespmem:s30+$0x19160]  }
0x7b: {  	v23 =	vld [tilespmem:s30+$0x19170]  }
0x7c: {  	v24 =	vld [tilespmem:s30+$0x19180]  }
0x7d: {  	v25 =	vld [tilespmem:s30+$0x19190]  }
0x7e: {  	v26 =	vld [tilespmem:s30+$0x191A0]  }
0x7f: {  	v27 =	vld [tilespmem:s30+$0x191B0]  }
0x80: {  	v28 =	vld [tilespmem:s30+$0x191C0]  }
0x81: {  	v29 =	vld [tilespmem:s30+$0x191D0]  }
0x82: {  	v30 =	vld [tilespmem:s30+$0x191E0]  }
0x83: {  	[tilespmem:s30+$0x65F0] =	vst.add.f32.msk $0xffff, v0  }
0x84: {  	[tilespmem:s30+$0x6400] =	vst.add.f32.msk $0xffff, v1  }
0x85: {  	[tilespmem:s30+$0x6410] =	vst.add.f32.msk $0xffff, v2  }
0x86: {  	[tilespmem:s30+$0x6420] =	vst.add.f32.msk $0xffff, v3  }
0x87: {  	[tilespmem:s30+$0x6430] =	vst.add.f32.msk $0xffff, v4  }
0x88: {  	[tilespmem:s30+$0x6440] =	vst.add.f32.msk $0xffff, v63  }
0x89: {  	[tilespmem:s30+$0x6450] =	vst.add.f32.msk $0xffff, v5  }
0x8a: {  	[tilespmem:s30+$0x6460] =	vst.add.f32.msk $0xffff, v6  }
0x8b: {  	[tilespmem:s30+$0x6470] =	vst.add.f32.msk $0xffff, v7  }
0x8c: {  	[tilespmem:s30+$0x6480] =	vst.add.f32.msk $0xffff, v8  }
0x8d: {  	[tilespmem:s30+$0x6490] =	vst.add.f32.msk $0xffff, v9  }
0x8e: {  	[tilespmem:s30+$0x64A0] =	vst.add.f32.msk $0xffff, v10  }
0x8f: {  	[tilespmem:s30+$0x64B0] =	vst.add.f32.msk $0xffff, v11  }
0x90: {  	[tilespmem:s30+$0x64C0] =	vst.add.f32.msk $0xffff, v12  }
0x91: {  	[tilespmem:s30+$0x64D0] =	vst.add.f32.msk $0xffff, v13  }
0x92: {  	[tilespmem:s30+$0x64E0] =	vst.add.f32.msk $0xffff, v14  }
0x93: {  	[tilespmem:s30+$0x64F0] =	vst.add.f32.msk $0xffff, v15  }
0x94: {  	[tilespmem:s30+$0x6500] =	vst.add.f32.msk $0xffff, v16  }
0x95: {  	[tilespmem:s30+$0x6510] =	vst.add.f32.msk $0xffff, v17  }
0x96: {  	[tilespmem:s30+$0x6520] =	vst.add.f32.msk $0xffff, v18  }
0x97: {  	[tilespmem:s30+$0x6530] =	vst.add.f32.msk $0xffff, v19  }
0x98: {  	[tilespmem:s30+$0x6540] =	vst.add.f32.msk $0xffff, v20  }
0x99: {  	[tilespmem:s30+$0x6550] =	vst.add.f32.msk $0xffff, v21  }
0x9a: {  	[tilespmem:s30+$0x6560] =	vst.add.f32.msk $0xffff, v22  }
0x9b: {  	[tilespmem:s30+$0x6570] =	vst.add.f32.msk $0xffff, v23  }
0x9c: {  	[tilespmem:s30+$0x6580] =	vst.add.f32.msk $0xffff, v24  }
0x9d: {  	[tilespmem:s30+$0x6590] =	vst.add.f32.msk $0xffff, v25  }
0x9e: {  	[tilespmem:s30+$0x65A0] =	vst.add.f32.msk $0xffff, v26  }
0x9f: {  	[tilespmem:s30+$0x65B0] =	vst.add.f32.msk $0xffff, v27  }
0xa0: {  	s31 =	sadd.s32 s4, s28;
	[tilespmem:s30+$0x65C0] =	vst.add.f32.msk $0xffff, v28  }
0xa1: {  	s31 =	sshll.u32 s31, $0x4;
	[tilespmem:s30+$0x65D0] =	vst.add.f32.msk $0xffff, v29  }
0xa2: {  	[tilespmem:s30+$0x65E0] =	vst.add.f32.msk $0xffff, v30;
	s30 =	sadd.s32 s3, s31  }
0xa3: {  	[hbm4b:s30+s5] =	stream.linear.scatter [tilespmem:s14], [sflag:$0x5], $0x6400, $0x38;
	[tilespmem:$0x1F400] =	vst v63  }
0xa4: {  	s30 =	simm.s32 @!p0 $0x7  }
0xa5: {  	_ =	swait.ge @!p0 [sflag:s30], $0x6400  }
0xa6: {  	[sflag:s30] =	ssyncset.done @!p0 $0x0  }
0xa7: {  	s28 =	sadd.s32 $0x190, s28;
	[sflag:s30] =	ssyncadd.s32 @!p0 $0xFFFF9C00  }
0xa8: {  	[tilespmem:s18], [sflag:$0x4] =	stream.indirect.gather [hbm4b:s2+s13], $0x80, s28, s13, $0xb8;
	[tilespmem:$0x1F400] =	vst v63  }
0xa9: {  	_ =	swait.ge [sflag:s19], $0x6400  }
0xaa: {  	[sflag:s19] =	ssyncset.done $0x0  }
0xab: {  	s31 =	simm.s32 $0x800;
	s30 =	simm.s32 $0x0;
	[sflag:s19] =	ssyncadd.s32 $0xFFFF9C00  }
.LBB2_5:
0xac: {  	p0 =	sne.s32 s31, $0x18800;
	v0 =	vld [tilespmem:s30+$0x191F0]  }
0xad: {  	v1 =	vld [tilespmem:s30+$0x19000]  }
0xae: {  	v2 =	vld [tilespmem:s30+$0x19010]  }
0xaf: {  	v3 =	vld [tilespmem:s30+$0x19020]  }
0xb0: {  	v4 =	vld [tilespmem:s30+$0x19030]  }
0xb1: {  	[tilespmem:s30+$0xC9F0] =	vst.add.f32.msk $0xffff, v0  }
0xb2: {  	v0 =	vld [tilespmem:s30+$0x19040]  }
0xb3: {  	v5 =	vld [tilespmem:s30+$0x19050]  }
0xb4: {  	v6 =	vld [tilespmem:s30+$0x19060]  }
0xb5: {  	v7 =	vld [tilespmem:s30+$0x19070]  }
0xb6: {  	v8 =	vld [tilespmem:s30+$0x19080]  }
0xb7: {  	v9 =	vld [tilespmem:s30+$0x19090]  }
0xb8: {  	v10 =	vld [tilespmem:s30+$0x190A0]  }
0xb9: {  	v11 =	vld [tilespmem:s30+$0x190B0]  }
0xba: {  	v12 =	vld [tilespmem:s30+$0x190C0]  }
0xbb: {  	v13 =	vld [tilespmem:s30+$0x190D0]  }
0xbc: {  	v14 =	vld [tilespmem:s30+$0x190E0]  }
0xbd: {  	v15 =	vld [tilespmem:s30+$0x190F0]  }
0xbe: {  	v16 =	vld [tilespmem:s30+$0x19100]  }
0xbf: {  	v17 =	vld [tilespmem:s30+$0x19110]  }
0xc0: {  	v18 =	vld [tilespmem:s30+$0x19120]  }
0xc1: {  	v19 =	vld [tilespmem:s30+$0x19130]  }
0xc2: {  	v20 =	vld [tilespmem:s30+$0x19140]  }
0xc3: {  	v21 =	vld [tilespmem:s30+$0x19150]  }
0xc4: {  	v22 =	vld [tilespmem:s30+$0x19160]  }
0xc5: {  	v23 =	vld [tilespmem:s30+$0x19170]  }
0xc6: {  	v24 =	vld [tilespmem:s30+$0x19180]  }
0xc7: {  	v25 =	vld [tilespmem:s30+$0x19190]  }
0xc8: {  	v26 =	vld [tilespmem:s30+$0x191A0]  }
0xc9: {  	v27 =	vld [tilespmem:s30+$0x191B0]  }
0xca: {  	v28 =	vld [tilespmem:s30+$0x191C0]  }
0xcb: {  	v29 =	vld [tilespmem:s30+$0x191D0]  }
0xcc: {  	v30 =	vld [tilespmem:s30+$0x191E0]  }
0xcd: {  	[tilespmem:s30+$0xC800] =	vst.add.f32.msk $0xffff, v1  }
0xce: {  	[tilespmem:s30+$0xC810] =	vst.add.f32.msk $0xffff, v2  }
0xcf: {  	[tilespmem:s30+$0xC820] =	vst.add.f32.msk $0xffff, v3  }
0xd0: {  	[tilespmem:s30+$0xC830] =	vst.add.f32.msk $0xffff, v4  }
0xd1: {  	[tilespmem:s30+$0xC840] =	vst.add.f32.msk $0xffff, v0  }
0xd2: {  	[tilespmem:s30+$0xC850] =	vst.add.f32.msk $0xffff, v5  }
0xd3: {  	[tilespmem:s30+$0xC860] =	vst.add.f32.msk $0xffff, v6  }
0xd4: {  	[tilespmem:s30+$0xC870] =	vst.add.f32.msk $0xffff, v7  }
0xd5: {  	[tilespmem:s30+$0xC880] =	vst.add.f32.msk $0xffff, v8  }
0xd6: {  	[tilespmem:s30+$0xC890] =	vst.add.f32.msk $0xffff, v9  }
0xd7: {  	[tilespmem:s30+$0xC8A0] =	vst.add.f32.msk $0xffff, v10  }
0xd8: {  	[tilespmem:s30+$0xC8B0] =	vst.add.f32.msk $0xffff, v11  }
0xd9: {  	[tilespmem:s30+$0xC8C0] =	vst.add.f32.msk $0xffff, v12  }
0xda: {  	[tilespmem:s30+$0xC8D0] =	vst.add.f32.msk $0xffff, v13  }
0xdb: {  	[tilespmem:s30+$0xC8E0] =	vst.add.f32.msk $0xffff, v14  }
0xdc: {  	[tilespmem:s30+$0xC8F0] =	vst.add.f32.msk $0xffff, v15  }
0xdd: {  	[tilespmem:s30+$0xC900] =	vst.add.f32.msk $0xffff, v16  }
0xde: {  	[tilespmem:s30+$0xC910] =	vst.add.f32.msk $0xffff, v17  }
0xdf: {  	[tilespmem:s30+$0xC920] =	vst.add.f32.msk $0xffff, v18  }
0xe0: {  	[tilespmem:s30+$0xC930] =	vst.add.f32.msk $0xffff, v19  }
0xe1: {  	[tilespmem:s30+$0xC940] =	vst.add.f32.msk $0xffff, v20  }
0xe2: {  	[tilespmem:s30+$0xC950] =	vst.add.f32.msk $0xffff, v21  }
0xe3: {  	[tilespmem:s30+$0xC960] =	vst.add.f32.msk $0xffff, v22  }
0xe4: {  	[tilespmem:s30+$0xC970] =	vst.add.f32.msk $0xffff, v23  }
0xe5: {  	[tilespmem:s30+$0xC980] =	vst.add.f32.msk $0xffff, v24  }
0xe6: {  	[tilespmem:s30+$0xC990] =	vst.add.f32.msk $0xffff, v25  }
.Ltmp1:
0xe7: {  	[tilespmem:s30+$0xC9A0] =	vst.add.f32.msk $0xffff, v26;
	(pc) =	sbr.rel @p0 .LBB2_5-.Ltmp1, $4  }
0xe8: {  	[tilespmem:s30+$0xC9B0] =	vst.add.f32.msk $0xffff, v27  }
0xe9: {  	[tilespmem:s30+$0xC9C0] =	vst.add.f32.msk $0xffff, v28  }
0xea: {  	[tilespmem:s30+$0xC9D0] =	vst.add.f32.msk $0xffff, v29  }
0xeb: {  	[tilespmem:s30+$0xC9E0] =	vst.add.f32.msk $0xffff, v30;
	s30 =	sshra.s32 s31, $0x2;
	s31 =	sadd.s32 $0x800, s31  }
0xec: {  	v0 =	vld [tilespmem:s30+$0x191F0]  }
0xed: {  	v1 =	vld [tilespmem:s30+$0x19000]  }
0xee: {  	v2 =	vld [tilespmem:s30+$0x19010]  }
0xef: {  	v3 =	vld [tilespmem:s30+$0x19020]  }
0xf0: {  	v4 =	vld [tilespmem:s30+$0x19030]  }
0xf1: {  	v63 =	vld [tilespmem:s30+$0x19040]  }
0xf2: {  	v5 =	vld [tilespmem:s30+$0x19050]  }
0xf3: {  	v6 =	vld [tilespmem:s30+$0x19060]  }
0xf4: {  	v7 =	vld [tilespmem:s30+$0x19070]  }
0xf5: {  	v8 =	vld [tilespmem:s30+$0x19080]  }
0xf6: {  	v9 =	vld [tilespmem:s30+$0x19090]  }
0xf7: {  	v10 =	vld [tilespmem:s30+$0x190A0]  }
0xf8: {  	v11 =	vld [tilespmem:s30+$0x190B0]  }
0xf9: {  	v12 =	vld [tilespmem:s30+$0x190C0]  }
0xfa: {  	v13 =	vld [tilespmem:s30+$0x190D0]  }
0xfb: {  	v14 =	vld [tilespmem:s30+$0x190E0]  }
0xfc: {  	v15 =	vld [tilespmem:s30+$0x190F0]  }
0xfd: {  	v16 =	vld [tilespmem:s30+$0x19100]  }
0xfe: {  	v17 =	vld [tilespmem:s30+$0x19110]  }
0xff: {  	v18 =	vld [tilespmem:s30+$0x19120]  }
0x100: {  	v19 =	vld [tilespmem:s30+$0x19130]  }
0x101: {  	v20 =	vld [tilespmem:s30+$0x19140]  }
0x102: {  	v21 =	vld [tilespmem:s30+$0x19150]  }
0x103: {  	v22 =	vld [tilespmem:s30+$0x19160]  }
0x104: {  	v23 =	vld [tilespmem:s30+$0x19170]  }
0x105: {  	v24 =	vld [tilespmem:s30+$0x19180]  }
0x106: {  	v25 =	vld [tilespmem:s30+$0x19190]  }
0x107: {  	v26 =	vld [tilespmem:s30+$0x191A0]  }
0x108: {  	v27 =	vld [tilespmem:s30+$0x191B0]  }
0x109: {  	v28 =	vld [tilespmem:s30+$0x191C0]  }
0x10a: {  	v29 =	vld [tilespmem:s30+$0x191D0]  }
0x10b: {  	v30 =	vld [tilespmem:s30+$0x191E0]  }
0x10c: {  	[tilespmem:s30+$0xC9F0] =	vst.add.f32.msk $0xffff, v0  }
0x10d: {  	[tilespmem:s30+$0xC800] =	vst.add.f32.msk $0xffff, v1  }
0x10e: {  	[tilespmem:s30+$0xC810] =	vst.add.f32.msk $0xffff, v2  }
0x10f: {  	[tilespmem:s30+$0xC820] =	vst.add.f32.msk $0xffff, v3  }
0x110: {  	[tilespmem:s30+$0xC830] =	vst.add.f32.msk $0xffff, v4  }
0x111: {  	[tilespmem:s30+$0xC840] =	vst.add.f32.msk $0xffff, v63  }
0x112: {  	[tilespmem:s30+$0xC850] =	vst.add.f32.msk $0xffff, v5  }
0x113: {  	[tilespmem:s30+$0xC860] =	vst.add.f32.msk $0xffff, v6  }
0x114: {  	[tilespmem:s30+$0xC870] =	vst.add.f32.msk $0xffff, v7  }
0x115: {  	[tilespmem:s30+$0xC880] =	vst.add.f32.msk $0xffff, v8  }
0x116: {  	[tilespmem:s30+$0xC890] =	vst.add.f32.msk $0xffff, v9  }
0x117: {  	[tilespmem:s30+$0xC8A0] =	vst.add.f32.msk $0xffff, v10  }
0x118: {  	[tilespmem:s30+$0xC8B0] =	vst.add.f32.msk $0xffff, v11  }
0x119: {  	[tilespmem:s30+$0xC8C0] =	vst.add.f32.msk $0xffff, v12  }
0x11a: {  	[tilespmem:s30+$0xC8D0] =	vst.add.f32.msk $0xffff, v13  }
0x11b: {  	[tilespmem:s30+$0xC8E0] =	vst.add.f32.msk $0xffff, v14  }
0x11c: {  	[tilespmem:s30+$0xC8F0] =	vst.add.f32.msk $0xffff, v15  }
0x11d: {  	[tilespmem:s30+$0xC900] =	vst.add.f32.msk $0xffff, v16  }
0x11e: {  	[tilespmem:s30+$0xC910] =	vst.add.f32.msk $0xffff, v17  }
0x11f: {  	[tilespmem:s30+$0xC920] =	vst.add.f32.msk $0xffff, v18  }
0x120: {  	[tilespmem:s30+$0xC930] =	vst.add.f32.msk $0xffff, v19  }
0x121: {  	[tilespmem:s30+$0xC940] =	vst.add.f32.msk $0xffff, v20  }
0x122: {  	[tilespmem:s30+$0xC950] =	vst.add.f32.msk $0xffff, v21  }
0x123: {  	[tilespmem:s30+$0xC960] =	vst.add.f32.msk $0xffff, v22  }
0x124: {  	[tilespmem:s30+$0xC970] =	vst.add.f32.msk $0xffff, v23  }
0x125: {  	[tilespmem:s30+$0xC980] =	vst.add.f32.msk $0xffff, v24  }
0x126: {  	[tilespmem:s30+$0xC990] =	vst.add.f32.msk $0xffff, v25  }
0x127: {  	[tilespmem:s30+$0xC9A0] =	vst.add.f32.msk $0xffff, v26  }
0x128: {  	[tilespmem:s30+$0xC9B0] =	vst.add.f32.msk $0xffff, v27  }
0x129: {  	s29 =	sadd.s32 s4, s29;
	[tilespmem:s30+$0xC9C0] =	vst.add.f32.msk $0xffff, v28  }
0x12a: {  	s29 =	sshll.u32 s29, $0x4;
	[tilespmem:s30+$0xC9D0] =	vst.add.f32.msk $0xffff, v29  }
0x12b: {  	s29 =	sadd.s32 s3, s29;
	[tilespmem:s30+$0xC9E0] =	vst.add.f32.msk $0xffff, v30;
	s30 =	simm.s32 $0x0  }
0x12c: {  	[hbm4b:s29+s30] =	stream.linear.scatter [tilespmem:s16], [sflag:$0x6], $0x6400, $0x38;
	[tilespmem:$0x1F400] =	vst v63  }
0x12d: {  	s29 =	smul.u32 $0x960, s26  }
0x12e: {  	_ =	swait.ge [sflag:s20], $0x6400  }
0x12f: {  	[sflag:s20] =	ssyncset.done $0x0;
	s29 =	sshra.s32 s29, $0x2  }
0x130: {  	[sflag:s20] =	ssyncadd.s32 $0xFFFF9C00;
	s29 =	sadd.s32 $0x258, s29  }
0x131: {  	[tilespmem:s14], [sflag:$0x2] =	stream.indirect.gather [hbm4b:s2+s13], $0x80, s29, s13, $0xb8;
	[tilespmem:$0x1F400] =	vst v63  }
0x132: {  	_ =	swait.ge [sflag:s21], $0x6400  }
0x133: {  	[sflag:s21] =	ssyncset.done $0x0  }
0x134: {  	s30 =	simm.s32 $0x800;
	s29 =	simm.s32 $0x0;
	[sflag:s21] =	ssyncadd.s32 $0xFFFF9C00  }
.LBB2_7:
0x135: {  	p0 =	sne.s32 s30, $0x18800;
	v0 =	vld [tilespmem:s29+$0x191F0]  }
0x136: {  	v1 =	vld [tilespmem:s29+$0x19000]  }
0x137: {  	v2 =	vld [tilespmem:s29+$0x19010]  }
0x138: {  	v3 =	vld [tilespmem:s29+$0x19020]  }
0x139: {  	v4 =	vld [tilespmem:s29+$0x19030]  }
0x13a: {  	[tilespmem:s29+$0x12DF0] =	vst.add.f32.msk $0xffff, v0  }
0x13b: {  	v0 =	vld [tilespmem:s29+$0x19040]  }
0x13c: {  	v5 =	vld [tilespmem:s29+$0x19050]  }
0x13d: {  	v6 =	vld [tilespmem:s29+$0x19060]  }
0x13e: {  	v7 =	vld [tilespmem:s29+$0x19070]  }
0x13f: {  	v8 =	vld [tilespmem:s29+$0x19080]  }
0x140: {  	v9 =	vld [tilespmem:s29+$0x19090]  }
0x141: {  	v10 =	vld [tilespmem:s29+$0x190A0]  }
0x142: {  	v11 =	vld [tilespmem:s29+$0x190B0]  }
0x143: {  	v12 =	vld [tilespmem:s29+$0x190C0]  }
0x144: {  	v13 =	vld [tilespmem:s29+$0x190D0]  }
0x145: {  	v14 =	vld [tilespmem:s29+$0x190E0]  }
0x146: {  	v15 =	vld [tilespmem:s29+$0x190F0]  }
0x147: {  	v16 =	vld [tilespmem:s29+$0x19100]  }
0x148: {  	v17 =	vld [tilespmem:s29+$0x19110]  }
0x149: {  	v18 =	vld [tilespmem:s29+$0x19120]  }
0x14a: {  	v19 =	vld [tilespmem:s29+$0x19130]  }
0x14b: {  	v20 =	vld [tilespmem:s29+$0x19140]  }
0x14c: {  	v21 =	vld [tilespmem:s29+$0x19150]  }
0x14d: {  	v22 =	vld [tilespmem:s29+$0x19160]  }
0x14e: {  	v23 =	vld [tilespmem:s29+$0x19170]  }
0x14f: {  	v24 =	vld [tilespmem:s29+$0x19180]  }
0x150: {  	v25 =	vld [tilespmem:s29+$0x19190]  }
0x151: {  	v26 =	vld [tilespmem:s29+$0x191A0]  }
0x152: {  	v27 =	vld [tilespmem:s29+$0x191B0]  }
0x153: {  	v28 =	vld [tilespmem:s29+$0x191C0]  }
0x154: {  	v29 =	vld [tilespmem:s29+$0x191D0]  }
0x155: {  	v30 =	vld [tilespmem:s29+$0x191E0]  }
0x156: {  	[tilespmem:s29+$0x12C00] =	vst.add.f32.msk $0xffff, v1  }
0x157: {  	[tilespmem:s29+$0x12C10] =	vst.add.f32.msk $0xffff, v2  }
0x158: {  	[tilespmem:s29+$0x12C20] =	vst.add.f32.msk $0xffff, v3  }
0x159: {  	[tilespmem:s29+$0x12C30] =	vst.add.f32.msk $0xffff, v4  }
0x15a: {  	[tilespmem:s29+$0x12C40] =	vst.add.f32.msk $0xffff, v0  }
0x15b: {  	[tilespmem:s29+$0x12C50] =	vst.add.f32.msk $0xffff, v5  }
0x15c: {  	[tilespmem:s29+$0x12C60] =	vst.add.f32.msk $0xffff, v6  }
0x15d: {  	[tilespmem:s29+$0x12C70] =	vst.add.f32.msk $0xffff, v7  }
0x15e: {  	[tilespmem:s29+$0x12C80] =	vst.add.f32.msk $0xffff, v8  }
0x15f: {  	[tilespmem:s29+$0x12C90] =	vst.add.f32.msk $0xffff, v9  }
0x160: {  	[tilespmem:s29+$0x12CA0] =	vst.add.f32.msk $0xffff, v10  }
0x161: {  	[tilespmem:s29+$0x12CB0] =	vst.add.f32.msk $0xffff, v11  }
0x162: {  	[tilespmem:s29+$0x12CC0] =	vst.add.f32.msk $0xffff, v12  }
0x163: {  	[tilespmem:s29+$0x12CD0] =	vst.add.f32.msk $0xffff, v13  }
0x164: {  	[tilespmem:s29+$0x12CE0] =	vst.add.f32.msk $0xffff, v14  }
0x165: {  	[tilespmem:s29+$0x12CF0] =	vst.add.f32.msk $0xffff, v15  }
0x166: {  	[tilespmem:s29+$0x12D00] =	vst.add.f32.msk $0xffff, v16  }
0x167: {  	[tilespmem:s29+$0x12D10] =	vst.add.f32.msk $0xffff, v17  }
0x168: {  	[tilespmem:s29+$0x12D20] =	vst.add.f32.msk $0xffff, v18  }
0x169: {  	[tilespmem:s29+$0x12D30] =	vst.add.f32.msk $0xffff, v19  }
0x16a: {  	[tilespmem:s29+$0x12D40] =	vst.add.f32.msk $0xffff, v20  }
0x16b: {  	[tilespmem:s29+$0x12D50] =	vst.add.f32.msk $0xffff, v21  }
0x16c: {  	[tilespmem:s29+$0x12D60] =	vst.add.f32.msk $0xffff, v22  }
0x16d: {  	[tilespmem:s29+$0x12D70] =	vst.add.f32.msk $0xffff, v23  }
0x16e: {  	[tilespmem:s29+$0x12D80] =	vst.add.f32.msk $0xffff, v24  }
0x16f: {  	[tilespmem:s29+$0x12D90] =	vst.add.f32.msk $0xffff, v25  }
.Ltmp2:
0x170: {  	[tilespmem:s29+$0x12DA0] =	vst.add.f32.msk $0xffff, v26;
	(pc) =	sbr.rel @p0 .LBB2_7-.Ltmp2, $4  }
0x171: {  	[tilespmem:s29+$0x12DB0] =	vst.add.f32.msk $0xffff, v27  }
0x172: {  	[tilespmem:s29+$0x12DC0] =	vst.add.f32.msk $0xffff, v28  }
0x173: {  	[tilespmem:s29+$0x12DD0] =	vst.add.f32.msk $0xffff, v29  }
0x174: {  	[tilespmem:s29+$0x12DE0] =	vst.add.f32.msk $0xffff, v30;
	s29 =	sshra.s32 s30, $0x2;
	s30 =	sadd.s32 $0x800, s30  }
0x175: {  	v0 =	vld [tilespmem:s29+$0x191F0]  }
0x176: {  	v1 =	vld [tilespmem:s29+$0x19000]  }
0x177: {  	v2 =	vld [tilespmem:s29+$0x19010]  }
0x178: {  	v3 =	vld [tilespmem:s29+$0x19020]  }
0x179: {  	v4 =	vld [tilespmem:s29+$0x19030]  }
0x17a: {  	v63 =	vld [tilespmem:s29+$0x19040]  }
0x17b: {  	v5 =	vld [tilespmem:s29+$0x19050]  }
0x17c: {  	v6 =	vld [tilespmem:s29+$0x19060]  }
0x17d: {  	v7 =	vld [tilespmem:s29+$0x19070]  }
0x17e: {  	v8 =	vld [tilespmem:s29+$0x19080]  }
0x17f: {  	v9 =	vld [tilespmem:s29+$0x19090]  }
0x180: {  	v10 =	vld [tilespmem:s29+$0x190A0]  }
0x181: {  	v11 =	vld [tilespmem:s29+$0x190B0]  }
0x182: {  	v12 =	vld [tilespmem:s29+$0x190C0]  }
0x183: {  	v13 =	vld [tilespmem:s29+$0x190D0]  }
0x184: {  	v14 =	vld [tilespmem:s29+$0x190E0]  }
0x185: {  	v15 =	vld [tilespmem:s29+$0x190F0]  }
0x186: {  	v16 =	vld [tilespmem:s29+$0x19100]  }
0x187: {  	v17 =	vld [tilespmem:s29+$0x19110]  }
0x188: {  	v18 =	vld [tilespmem:s29+$0x19120]  }
0x189: {  	v19 =	vld [tilespmem:s29+$0x19130]  }
0x18a: {  	v20 =	vld [tilespmem:s29+$0x19140]  }
0x18b: {  	v21 =	vld [tilespmem:s29+$0x19150]  }
0x18c: {  	v22 =	vld [tilespmem:s29+$0x19160]  }
0x18d: {  	v23 =	vld [tilespmem:s29+$0x19170]  }
0x18e: {  	v24 =	vld [tilespmem:s29+$0x19180]  }
0x18f: {  	v25 =	vld [tilespmem:s29+$0x19190]  }
0x190: {  	v26 =	vld [tilespmem:s29+$0x191A0]  }
0x191: {  	v27 =	vld [tilespmem:s29+$0x191B0]  }
0x192: {  	v28 =	vld [tilespmem:s29+$0x191C0]  }
0x193: {  	v29 =	vld [tilespmem:s29+$0x191D0]  }
0x194: {  	v30 =	vld [tilespmem:s29+$0x191E0]  }
0x195: {  	[tilespmem:s29+$0x12DF0] =	vst.add.f32.msk $0xffff, v0  }
0x196: {  	[tilespmem:s29+$0x12C00] =	vst.add.f32.msk $0xffff, v1  }
0x197: {  	[tilespmem:s29+$0x12C10] =	vst.add.f32.msk $0xffff, v2  }
0x198: {  	[tilespmem:s29+$0x12C20] =	vst.add.f32.msk $0xffff, v3  }
0x199: {  	[tilespmem:s29+$0x12C30] =	vst.add.f32.msk $0xffff, v4  }
0x19a: {  	[tilespmem:s29+$0x12C40] =	vst.add.f32.msk $0xffff, v63  }
0x19b: {  	[tilespmem:s29+$0x12C50] =	vst.add.f32.msk $0xffff, v5  }
0x19c: {  	[tilespmem:s29+$0x12C60] =	vst.add.f32.msk $0xffff, v6  }
0x19d: {  	[tilespmem:s29+$0x12C70] =	vst.add.f32.msk $0xffff, v7  }
0x19e: {  	[tilespmem:s29+$0x12C80] =	vst.add.f32.msk $0xffff, v8  }
0x19f: {  	[tilespmem:s29+$0x12C90] =	vst.add.f32.msk $0xffff, v9  }
0x1a0: {  	[tilespmem:s29+$0x12CA0] =	vst.add.f32.msk $0xffff, v10  }
0x1a1: {  	[tilespmem:s29+$0x12CB0] =	vst.add.f32.msk $0xffff, v11  }
0x1a2: {  	[tilespmem:s29+$0x12CC0] =	vst.add.f32.msk $0xffff, v12  }
0x1a3: {  	[tilespmem:s29+$0x12CD0] =	vst.add.f32.msk $0xffff, v13  }
0x1a4: {  	[tilespmem:s29+$0x12CE0] =	vst.add.f32.msk $0xffff, v14  }
0x1a5: {  	[tilespmem:s29+$0x12CF0] =	vst.add.f32.msk $0xffff, v15  }
0x1a6: {  	[tilespmem:s29+$0x12D00] =	vst.add.f32.msk $0xffff, v16  }
0x1a7: {  	[tilespmem:s29+$0x12D10] =	vst.add.f32.msk $0xffff, v17  }
0x1a8: {  	[tilespmem:s29+$0x12D20] =	vst.add.f32.msk $0xffff, v18  }
0x1a9: {  	[tilespmem:s29+$0x12D30] =	vst.add.f32.msk $0xffff, v19  }
0x1aa: {  	[tilespmem:s29+$0x12D40] =	vst.add.f32.msk $0xffff, v20  }
0x1ab: {  	[tilespmem:s29+$0x12D50] =	vst.add.f32.msk $0xffff, v21  }
0x1ac: {  	[tilespmem:s29+$0x12D60] =	vst.add.f32.msk $0xffff, v22  }
0x1ad: {  	[tilespmem:s29+$0x12D70] =	vst.add.f32.msk $0xffff, v23  }
0x1ae: {  	[tilespmem:s29+$0x12D80] =	vst.add.f32.msk $0xffff, v24  }
0x1af: {  	s26 =	sadd.s32 $0x1, s26;
	[tilespmem:s29+$0x12D90] =	vst.add.f32.msk $0xffff, v25  }
0x1b0: {  	p0 =	sne.s32 s26, $0x2A;
	[tilespmem:s29+$0x12DA0] =	vst.add.f32.msk $0xffff, v26  }
.Ltmp3:
0x1b1: {  	[tilespmem:s29+$0x12DB0] =	vst.add.f32.msk $0xffff, v27;
	(pc) =	sbr.rel @p0 .LBB2_2-.Ltmp3, $4  }
0x1b2: {  	s28 =	sadd.s32 s4, s28;
	[tilespmem:s29+$0x12DC0] =	vst.add.f32.msk $0xffff, v28  }
0x1b3: {  	s28 =	sshll.u32 s28, $0x4;
	[tilespmem:s29+$0x12DD0] =	vst.add.f32.msk $0xffff, v29  }
0x1b4: {  	s28 =	sadd.s32 s3, s28;
	[tilespmem:s29+$0x12DE0] =	vst.add.f32.msk $0xffff, v30  }
0x1b5: {  	[hbm4b:s28+s5] =	stream.linear.scatter [tilespmem:s18], [sflag:$0x7], $0x6400, $0x38;
	[tilespmem:$0x1F400] =	vst v63  }
0x1b6: {  	_ =	swait.ge [sflag:s22], $0x6400  }
0x1b7: {  	[sflag:s22] =	ssyncset.done $0x0  }
0x1b8: {  	[sflag:s22] =	ssyncadd.s32 $0xFFFF9C00  }
0x1b9: {  	[tilespmem:s16], [sflag:$0x3] =	stream.indirect.gather [hbm4b:s2+s13], $0x80, s23, s13, $0xb8;
	[tilespmem:$0x1F400] =	vst v63  }
0x1ba: {  	_ =	swait.ge [sflag:s17], $0x6400  }
0x1bb: {  	[sflag:s17] =	ssyncset.done $0x0  }
0x1bc: {  	s26 =	simm.s32 $0x0;
	s28 =	simm.s32 $0x800;
	[sflag:s17] =	ssyncadd.s32 $0xFFFF9C00  }
.LBB2_10:
0x1bd: {  	p0 =	sne.s32 s28, $0x18800;
	v0 =	vld [tilespmem:s26+$0x191F0]  }
0x1be: {  	v1 =	vld [tilespmem:s26+$0x19000]  }
0x1bf: {  	v2 =	vld [tilespmem:s26+$0x19010]  }
0x1c0: {  	v3 =	vld [tilespmem:s26+$0x19020]  }
0x1c1: {  	v4 =	vld [tilespmem:s26+$0x19030]  }
0x1c2: {  	[tilespmem:s26+$0x65F0] =	vst.add.f32.msk $0xffff, v0  }
0x1c3: {  	v0 =	vld [tilespmem:s26+$0x19040]  }
0x1c4: {  	v5 =	vld [tilespmem:s26+$0x19050]  }
0x1c5: {  	v6 =	vld [tilespmem:s26+$0x19060]  }
0x1c6: {  	v7 =	vld [tilespmem:s26+$0x19070]  }
0x1c7: {  	v8 =	vld [tilespmem:s26+$0x19080]  }
0x1c8: {  	v9 =	vld [tilespmem:s26+$0x19090]  }
0x1c9: {  	v10 =	vld [tilespmem:s26+$0x190A0]  }
0x1ca: {  	v11 =	vld [tilespmem:s26+$0x190B0]  }
0x1cb: {  	v12 =	vld [tilespmem:s26+$0x190C0]  }
0x1cc: {  	v13 =	vld [tilespmem:s26+$0x190D0]  }
0x1cd: {  	v14 =	vld [tilespmem:s26+$0x190E0]  }
0x1ce: {  	v15 =	vld [tilespmem:s26+$0x190F0]  }
0x1cf: {  	v16 =	vld [tilespmem:s26+$0x19100]  }
0x1d0: {  	v17 =	vld [tilespmem:s26+$0x19110]  }
0x1d1: {  	v18 =	vld [tilespmem:s26+$0x19120]  }
0x1d2: {  	v19 =	vld [tilespmem:s26+$0x19130]  }
0x1d3: {  	v20 =	vld [tilespmem:s26+$0x19140]  }
0x1d4: {  	v21 =	vld [tilespmem:s26+$0x19150]  }
0x1d5: {  	v22 =	vld [tilespmem:s26+$0x19160]  }
0x1d6: {  	v23 =	vld [tilespmem:s26+$0x19170]  }
0x1d7: {  	v24 =	vld [tilespmem:s26+$0x19180]  }
0x1d8: {  	v25 =	vld [tilespmem:s26+$0x19190]  }
0x1d9: {  	v26 =	vld [tilespmem:s26+$0x191A0]  }
0x1da: {  	v27 =	vld [tilespmem:s26+$0x191B0]  }
0x1db: {  	v28 =	vld [tilespmem:s26+$0x191C0]  }
0x1dc: {  	v29 =	vld [tilespmem:s26+$0x191D0]  }
0x1dd: {  	v30 =	vld [tilespmem:s26+$0x191E0]  }
0x1de: {  	[tilespmem:s26+$0x6400] =	vst.add.f32.msk $0xffff, v1  }
0x1df: {  	[tilespmem:s26+$0x6410] =	vst.add.f32.msk $0xffff, v2  }
0x1e0: {  	[tilespmem:s26+$0x6420] =	vst.add.f32.msk $0xffff, v3  }
0x1e1: {  	[tilespmem:s26+$0x6430] =	vst.add.f32.msk $0xffff, v4  }
0x1e2: {  	[tilespmem:s26+$0x6440] =	vst.add.f32.msk $0xffff, v0  }
0x1e3: {  	[tilespmem:s26+$0x6450] =	vst.add.f32.msk $0xffff, v5  }
0x1e4: {  	[tilespmem:s26+$0x6460] =	vst.add.f32.msk $0xffff, v6  }
0x1e5: {  	[tilespmem:s26+$0x6470] =	vst.add.f32.msk $0xffff, v7  }
0x1e6: {  	[tilespmem:s26+$0x6480] =	vst.add.f32.msk $0xffff, v8  }
0x1e7: {  	[tilespmem:s26+$0x6490] =	vst.add.f32.msk $0xffff, v9  }
0x1e8: {  	[tilespmem:s26+$0x64A0] =	vst.add.f32.msk $0xffff, v10  }
0x1e9: {  	[tilespmem:s26+$0x64B0] =	vst.add.f32.msk $0xffff, v11  }
0x1ea: {  	[tilespmem:s26+$0x64C0] =	vst.add.f32.msk $0xffff, v12  }
0x1eb: {  	[tilespmem:s26+$0x64D0] =	vst.add.f32.msk $0xffff, v13  }
0x1ec: {  	[tilespmem:s26+$0x64E0] =	vst.add.f32.msk $0xffff, v14  }
0x1ed: {  	[tilespmem:s26+$0x64F0] =	vst.add.f32.msk $0xffff, v15  }
0x1ee: {  	[tilespmem:s26+$0x6500] =	vst.add.f32.msk $0xffff, v16  }
0x1ef: {  	[tilespmem:s26+$0x6510] =	vst.add.f32.msk $0xffff, v17  }
0x1f0: {  	[tilespmem:s26+$0x6520] =	vst.add.f32.msk $0xffff, v18  }
0x1f1: {  	[tilespmem:s26+$0x6530] =	vst.add.f32.msk $0xffff, v19  }
0x1f2: {  	[tilespmem:s26+$0x6540] =	vst.add.f32.msk $0xffff, v20  }
0x1f3: {  	[tilespmem:s26+$0x6550] =	vst.add.f32.msk $0xffff, v21  }
0x1f4: {  	[tilespmem:s26+$0x6560] =	vst.add.f32.msk $0xffff, v22  }
0x1f5: {  	[tilespmem:s26+$0x6570] =	vst.add.f32.msk $0xffff, v23  }
0x1f6: {  	[tilespmem:s26+$0x6580] =	vst.add.f32.msk $0xffff, v24  }
0x1f7: {  	[tilespmem:s26+$0x6590] =	vst.add.f32.msk $0xffff, v25  }
.Ltmp4:
0x1f8: {  	[tilespmem:s26+$0x65A0] =	vst.add.f32.msk $0xffff, v26;
	(pc) =	sbr.rel @p0 .LBB2_10-.Ltmp4, $4  }
0x1f9: {  	[tilespmem:s26+$0x65B0] =	vst.add.f32.msk $0xffff, v27  }
0x1fa: {  	[tilespmem:s26+$0x65C0] =	vst.add.f32.msk $0xffff, v28  }
0x1fb: {  	[tilespmem:s26+$0x65D0] =	vst.add.f32.msk $0xffff, v29  }
0x1fc: {  	[tilespmem:s26+$0x65E0] =	vst.add.f32.msk $0xffff, v30;
	s26 =	sshra.s32 s28, $0x2;
	s28 =	sadd.s32 $0x800, s28  }
0x1fd: {  	v0 =	vld [tilespmem:s26+$0x191F0]  }
0x1fe: {  	v1 =	vld [tilespmem:s26+$0x19000]  }
0x1ff: {  	v2 =	vld [tilespmem:s26+$0x19010]  }
0x200: {  	v3 =	vld [tilespmem:s26+$0x19020]  }
0x201: {  	v4 =	vld [tilespmem:s26+$0x19030]  }
0x202: {  	v63 =	vld [tilespmem:s26+$0x19040]  }
0x203: {  	v5 =	vld [tilespmem:s26+$0x19050]  }
0x204: {  	v6 =	vld [tilespmem:s26+$0x19060]  }
0x205: {  	v7 =	vld [tilespmem:s26+$0x19070]  }
0x206: {  	v8 =	vld [tilespmem:s26+$0x19080]  }
0x207: {  	v9 =	vld [tilespmem:s26+$0x19090]  }
0x208: {  	v10 =	vld [tilespmem:s26+$0x190A0]  }
0x209: {  	v11 =	vld [tilespmem:s26+$0x190B0]  }
0x20a: {  	v12 =	vld [tilespmem:s26+$0x190C0]  }
0x20b: {  	v13 =	vld [tilespmem:s26+$0x190D0]  }
0x20c: {  	v14 =	vld [tilespmem:s26+$0x190E0]  }
0x20d: {  	v15 =	vld [tilespmem:s26+$0x190F0]  }
0x20e: {  	v16 =	vld [tilespmem:s26+$0x19100]  }
0x20f: {  	v17 =	vld [tilespmem:s26+$0x19110]  }
0x210: {  	v18 =	vld [tilespmem:s26+$0x19120]  }
0x211: {  	v19 =	vld [tilespmem:s26+$0x19130]  }
0x212: {  	v20 =	vld [tilespmem:s26+$0x19140]  }
0x213: {  	v21 =	vld [tilespmem:s26+$0x19150]  }
0x214: {  	v22 =	vld [tilespmem:s26+$0x19160]  }
0x215: {  	v23 =	vld [tilespmem:s26+$0x19170]  }
0x216: {  	v24 =	vld [tilespmem:s26+$0x19180]  }
0x217: {  	v25 =	vld [tilespmem:s26+$0x19190]  }
0x218: {  	v26 =	vld [tilespmem:s26+$0x191A0]  }
0x219: {  	v27 =	vld [tilespmem:s26+$0x191B0]  }
0x21a: {  	v28 =	vld [tilespmem:s26+$0x191C0]  }
0x21b: {  	v29 =	vld [tilespmem:s26+$0x191D0]  }
0x21c: {  	v30 =	vld [tilespmem:s26+$0x191E0]  }
0x21d: {  	[tilespmem:s26+$0x65F0] =	vst.add.f32.msk $0xffff, v0  }
0x21e: {  	[tilespmem:s26+$0x6400] =	vst.add.f32.msk $0xffff, v1  }
0x21f: {  	[tilespmem:s26+$0x6410] =	vst.add.f32.msk $0xffff, v2  }
0x220: {  	[tilespmem:s26+$0x6420] =	vst.add.f32.msk $0xffff, v3  }
0x221: {  	[tilespmem:s26+$0x6430] =	vst.add.f32.msk $0xffff, v4  }
0x222: {  	[tilespmem:s26+$0x6440] =	vst.add.f32.msk $0xffff, v63  }
0x223: {  	[tilespmem:s26+$0x6450] =	vst.add.f32.msk $0xffff, v5  }
0x224: {  	[tilespmem:s26+$0x6460] =	vst.add.f32.msk $0xffff, v6  }
0x225: {  	[tilespmem:s26+$0x6470] =	vst.add.f32.msk $0xffff, v7  }
0x226: {  	[tilespmem:s26+$0x6480] =	vst.add.f32.msk $0xffff, v8  }
0x227: {  	[tilespmem:s26+$0x6490] =	vst.add.f32.msk $0xffff, v9  }
0x228: {  	[tilespmem:s26+$0x64A0] =	vst.add.f32.msk $0xffff, v10  }
0x229: {  	[tilespmem:s26+$0x64B0] =	vst.add.f32.msk $0xffff, v11  }
0x22a: {  	[tilespmem:s26+$0x64C0] =	vst.add.f32.msk $0xffff, v12  }
0x22b: {  	[tilespmem:s26+$0x64D0] =	vst.add.f32.msk $0xffff, v13  }
0x22c: {  	[tilespmem:s26+$0x64E0] =	vst.add.f32.msk $0xffff, v14  }
0x22d: {  	[tilespmem:s26+$0x64F0] =	vst.add.f32.msk $0xffff, v15  }
0x22e: {  	[tilespmem:s26+$0x6500] =	vst.add.f32.msk $0xffff, v16  }
0x22f: {  	[tilespmem:s26+$0x6510] =	vst.add.f32.msk $0xffff, v17  }
0x230: {  	[tilespmem:s26+$0x6520] =	vst.add.f32.msk $0xffff, v18  }
0x231: {  	[tilespmem:s26+$0x6530] =	vst.add.f32.msk $0xffff, v19  }
0x232: {  	[tilespmem:s26+$0x6540] =	vst.add.f32.msk $0xffff, v20  }
0x233: {  	[tilespmem:s26+$0x6550] =	vst.add.f32.msk $0xffff, v21  }
0x234: {  	[tilespmem:s26+$0x6560] =	vst.add.f32.msk $0xffff, v22  }
0x235: {  	[tilespmem:s26+$0x6570] =	vst.add.f32.msk $0xffff, v23  }
0x236: {  	[tilespmem:s26+$0x6580] =	vst.add.f32.msk $0xffff, v24  }
0x237: {  	[tilespmem:s26+$0x6590] =	vst.add.f32.msk $0xffff, v25  }
0x238: {  	[tilespmem:s26+$0x65A0] =	vst.add.f32.msk $0xffff, v26  }
0x239: {  	[tilespmem:s26+$0x65B0] =	vst.add.f32.msk $0xffff, v27  }
0x23a: {  	[tilespmem:s26+$0x65C0] =	vst.add.f32.msk $0xffff, v28  }
0x23b: {  	[tilespmem:s26+$0x65D0] =	vst.add.f32.msk $0xffff, v29  }
0x23c: {  	s31 =	simm.s32 $0x0;
	[tilespmem:s26+$0x65E0] =	vst.add.f32.msk $0xffff, v30  }
0x23d: {  	[hbm4b:s8+s31] =	stream.linear.scatter [tilespmem:s14], [sflag:$0x5], $0x6400, $0x38;
	[tilespmem:$0x1F400] =	vst v63  }
0x23e: {  	_ =	swait.ge [sflag:s24], $0x6400  }
0x23f: {  	[sflag:s24] =	ssyncset.done $0x0  }
0x240: {  	[sflag:s24] =	ssyncadd.s32 $0xFFFF9C00  }
0x241: {  	_ =	swait.ge [sflag:s19], $0x6400  }
0x242: {  	[sflag:s19] =	ssyncset.done $0x0  }
0x243: {  	s28 =	simm.s32 $0x800;
	s26 =	simm.s32 $0x0;
	[sflag:s19] =	ssyncadd.s32 $0xFFFF9C00  }
.LBB2_12:
0x244: {  	p0 =	sne.s32 s28, $0x18800;
	v0 =	vld [tilespmem:s26+$0x191F0]  }
0x245: {  	v1 =	vld [tilespmem:s26+$0x19000]  }
0x246: {  	v2 =	vld [tilespmem:s26+$0x19010]  }
0x247: {  	v3 =	vld [tilespmem:s26+$0x19020]  }
0x248: {  	v4 =	vld [tilespmem:s26+$0x19030]  }
0x249: {  	[tilespmem:s26+$0xC9F0] =	vst.add.f32.msk $0xffff, v0  }
0x24a: {  	v0 =	vld [tilespmem:s26+$0x19040]  }
0x24b: {  	v5 =	vld [tilespmem:s26+$0x19050]  }
0x24c: {  	v6 =	vld [tilespmem:s26+$0x19060]  }
0x24d: {  	v7 =	vld [tilespmem:s26+$0x19070]  }
0x24e: {  	v8 =	vld [tilespmem:s26+$0x19080]  }
0x24f: {  	v9 =	vld [tilespmem:s26+$0x19090]  }
0x250: {  	v10 =	vld [tilespmem:s26+$0x190A0]  }
0x251: {  	v11 =	vld [tilespmem:s26+$0x190B0]  }
0x252: {  	v12 =	vld [tilespmem:s26+$0x190C0]  }
0x253: {  	v13 =	vld [tilespmem:s26+$0x190D0]  }
0x254: {  	v14 =	vld [tilespmem:s26+$0x190E0]  }
0x255: {  	v15 =	vld [tilespmem:s26+$0x190F0]  }
0x256: {  	v16 =	vld [tilespmem:s26+$0x19100]  }
0x257: {  	v17 =	vld [tilespmem:s26+$0x19110]  }
0x258: {  	v18 =	vld [tilespmem:s26+$0x19120]  }
0x259: {  	v19 =	vld [tilespmem:s26+$0x19130]  }
0x25a: {  	v20 =	vld [tilespmem:s26+$0x19140]  }
0x25b: {  	v21 =	vld [tilespmem:s26+$0x19150]  }
0x25c: {  	v22 =	vld [tilespmem:s26+$0x19160]  }
0x25d: {  	v23 =	vld [tilespmem:s26+$0x19170]  }
0x25e: {  	v24 =	vld [tilespmem:s26+$0x19180]  }
0x25f: {  	v25 =	vld [tilespmem:s26+$0x19190]  }
0x260: {  	v26 =	vld [tilespmem:s26+$0x191A0]  }
0x261: {  	v27 =	vld [tilespmem:s26+$0x191B0]  }
0x262: {  	v28 =	vld [tilespmem:s26+$0x191C0]  }
0x263: {  	v29 =	vld [tilespmem:s26+$0x191D0]  }
0x264: {  	v30 =	vld [tilespmem:s26+$0x191E0]  }
0x265: {  	[tilespmem:s26+$0xC800] =	vst.add.f32.msk $0xffff, v1  }
0x266: {  	[tilespmem:s26+$0xC810] =	vst.add.f32.msk $0xffff, v2  }
0x267: {  	[tilespmem:s26+$0xC820] =	vst.add.f32.msk $0xffff, v3  }
0x268: {  	[tilespmem:s26+$0xC830] =	vst.add.f32.msk $0xffff, v4  }
0x269: {  	[tilespmem:s26+$0xC840] =	vst.add.f32.msk $0xffff, v0  }
0x26a: {  	[tilespmem:s26+$0xC850] =	vst.add.f32.msk $0xffff, v5  }
0x26b: {  	[tilespmem:s26+$0xC860] =	vst.add.f32.msk $0xffff, v6  }
0x26c: {  	[tilespmem:s26+$0xC870] =	vst.add.f32.msk $0xffff, v7  }
0x26d: {  	[tilespmem:s26+$0xC880] =	vst.add.f32.msk $0xffff, v8  }
0x26e: {  	[tilespmem:s26+$0xC890] =	vst.add.f32.msk $0xffff, v9  }
0x26f: {  	[tilespmem:s26+$0xC8A0] =	vst.add.f32.msk $0xffff, v10  }
0x270: {  	[tilespmem:s26+$0xC8B0] =	vst.add.f32.msk $0xffff, v11  }
0x271: {  	[tilespmem:s26+$0xC8C0] =	vst.add.f32.msk $0xffff, v12  }
0x272: {  	[tilespmem:s26+$0xC8D0] =	vst.add.f32.msk $0xffff, v13  }
0x273: {  	[tilespmem:s26+$0xC8E0] =	vst.add.f32.msk $0xffff, v14  }
0x274: {  	[tilespmem:s26+$0xC8F0] =	vst.add.f32.msk $0xffff, v15  }
0x275: {  	[tilespmem:s26+$0xC900] =	vst.add.f32.msk $0xffff, v16  }
0x276: {  	[tilespmem:s26+$0xC910] =	vst.add.f32.msk $0xffff, v17  }
0x277: {  	[tilespmem:s26+$0xC920] =	vst.add.f32.msk $0xffff, v18  }
0x278: {  	[tilespmem:s26+$0xC930] =	vst.add.f32.msk $0xffff, v19  }
0x279: {  	[tilespmem:s26+$0xC940] =	vst.add.f32.msk $0xffff, v20  }
0x27a: {  	[tilespmem:s26+$0xC950] =	vst.add.f32.msk $0xffff, v21  }
0x27b: {  	[tilespmem:s26+$0xC960] =	vst.add.f32.msk $0xffff, v22  }
0x27c: {  	[tilespmem:s26+$0xC970] =	vst.add.f32.msk $0xffff, v23  }
0x27d: {  	[tilespmem:s26+$0xC980] =	vst.add.f32.msk $0xffff, v24  }
0x27e: {  	[tilespmem:s26+$0xC990] =	vst.add.f32.msk $0xffff, v25  }
.Ltmp5:
0x27f: {  	[tilespmem:s26+$0xC9A0] =	vst.add.f32.msk $0xffff, v26;
	(pc) =	sbr.rel @p0 .LBB2_12-.Ltmp5, $4  }
0x280: {  	[tilespmem:s26+$0xC9B0] =	vst.add.f32.msk $0xffff, v27  }
0x281: {  	[tilespmem:s26+$0xC9C0] =	vst.add.f32.msk $0xffff, v28  }
0x282: {  	[tilespmem:s26+$0xC9D0] =	vst.add.f32.msk $0xffff, v29  }
0x283: {  	[tilespmem:s26+$0xC9E0] =	vst.add.f32.msk $0xffff, v30;
	s26 =	sshra.s32 s28, $0x2;
	s28 =	sadd.s32 $0x800, s28  }
0x284: {  	v0 =	vld [tilespmem:s26+$0x191F0]  }
0x285: {  	v1 =	vld [tilespmem:s26+$0x19000]  }
0x286: {  	v2 =	vld [tilespmem:s26+$0x19010]  }
0x287: {  	v3 =	vld [tilespmem:s26+$0x19020]  }
0x288: {  	v4 =	vld [tilespmem:s26+$0x19030]  }
0x289: {  	v63 =	vld [tilespmem:s26+$0x19040]  }
0x28a: {  	v5 =	vld [tilespmem:s26+$0x19050]  }
0x28b: {  	v6 =	vld [tilespmem:s26+$0x19060]  }
0x28c: {  	v7 =	vld [tilespmem:s26+$0x19070]  }
0x28d: {  	v8 =	vld [tilespmem:s26+$0x19080]  }
0x28e: {  	v9 =	vld [tilespmem:s26+$0x19090]  }
0x28f: {  	v10 =	vld [tilespmem:s26+$0x190A0]  }
0x290: {  	v11 =	vld [tilespmem:s26+$0x190B0]  }
0x291: {  	v12 =	vld [tilespmem:s26+$0x190C0]  }
0x292: {  	v13 =	vld [tilespmem:s26+$0x190D0]  }
0x293: {  	v14 =	vld [tilespmem:s26+$0x190E0]  }
0x294: {  	v15 =	vld [tilespmem:s26+$0x190F0]  }
0x295: {  	v16 =	vld [tilespmem:s26+$0x19100]  }
0x296: {  	v17 =	vld [tilespmem:s26+$0x19110]  }
0x297: {  	v18 =	vld [tilespmem:s26+$0x19120]  }
0x298: {  	v19 =	vld [tilespmem:s26+$0x19130]  }
0x299: {  	v20 =	vld [tilespmem:s26+$0x19140]  }
0x29a: {  	v21 =	vld [tilespmem:s26+$0x19150]  }
0x29b: {  	v22 =	vld [tilespmem:s26+$0x19160]  }
0x29c: {  	v23 =	vld [tilespmem:s26+$0x19170]  }
0x29d: {  	v24 =	vld [tilespmem:s26+$0x19180]  }
0x29e: {  	v25 =	vld [tilespmem:s26+$0x19190]  }
0x29f: {  	v26 =	vld [tilespmem:s26+$0x191A0]  }
0x2a0: {  	v27 =	vld [tilespmem:s26+$0x191B0]  }
0x2a1: {  	v28 =	vld [tilespmem:s26+$0x191C0]  }
0x2a2: {  	v29 =	vld [tilespmem:s26+$0x191D0]  }
0x2a3: {  	v30 =	vld [tilespmem:s26+$0x191E0]  }
0x2a4: {  	[tilespmem:s26+$0xC9F0] =	vst.add.f32.msk $0xffff, v0  }
0x2a5: {  	[tilespmem:s26+$0xC800] =	vst.add.f32.msk $0xffff, v1  }
0x2a6: {  	[tilespmem:s26+$0xC810] =	vst.add.f32.msk $0xffff, v2  }
0x2a7: {  	[tilespmem:s26+$0xC820] =	vst.add.f32.msk $0xffff, v3  }
0x2a8: {  	[tilespmem:s26+$0xC830] =	vst.add.f32.msk $0xffff, v4  }
0x2a9: {  	[tilespmem:s26+$0xC840] =	vst.add.f32.msk $0xffff, v63  }
0x2aa: {  	[tilespmem:s26+$0xC850] =	vst.add.f32.msk $0xffff, v5  }
0x2ab: {  	[tilespmem:s26+$0xC860] =	vst.add.f32.msk $0xffff, v6  }
0x2ac: {  	[tilespmem:s26+$0xC870] =	vst.add.f32.msk $0xffff, v7  }
0x2ad: {  	[tilespmem:s26+$0xC880] =	vst.add.f32.msk $0xffff, v8  }
0x2ae: {  	[tilespmem:s26+$0xC890] =	vst.add.f32.msk $0xffff, v9  }
0x2af: {  	[tilespmem:s26+$0xC8A0] =	vst.add.f32.msk $0xffff, v10  }
0x2b0: {  	[tilespmem:s26+$0xC8B0] =	vst.add.f32.msk $0xffff, v11  }
0x2b1: {  	[tilespmem:s26+$0xC8C0] =	vst.add.f32.msk $0xffff, v12  }
0x2b2: {  	[tilespmem:s26+$0xC8D0] =	vst.add.f32.msk $0xffff, v13  }
0x2b3: {  	[tilespmem:s26+$0xC8E0] =	vst.add.f32.msk $0xffff, v14  }
0x2b4: {  	[tilespmem:s26+$0xC8F0] =	vst.add.f32.msk $0xffff, v15  }
0x2b5: {  	[tilespmem:s26+$0xC900] =	vst.add.f32.msk $0xffff, v16  }
0x2b6: {  	[tilespmem:s26+$0xC910] =	vst.add.f32.msk $0xffff, v17  }
0x2b7: {  	[tilespmem:s26+$0xC920] =	vst.add.f32.msk $0xffff, v18  }
0x2b8: {  	[tilespmem:s26+$0xC930] =	vst.add.f32.msk $0xffff, v19  }
0x2b9: {  	[tilespmem:s26+$0xC940] =	vst.add.f32.msk $0xffff, v20  }
0x2ba: {  	[tilespmem:s26+$0xC950] =	vst.add.f32.msk $0xffff, v21  }
0x2bb: {  	[tilespmem:s26+$0xC960] =	vst.add.f32.msk $0xffff, v22  }
0x2bc: {  	[tilespmem:s26+$0xC970] =	vst.add.f32.msk $0xffff, v23  }
0x2bd: {  	[tilespmem:s26+$0xC980] =	vst.add.f32.msk $0xffff, v24  }
0x2be: {  	[tilespmem:s26+$0xC990] =	vst.add.f32.msk $0xffff, v25  }
0x2bf: {  	[tilespmem:s26+$0xC9A0] =	vst.add.f32.msk $0xffff, v26  }
0x2c0: {  	[tilespmem:s26+$0xC9B0] =	vst.add.f32.msk $0xffff, v27  }
0x2c1: {  	[tilespmem:s26+$0xC9C0] =	vst.add.f32.msk $0xffff, v28  }
0x2c2: {  	[tilespmem:s26+$0xC9D0] =	vst.add.f32.msk $0xffff, v29  }
0x2c3: {  	s25 =	sadd.s32 $0x1, s25;
	[tilespmem:s26+$0xC9E0] =	vst.add.f32.msk $0xffff, v30  }
0x2c4: {  	[hbm4b:s9+s5] =	stream.linear.scatter [tilespmem:s16], [sflag:$0x6], $0x6400, $0x38;
	[tilespmem:$0x1F400] =	vst v63  }
0x2c5: {  	p0 =	sne.s32 s25, s10;
	_ =	swait.ge [sflag:s20], $0x6400  }
.Ltmp6:
0x2c6: {  	[sflag:s20] =	ssyncset.done $0x0;
	(pc) =	sbr.rel @p0 .LBB2_1-.Ltmp6, $4  }
0x2c7: {  	[sflag:s20] =	ssyncadd.s32 $0xFFFF9C00  }
0x2c8: {  	_ =	swait.ge [sflag:s22], $0x6400  }
0x2c9: {  	[sflag:s22] =	ssyncset.done $0x0  }
0x2ca: {  	[sflag:s22] =	ssyncadd.s32 $0xFFFF9C00  }
0x2cb: {  	_ =	sfence.sel $0x180000  }
0x2cc: {  	[bflag:$0x0] =	sbarrier.arrive $0xFFFF  }
0x2cd: {  	p0 =	sne.s32 s0, $0x0;
	_ =	strace $0x90000047  }
0x2ce: {  	s0 =	sadd.s32 @!p0 $0x100000, s1;
	[bflag:$0x2] =	sbarrier.arrive $0xFFFF  }
0x2cf: {  	[sflag:s0] =	ssyncadd.tile.s32 @!p0 $0x1;
	_ =	shalt  }
.Lfunc_end2:
_tile_overlayer_lowered:
.L_overlay_start_2:
0x2d0: {  	(tag) =	ssettag $0x2  }
0x2d1: {  	s0 =	rddreg [dreg:$0x0];
	s2 =	stileid.u32  }
0x2d2: {  	s1 =	rddreg [dreg:$0x1];
	p0 =	sne.s32 s2, $0x0  }
0x2d3: {  	s3 =	rddreg [dreg:$0x2];
	[bflag:$0x3] =	sbarrier.arrive $0xFFFF;
	s2 =	simm.s32 @!p0 $0x1C08  }
0x2d4: {  	[timem:s3], [sflag:s2] =	dma.local @!p0 [hbm:s0], s1  }
0x2d5: {  	s0 =	simm.s32 @!p0 $0x8  }
0x2d6: {  	_ =	swait.ge @!p0 [sflag:s0], s1  }
0x2d7: {  	s1 =	ssub.s32 @!p0 $0x0, s1;
	[sflag:s0] =	ssyncset.done @!p0 $0x0  }
0x2d8: {  	[sflag:s0] =	ssyncadd.s32 @!p0 s1  }
0x2d9: {  	[bflag:$0x3] =	sbarrier.arrive $0xFFFF  }
0x2da: {  	_ =	shalt  }

</sc_bundles>
